<compile_context>
chip_gen: v7x
topology: tpu7x:2x2x1
jax: 0.10.2.dev20260603
libtpu: 0.0.44.dev20260713+nightly
codegen_flags: <defaults>
</compile_context>

<pallas_src>
import functools

import jax
import jax.numpy as jnp
from jax import lax
from jax.experimental import pallas as pl
from jax.experimental.pallas import tpu as pltpu
from jax.experimental.pallas import tpu_sc as plsc

N = 10000
D = 128
E = 320000
H = 20
L = 2

HP = 32
NC = 2
NS = 16
NW = NC * NS
CHUNK = 512
NCH = 20
NGRP = NCH // 2
EPW = NCH * CHUNK
EPAD = EPW * NW
NP = 10112
RPT = NP // NS



def _tc_pre_body(x_ref, wr_ref, wo_ref, p_ref, r_ref):
    x = x_ref[...]
    p_ref[...] = jnp.dot(x, wr_ref[...], preferred_element_type=jnp.float32)
    r_ref[...] = jnp.dot(x, wo_ref[...], preferred_element_type=jnp.float32)


def _tc_pre(xp, wr, wo):
    return pl.pallas_call(
        _tc_pre_body,
        out_shape=[
            jax.ShapeDtypeStruct((NP, HP), jnp.float32),
            jax.ShapeDtypeStruct((NP, HP), jnp.float32),
        ],
    )(xp, wr, wo)


def _combine(agg_ref, r_ref, b_ref):
    t = agg_ref[0] + agg_ref[1] + r_ref[...] + b_ref[...]
    rows = lax.broadcasted_iota(jnp.int32, (NP, HP), 0)
    t = jnp.where(rows < N, t, 0.0)
    nrm = jnp.sqrt(jnp.sum(t * t, axis=1, keepdims=True))
    h = t / jnp.maximum(nrm, 1e-12)
    return jnp.maximum(h, 0.0)


def _tc_mid_body(agg_ref, r_ref, b_ref, wr_ref, wo_ref, p_ref, rn_ref):
    h = _combine(agg_ref, r_ref, b_ref)
    p_ref[...] = jnp.dot(h, wr_ref[...], preferred_element_type=jnp.float32)
    rn_ref[...] = jnp.dot(h, wo_ref[...], preferred_element_type=jnp.float32)


def _tc_mid(agg, r, b, wr, wo):
    return pl.pallas_call(
        _tc_mid_body,
        out_shape=[
            jax.ShapeDtypeStruct((NP, HP), jnp.float32),
            jax.ShapeDtypeStruct((NP, HP), jnp.float32),
        ],
    )(agg, r, b, wr, wo)


def _tc_fin_body(agg_ref, r_ref, b_ref, wm_ref, wn_ref, bl_ref, o_ref):
    h = _combine(agg_ref, r_ref, b_ref)
    max_p = jnp.max(h, axis=0, keepdims=True)
    mean_p = jnp.sum(h, axis=0, keepdims=True) * (1.0 / N)
    o_ref[...] = (
        jnp.dot(max_p, wm_ref[...], preferred_element_type=jnp.float32)
        + jnp.dot(mean_p, wn_ref[...], preferred_element_type=jnp.float32)
        + bl_ref[...]
    )


def _tc_fin(agg, r, b, wm, wn, bl):
    return pl.pallas_call(
        _tc_fin_body,
        out_shape=jax.ShapeDtypeStruct((1, L), jnp.float32),
    )(agg, r, b, wm, wn, bl)



def _sc_body(p_hbm, src_hbm, dst_hbm, zeros_hbm, out_hbm,
             idx_s, idx_d, rows_a, rows_b, agg_sh, sem_a, sem_b):
    c = lax.axis_index("c")
    s = lax.axis_index("s")
    w = c * NS + s
    pltpu.sync_copy(zeros_hbm.at[pl.ds(s * RPT, RPT)],
                    agg_sh.at[pl.ds(s * RPT, RPT)])
    pltpu.sync_copy(src_hbm.at[w], idx_s)
    pltpu.sync_copy(dst_hbm.at[w], idx_d)
    plsc.subcore_barrier()

    pltpu.async_copy(p_hbm.at[idx_s.at[0]], rows_a, sem_a)

    def group(g, carry):
        j0 = 2 * g
        pltpu.make_async_copy(p_hbm.at[idx_s.at[j0]], rows_a, sem_a).wait()
        pltpu.async_copy(p_hbm.at[idx_s.at[j0 + 1]], rows_b, sem_b)
        pltpu.sync_copy(rows_a, agg_sh.at[idx_d.at[j0]], add=True)
        pltpu.make_async_copy(p_hbm.at[idx_s.at[j0 + 1]], rows_b, sem_b).wait()

        @pl.when(g + 1 < NGRP)
        def _():
            pltpu.async_copy(p_hbm.at[idx_s.at[j0 + 2]], rows_a, sem_a)

        pltpu.sync_copy(rows_b, agg_sh.at[idx_d.at[j0 + 1]], add=True)
        return carry

    lax.fori_loop(0, NGRP, group, 0)
    plsc.subcore_barrier()
    pltpu.sync_copy(agg_sh.at[pl.ds(s * RPT, RPT)],
                    out_hbm.at[c, pl.ds(s * RPT, RPT)])


_SC_MESH = plsc.VectorSubcoreMesh(
    core_axis_name="c", subcore_axis_name="s", num_cores=NC, num_subcores=NS)

_sc_scatter = pl.kernel(
    _sc_body,
    out_type=jax.ShapeDtypeStruct((NC, NP, HP), jnp.float32),
    mesh=_SC_MESH,
    scratch_types=[
        pltpu.VMEM((NCH, CHUNK), jnp.int32),
        pltpu.VMEM((NCH, CHUNK), jnp.int32),
        pltpu.VMEM((CHUNK, HP), jnp.float32),
        pltpu.VMEM((CHUNK, HP), jnp.float32),
        pltpu.VMEM_SHARED((NP, HP), jnp.float32),
        pltpu.SemaphoreType.DMA,
        pltpu.SemaphoreType.DMA,
    ],
    compiler_params=pltpu.CompilerParams(use_tc_tiling_on_sc=False),
)



def _pad2(w, shape):
    out = jnp.zeros(shape, dtype=jnp.float32)
    return out.at[:w.shape[0], :w.shape[1]].set(w)


def kernel(x, edge_index, W_rel1, b_rel1, W_root1, W_rel2, b_rel2, W_root2,
           W_rel3, b_rel3, W_root3, W_lin, b_lin):
    xp = jnp.zeros((NP, D), jnp.float32).at[:N].set(x)
    pad = jnp.full((EPAD - E,), N, jnp.int32)
    src = jnp.concatenate([edge_index[0], pad]).reshape(NW, NCH, CHUNK)
    dst = jnp.concatenate([edge_index[1], pad]).reshape(NW, NCH, CHUNK)
    zeros = jnp.zeros((NP, HP), jnp.float32)

    wr1 = _pad2(W_rel1, (D, HP))
    wo1 = _pad2(W_root1, (D, HP))
    wr2 = _pad2(W_rel2, (HP, HP))
    wo2 = _pad2(W_root2, (HP, HP))
    wr3 = _pad2(W_rel3, (HP, HP))
    wo3 = _pad2(W_root3, (HP, HP))
    b1 = jnp.zeros((1, HP), jnp.float32).at[0, :H].set(b_rel1)
    b2 = jnp.zeros((1, HP), jnp.float32).at[0, :H].set(b_rel2)
    b3 = jnp.zeros((1, HP), jnp.float32).at[0, :H].set(b_rel3)
    wm = _pad2(W_lin[:H], (HP, L))
    wn = _pad2(W_lin[H:], (HP, L))
    bl = b_lin.reshape(1, L)

    p1, r1 = _tc_pre(xp, wr1, wo1)
    agg1 = _sc_scatter(p1, src, dst, zeros)
    p2, r2 = _tc_mid(agg1, r1, b1, wr2, wo2)
    agg2 = _sc_scatter(p2, src, dst, zeros)
    p3, r3 = _tc_mid(agg2, r2, b2, wr3, wo3)
    agg3 = _sc_scatter(p3, src, dst, zeros)
    return _tc_fin(agg3, r3, b3, wm, wn, bl)

# --- scband reference (transcript-rebuilt; emitter-appended) ---
"""Pipeline reference for scband-graph-gnn-80376017977456 (READ-ONLY COPY).

The authoritative reference and input builder live on the scoring server;
editing this copy changes nothing except your own understanding.
"""

import jax, jax.numpy as jnp
import numpy as np

N, D, E, H, L = 10000, 128, 320000, 20, 2


def _xavier(k, shape):
    a = float(np.sqrt(6.0 / (shape[0] + shape[1])))
    return jax.random.uniform(k, shape, minval=-a, maxval=a, dtype=jnp.float32)


def setup_inputs(seed: int = 0) -> dict:
    key = jax.random.key(seed)
    ks = jax.random.split(key, 10)
    return {
        "x": jax.random.normal(ks[0], (N, D), dtype=jnp.float32),
        "edge_index": jax.random.randint(ks[1], (2, E), 0, N, dtype=jnp.int32),
        "W_rel1": _xavier(ks[2], (D, H)),
        "b_rel1": jnp.zeros((H,), dtype=jnp.float32),
        "W_root1": _xavier(ks[3], (D, H)),
        "W_rel2": _xavier(ks[4], (H, H)),
        "b_rel2": jnp.zeros((H,), dtype=jnp.float32),
        "W_root2": _xavier(ks[5], (H, H)),
        "W_rel3": _xavier(ks[6], (H, H)),
        "b_rel3": jnp.zeros((H,), dtype=jnp.float32),
        "W_root3": _xavier(ks[7], (H, H)),
        "W_lin": _xavier(ks[8], (2 * H, L)),
        "b_lin": jnp.zeros((L,), dtype=jnp.float32),
    }


def _normalize(h):
    n = jnp.linalg.norm(h, axis=1, keepdims=True)
    return h / jnp.maximum(n, 1e-12)


def _graph_conv(h, src, dst, ew, W_rel, b_rel, W_root):
    # PyG GraphConv: out = lin_rel(sum_{j in N(i)} ew_ij * x_j) + lin_root(x_i)
    msg = h[src] * ew[:, None]
    agg = jnp.zeros((h.shape[0], h.shape[1]), dtype=h.dtype).at[dst].add(msg)
    return agg @ W_rel + b_rel + h @ W_root


def reference(x, edge_index, W_rel1, b_rel1, W_root1, W_rel2, b_rel2, W_root2,
              W_rel3, b_rel3, W_root3, W_lin, b_lin):
    src = edge_index[0]
    dst = edge_index[1]
    ew = jnp.ones((edge_index.shape[1],), dtype=jnp.float32)

    emb1 = jax.nn.relu(_normalize(_graph_conv(x, src, dst, ew, W_rel1, b_rel1, W_root1)))
    emb2 = jax.nn.relu(_normalize(_graph_conv(emb1, src, dst, ew, W_rel2, b_rel2, W_root2)))
    emb3 = jax.nn.relu(_normalize(_graph_conv(emb2, src, dst, ew, W_rel3, b_rel3, W_root3)))

    # batch=None -> all nodes belong to graph 0
    maxP = jnp.max(emb3, axis=0, keepdims=True)
    meanP = jnp.mean(emb3, axis=0, keepdims=True)
    out = jnp.concatenate([maxP, meanP], axis=-1) @ W_lin + b_lin
    return out

if __name__ == "__main__":
    import jax
    _d = setup_inputs()
    print(jax.jit(kernel)(*tuple(_d.values())))

</pallas_src>

<mosaic_0001>
#map = affine_map<(d0, d1) -> (0, 0)>
#map1 = affine_map<(d0, d1) -> (0, 0, 0)>
module attributes {stable_mosaic.version = 14 : i64} {
  func.func @_sc_body(%arg0: i32, %arg1: i32, %arg2: memref<10112x32xf32, #tpu.memory_space<hbm>>, %arg3: memref<32x20x512xi32, #tpu.memory_space<hbm>>, %arg4: memref<32x20x512xi32, #tpu.memory_space<hbm>>, %arg5: memref<10112x32xf32, #tpu.memory_space<hbm>>, %arg6: memref<2x10112x32xf32, #tpu.memory_space<hbm>>, %arg7: memref<20x512xi32, #tpu.memory_space<vmem>>, %arg8: memref<20x512xi32, #tpu.memory_space<vmem>>, %arg9: memref<512x32xf32, #tpu.memory_space<vmem>>, %arg10: memref<512x32xf32, #tpu.memory_space<vmem>>, %arg11: memref<10112x32xf32, #tpu.memory_space<vmem_shared>>, %arg12: memref<!tpu.dma_semaphore, #tpu.memory_space<semaphore_mem>>, %arg13: memref<!tpu.dma_semaphore, #tpu.memory_space<semaphore_mem>>) attributes {dimension_semantics = [#tpu.dimension_semantics<core_parallel>, #tpu.dimension_semantics<subcore_parallel>], iteration_bounds = array<i64: 2, 16>, scalar_prefetch = 0 : i64, scratch_operands = 7 : i64, tpu.core_type = #tpu.core_type<sc_vector_subcore>, window_params = [{transform_indices = #map}, {transform_indices = #map1}, {transform_indices = #map1}, {transform_indices = #map}, {transform_indices = #map1}]} {
    %mul3A = arith.constant 16 : i32
    %mul3A_0 = arith.muli %arg0, %mul3A : i32
    %add3A = arith.addi %mul3A_0, %arg1 : i32
    %mul3A_1 = arith.constant 632 : i32
    %mul3A_2 = arith.muli %arg1, %mul3A_1 : i32
    %mul3A_3 = arith.constant 632 : i32
    %mul3A_4 = arith.muli %arg1, %mul3A_3 : i32
    "tpu.region"() ({
      %run_scoped3A = tpu.sem_alloc : memref<!tpu.dma_semaphore, #tpu.memory_space<semaphore_mem>>
      %dma_start3A_21 = arith.constant 0 : i32
      %dma_start3A_22 = tpu.memref_slice %arg11[%mul3A_4, %dma_start3A_21] : memref<10112x32xf32, #tpu.memory_space<vmem_shared>> -> memref<632x32xf32, #tpu.memory_space<vmem_shared>>
      %dma_start3A_23 = arith.constant 0 : i32
      %dma_start3A_24 = tpu.memref_slice %arg5[%mul3A_2, %dma_start3A_23] : memref<10112x32xf32, #tpu.memory_space<hbm>> -> memref<632x32xf32, #tpu.memory_space<hbm>>
      tpu.enqueue_dma source(%dma_start3A_24 : memref<632x32xf32, #tpu.memory_space<hbm>>) target(%dma_start3A_22 : memref<632x32xf32, #tpu.memory_space<vmem_shared>>) target_semaphore(%run_scoped3A : memref<!tpu.dma_semaphore, #tpu.memory_space<semaphore_mem>>)
      %dma_wait3A = arith.constant 0 : i32
      %dma_wait3A_25 = tpu.memref_slice %arg11[%mul3A_4, %dma_wait3A] : memref<10112x32xf32, #tpu.memory_space<vmem_shared>> -> memref<632x32xf32, #tpu.memory_space<vmem_shared>>
      %dma_wait3A_26 = arith.constant 0 : i32
      %dma_wait3A_27 = tpu.memref_slice %arg5[%mul3A_2, %dma_wait3A_26] : memref<10112x32xf32, #tpu.memory_space<hbm>> -> memref<632x32xf32, #tpu.memory_space<hbm>>
      tpu.wait_dma2 semaphore(%run_scoped3A : memref<!tpu.dma_semaphore, #tpu.memory_space<semaphore_mem>>) src(%dma_wait3A_27 : memref<632x32xf32, #tpu.memory_space<hbm>>) dst(%dma_wait3A_25 : memref<632x32xf32, #tpu.memory_space<vmem_shared>>)
      tpu.yield
    }) : () -> ()
    "tpu.region"() ({
      %run_scoped3A = tpu.sem_alloc : memref<!tpu.dma_semaphore, #tpu.memory_space<semaphore_mem>>
      %dma_start3A_21 = arith.constant 0 : i32
      %dma_start3A_22 = arith.constant 0 : i32
      %dma_start3A_23 = tpu.memref_slice %arg3[%add3A, %dma_start3A_21, %dma_start3A_22] : memref<32x20x512xi32, #tpu.memory_space<hbm>> -> memref<1x20x512xi32, #tpu.memory_space<hbm>>
      %dma_start3A_24 = tpu.memref_squeeze %dma_start3A_23 : memref<1x20x512xi32, #tpu.memory_space<hbm>> -> memref<20x512xi32, #tpu.memory_space<hbm>>
      %dma_start3A_25 = arith.constant 0 : i32
      %dma_start3A_26 = arith.constant 0 : i32
      %dma_start3A_27 = tpu.memref_slice %arg3[%add3A, %dma_start3A_25, %dma_start3A_26] : memref<32x20x512xi32, #tpu.memory_space<hbm>> -> memref<1x20x512xi32, #tpu.memory_space<hbm>>
      %dma_start3A_28 = tpu.memref_squeeze %dma_start3A_27 : memref<1x20x512xi32, #tpu.memory_space<hbm>> -> memref<20x512xi32, #tpu.memory_space<hbm>>
      tpu.enqueue_dma source(%dma_start3A_28 : memref<20x512xi32, #tpu.memory_space<hbm>>) target(%arg7 : memref<20x512xi32, #tpu.memory_space<vmem>>) target_semaphore(%run_scoped3A : memref<!tpu.dma_semaphore, #tpu.memory_space<semaphore_mem>>)
      %dma_wait3A = arith.constant 0 : i32
      %dma_wait3A_29 = arith.constant 0 : i32
      %dma_wait3A_30 = tpu.memref_slice %arg3[%add3A, %dma_wait3A, %dma_wait3A_29] : memref<32x20x512xi32, #tpu.memory_space<hbm>> -> memref<1x20x512xi32, #tpu.memory_space<hbm>>
      %dma_wait3A_31 = tpu.memref_squeeze %dma_wait3A_30 : memref<1x20x512xi32, #tpu.memory_space<hbm>> -> memref<20x512xi32, #tpu.memory_space<hbm>>
      %dma_wait3A_32 = arith.constant 0 : i32
      %dma_wait3A_33 = arith.constant 0 : i32
      %dma_wait3A_34 = tpu.memref_slice %arg3[%add3A, %dma_wait3A_32, %dma_wait3A_33] : memref<32x20x512xi32, #tpu.memory_space<hbm>> -> memref<1x20x512xi32, #tpu.memory_space<hbm>>
      %dma_wait3A_35 = tpu.memref_squeeze %dma_wait3A_34 : memref<1x20x512xi32, #tpu.memory_space<hbm>> -> memref<20x512xi32, #tpu.memory_space<hbm>>
      tpu.wait_dma2 semaphore(%run_scoped3A : memref<!tpu.dma_semaphore, #tpu.memory_space<semaphore_mem>>) src(%dma_wait3A_35 : memref<20x512xi32, #tpu.memory_space<hbm>>) dst(%arg7 : memref<20x512xi32, #tpu.memory_space<vmem>>)
      tpu.yield
    }) : () -> ()
    "tpu.region"() ({
      %run_scoped3A = tpu.sem_alloc : memref<!tpu.dma_semaphore, #tpu.memory_space<semaphore_mem>>
      %dma_start3A_21 = arith.constant 0 : i32
      %dma_start3A_22 = arith.constant 0 : i32
      %dma_start3A_23 = tpu.memref_slice %arg4[%add3A, %dma_start3A_21, %dma_start3A_22] : memref<32x20x512xi32, #tpu.memory_space<hbm>> -> memref<1x20x512xi32, #tpu.memory_space<hbm>>
      %dma_start3A_24 = tpu.memref_squeeze %dma_start3A_23 : memref<1x20x512xi32, #tpu.memory_space<hbm>> -> memref<20x512xi32, #tpu.memory_space<hbm>>
      %dma_start3A_25 = arith.constant 0 : i32
      %dma_start3A_26 = arith.constant 0 : i32
      %dma_start3A_27 = tpu.memref_slice %arg4[%add3A, %dma_start3A_25, %dma_start3A_26] : memref<32x20x512xi32, #tpu.memory_space<hbm>> -> memref<1x20x512xi32, #tpu.memory_space<hbm>>
      %dma_start3A_28 = tpu.memref_squeeze %dma_start3A_27 : memref<1x20x512xi32, #tpu.memory_space<hbm>> -> memref<20x512xi32, #tpu.memory_space<hbm>>
      tpu.enqueue_dma source(%dma_start3A_28 : memref<20x512xi32, #tpu.memory_space<hbm>>) target(%arg8 : memref<20x512xi32, #tpu.memory_space<vmem>>) target_semaphore(%run_scoped3A : memref<!tpu.dma_semaphore, #tpu.memory_space<semaphore_mem>>)
      %dma_wait3A = arith.constant 0 : i32
      %dma_wait3A_29 = arith.constant 0 : i32
      %dma_wait3A_30 = tpu.memref_slice %arg4[%add3A, %dma_wait3A, %dma_wait3A_29] : memref<32x20x512xi32, #tpu.memory_space<hbm>> -> memref<1x20x512xi32, #tpu.memory_space<hbm>>
      %dma_wait3A_31 = tpu.memref_squeeze %dma_wait3A_30 : memref<1x20x512xi32, #tpu.memory_space<hbm>> -> memref<20x512xi32, #tpu.memory_space<hbm>>
      %dma_wait3A_32 = arith.constant 0 : i32
      %dma_wait3A_33 = arith.constant 0 : i32
      %dma_wait3A_34 = tpu.memref_slice %arg4[%add3A, %dma_wait3A_32, %dma_wait3A_33] : memref<32x20x512xi32, #tpu.memory_space<hbm>> -> memref<1x20x512xi32, #tpu.memory_space<hbm>>
      %dma_wait3A_35 = tpu.memref_squeeze %dma_wait3A_34 : memref<1x20x512xi32, #tpu.memory_space<hbm>> -> memref<20x512xi32, #tpu.memory_space<hbm>>
      tpu.wait_dma2 semaphore(%run_scoped3A : memref<!tpu.dma_semaphore, #tpu.memory_space<semaphore_mem>>) src(%dma_wait3A_35 : memref<20x512xi32, #tpu.memory_space<hbm>>) dst(%arg8 : memref<20x512xi32, #tpu.memory_space<vmem>>)
      tpu.yield
    }) : () -> ()
    %barrier3A = arith.constant 0 : index
    tpu.barrier barrier_id(%barrier3A)
    %dma_start3A = arith.constant 0 : i32
    %dma_start3A_5 = arith.constant 0 : i32
    %dma_start3A_6 = tpu.memref_slice %arg7[%dma_start3A, %dma_start3A_5] : memref<20x512xi32, #tpu.memory_space<vmem>> -> memref<1x512xi32, #tpu.memory_space<vmem>>
    %dma_start3A_7 = tpu.memref_squeeze %dma_start3A_6 : memref<1x512xi32, #tpu.memory_space<vmem>> -> memref<512xi32, #tpu.memory_space<vmem>>
    %dma_start3A_8 = arith.constant 0 : i32
    %dma_start3A_9 = arith.constant 0 : i32
    %dma_start3A_10 = tpu.memref_slice %arg2[%dma_start3A_8, %dma_start3A_9] : memref<10112x32xf32, #tpu.memory_space<hbm>> -> memref<10112x32xf32, #tpu.memory_space<hbm>>
    tpu.enqueue_indirect_dma source(%dma_start3A_10 : memref<10112x32xf32, #tpu.memory_space<hbm>>) target(%arg9 : memref<512x32xf32, #tpu.memory_space<vmem>>) offsets(%dma_start3A_7 : memref<512xi32, #tpu.memory_space<vmem>>) semaphore(%arg12 : memref<!tpu.dma_semaphore, #tpu.memory_space<semaphore_mem>>)
    %scan3A = arith.constant 0 : i32
    %scan3A_11 = arith.constant 0 : i32
    %scan3A_12 = arith.constant 10 : i32
    %scan3A_13 = arith.addi %scan3A_11, %scan3A_12 : i32
    %scan3A_14 = arith.constant 1 : i32
    scf.for %scan3A_21 = %scan3A_11 to %scan3A_13 step %scan3A_14  : i32 {
      %mul3A_22 = arith.constant 2 : i32
      %mul3A_23 = arith.muli %mul3A_22, %scan3A_21 : i32
      %dma_wait3A = arith.constant 0 : i32
      %dma_wait3A_24 = tpu.memref_slice %arg7[%mul3A_23, %dma_wait3A] : memref<20x512xi32, #tpu.memory_space<vmem>> -> memref<1x512xi32, #tpu.memory_space<vmem>>
      %dma_wait3A_25 = tpu.memref_squeeze %dma_wait3A_24 : memref<1x512xi32, #tpu.memory_space<vmem>> -> memref<512xi32, #tpu.memory_space<vmem>>
      %dma_wait3A_26 = arith.constant 0 : i32
      %dma_wait3A_27 = arith.constant 0 : i32
      %dma_wait3A_28 = tpu.memref_slice %arg2[%dma_wait3A_26, %dma_wait3A_27] : memref<10112x32xf32, #tpu.memory_space<hbm>> -> memref<10112x32xf32, #tpu.memory_space<hbm>>
      tpu.wait_indirect_dma semaphore(%arg12 : memref<!tpu.dma_semaphore, #tpu.memory_space<semaphore_mem>>) src(%dma_wait3A_28 : memref<10112x32xf32, #tpu.memory_space<hbm>>) dst(%arg9 : memref<512x32xf32, #tpu.memory_space<vmem>>)
      %add3A_29 = arith.constant 1 : i32
      %add3A_30 = arith.addi %mul3A_23, %add3A_29 : i32
      %dma_start3A_31 = arith.constant 0 : i32
      %dma_start3A_32 = tpu.memref_slice %arg7[%add3A_30, %dma_start3A_31] : memref<20x512xi32, #tpu.memory_space<vmem>> -> memref<1x512xi32, #tpu.memory_space<vmem>>
      %dma_start3A_33 = tpu.memref_squeeze %dma_start3A_32 : memref<1x512xi32, #tpu.memory_space<vmem>> -> memref<512xi32, #tpu.memory_space<vmem>>
      %dma_start3A_34 = arith.constant 0 : i32
      %dma_start3A_35 = arith.constant 0 : i32
      %dma_start3A_36 = tpu.memref_slice %arg2[%dma_start3A_34, %dma_start3A_35] : memref<10112x32xf32, #tpu.memory_space<hbm>> -> memref<10112x32xf32, #tpu.memory_space<hbm>>
      tpu.enqueue_indirect_dma source(%dma_start3A_36 : memref<10112x32xf32, #tpu.memory_space<hbm>>) target(%arg10 : memref<512x32xf32, #tpu.memory_space<vmem>>) offsets(%dma_start3A_33 : memref<512xi32, #tpu.memory_space<vmem>>) semaphore(%arg13 : memref<!tpu.dma_semaphore, #tpu.memory_space<semaphore_mem>>)
      "tpu.region"() ({
        %run_scoped3A = tpu.sem_alloc : memref<!tpu.dma_semaphore, #tpu.memory_space<semaphore_mem>>
        %dma_start3A_51 = arith.constant 0 : i32
        %dma_start3A_52 = tpu.memref_slice %arg8[%mul3A_23, %dma_start3A_51] : memref<20x512xi32, #tpu.memory_space<vmem>> -> memref<1x512xi32, #tpu.memory_space<vmem>>
        %dma_start3A_53 = tpu.memref_squeeze %dma_start3A_52 : memref<1x512xi32, #tpu.memory_space<vmem>> -> memref<512xi32, #tpu.memory_space<vmem>>
        %dma_start3A_54 = arith.constant 0 : i32
        %dma_start3A_55 = arith.constant 0 : i32
        %dma_start3A_56 = tpu.memref_slice %arg11[%dma_start3A_54, %dma_start3A_55] : memref<10112x32xf32, #tpu.memory_space<vmem_shared>> -> memref<10112x32xf32, #tpu.memory_space<vmem_shared>>
        tpu.enqueue_indirect_dma source(%arg9 : memref<512x32xf32, #tpu.memory_space<vmem>>) target(%dma_start3A_56 : memref<10112x32xf32, #tpu.memory_space<vmem_shared>>) offsets(%dma_start3A_53 : memref<512xi32, #tpu.memory_space<vmem>>) semaphore(%run_scoped3A : memref<!tpu.dma_semaphore, #tpu.memory_space<semaphore_mem>>) {add = true}
        %dma_wait3A_57 = arith.constant 0 : i32
        %dma_wait3A_58 = tpu.memref_slice %arg8[%mul3A_23, %dma_wait3A_57] : memref<20x512xi32, #tpu.memory_space<vmem>> -> memref<1x512xi32, #tpu.memory_space<vmem>>
        %dma_wait3A_59 = tpu.memref_squeeze %dma_wait3A_58 : memref<1x512xi32, #tpu.memory_space<vmem>> -> memref<512xi32, #tpu.memory_space<vmem>>
        %dma_wait3A_60 = arith.constant 0 : i32
        %dma_wait3A_61 = arith.constant 0 : i32
        %dma_wait3A_62 = tpu.memref_slice %arg11[%dma_wait3A_60, %dma_wait3A_61] : memref<10112x32xf32, #tpu.memory_space<vmem_shared>> -> memref<10112x32xf32, #tpu.memory_space<vmem_shared>>
        tpu.wait_indirect_dma semaphore(%run_scoped3A : memref<!tpu.dma_semaphore, #tpu.memory_space<semaphore_mem>>) src(%arg9 : memref<512x32xf32, #tpu.memory_space<vmem>>) dst(%dma_wait3A_62 : memref<10112x32xf32, #tpu.memory_space<vmem_shared>>)
        tpu.yield
      }) : () -> ()
      %add3A_37 = arith.constant 1 : i32
      %add3A_38 = arith.addi %mul3A_23, %add3A_37 : i32
      %dma_wait3A_39 = arith.constant 0 : i32
      %dma_wait3A_40 = tpu.memref_slice %arg7[%add3A_38, %dma_wait3A_39] : memref<20x512xi32, #tpu.memory_space<vmem>> -> memref<1x512xi32, #tpu.memory_space<vmem>>
      %dma_wait3A_41 = tpu.memref_squeeze %dma_wait3A_40 : memref<1x512xi32, #tpu.memory_space<vmem>> -> memref<512xi32, #tpu.memory_space<vmem>>
      %dma_wait3A_42 = arith.constant 0 : i32
      %dma_wait3A_43 = arith.constant 0 : i32
      %dma_wait3A_44 = tpu.memref_slice %arg2[%dma_wait3A_42, %dma_wait3A_43] : memref<10112x32xf32, #tpu.memory_space<hbm>> -> memref<10112x32xf32, #tpu.memory_space<hbm>>
      tpu.wait_indirect_dma semaphore(%arg13 : memref<!tpu.dma_semaphore, #tpu.memory_space<semaphore_mem>>) src(%dma_wait3A_44 : memref<10112x32xf32, #tpu.memory_space<hbm>>) dst(%arg10 : memref<512x32xf32, #tpu.memory_space<vmem>>)
      %add3A_45 = arith.constant 1 : i32
      %add3A_46 = arith.addi %scan3A_21, %add3A_45 : i32
      %lt3A = arith.constant 10 : i32
      %lt3A_47 = arith.cmpi slt, %add3A_46, %lt3A : i32
      %convert_element_type3A = arith.extui %lt3A_47 : i1 to i32
      %cond3A = arith.constant 0 : i32
      %cond3A_48 = arith.cmpi ne, %convert_element_type3A, %cond3A : i32
      scf.if %cond3A_48 {
        %add3A_51 = arith.constant 2 : i32
        %add3A_52 = arith.addi %mul3A_23, %add3A_51 : i32
        %dma_start3A_53 = arith.constant 0 : i32
        %dma_start3A_54 = tpu.memref_slice %arg7[%add3A_52, %dma_start3A_53] : memref<20x512xi32, #tpu.memory_space<vmem>> -> memref<1x512xi32, #tpu.memory_space<vmem>>
        %dma_start3A_55 = tpu.memref_squeeze %dma_start3A_54 : memref<1x512xi32, #tpu.memory_space<vmem>> -> memref<512xi32, #tpu.memory_space<vmem>>
        %dma_start3A_56 = arith.constant 0 : i32
        %dma_start3A_57 = arith.constant 0 : i32
        %dma_start3A_58 = tpu.memref_slice %arg2[%dma_start3A_56, %dma_start3A_57] : memref<10112x32xf32, #tpu.memory_space<hbm>> -> memref<10112x32xf32, #tpu.memory_space<hbm>>
        tpu.enqueue_indirect_dma source(%dma_start3A_58 : memref<10112x32xf32, #tpu.memory_space<hbm>>) target(%arg9 : memref<512x32xf32, #tpu.memory_space<vmem>>) offsets(%dma_start3A_55 : memref<512xi32, #tpu.memory_space<vmem>>) semaphore(%arg12 : memref<!tpu.dma_semaphore, #tpu.memory_space<semaphore_mem>>)
      } else {
      }
      %add3A_49 = arith.constant 1 : i32
      %add3A_50 = arith.addi %mul3A_23, %add3A_49 : i32
      "tpu.region"() ({
        %run_scoped3A = tpu.sem_alloc : memref<!tpu.dma_semaphore, #tpu.memory_space<semaphore_mem>>
        %dma_start3A_51 = arith.constant 0 : i32
        %dma_start3A_52 = tpu.memref_slice %arg8[%add3A_50, %dma_start3A_51] : memref<20x512xi32, #tpu.memory_space<vmem>> -> memref<1x512xi32, #tpu.memory_space<vmem>>
        %dma_start3A_53 = tpu.memref_squeeze %dma_start3A_52 : memref<1x512xi32, #tpu.memory_space<vmem>> -> memref<512xi32, #tpu.memory_space<vmem>>
        %dma_start3A_54 = arith.constant 0 : i32
        %dma_start3A_55 = arith.constant 0 : i32
        %dma_start3A_56 = tpu.memref_slice %arg11[%dma_start3A_54, %dma_start3A_55] : memref<10112x32xf32, #tpu.memory_space<vmem_shared>> -> memref<10112x32xf32, #tpu.memory_space<vmem_shared>>
        tpu.enqueue_indirect_dma source(%arg10 : memref<512x32xf32, #tpu.memory_space<vmem>>) target(%dma_start3A_56 : memref<10112x32xf32, #tpu.memory_space<vmem_shared>>) offsets(%dma_start3A_53 : memref<512xi32, #tpu.memory_space<vmem>>) semaphore(%run_scoped3A : memref<!tpu.dma_semaphore, #tpu.memory_space<semaphore_mem>>) {add = true}
        %dma_wait3A_57 = arith.constant 0 : i32
        %dma_wait3A_58 = tpu.memref_slice %arg8[%add3A_50, %dma_wait3A_57] : memref<20x512xi32, #tpu.memory_space<vmem>> -> memref<1x512xi32, #tpu.memory_space<vmem>>
        %dma_wait3A_59 = tpu.memref_squeeze %dma_wait3A_58 : memref<1x512xi32, #tpu.memory_space<vmem>> -> memref<512xi32, #tpu.memory_space<vmem>>
        %dma_wait3A_60 = arith.constant 0 : i32
        %dma_wait3A_61 = arith.constant 0 : i32
        %dma_wait3A_62 = tpu.memref_slice %arg11[%dma_wait3A_60, %dma_wait3A_61] : memref<10112x32xf32, #tpu.memory_space<vmem_shared>> -> memref<10112x32xf32, #tpu.memory_space<vmem_shared>>
        tpu.wait_indirect_dma semaphore(%run_scoped3A : memref<!tpu.dma_semaphore, #tpu.memory_space<semaphore_mem>>) src(%arg10 : memref<512x32xf32, #tpu.memory_space<vmem>>) dst(%dma_wait3A_62 : memref<10112x32xf32, #tpu.memory_space<vmem_shared>>)
        tpu.yield
      }) : () -> ()
    }
    %scan3A_15 = arith.constant 10 : i32
    %barrier3A_16 = arith.constant 0 : index
    tpu.barrier barrier_id(%barrier3A_16)
    %mul3A_17 = arith.constant 632 : i32
    %mul3A_18 = arith.muli %arg1, %mul3A_17 : i32
    %mul3A_19 = arith.constant 632 : i32
    %mul3A_20 = arith.muli %arg1, %mul3A_19 : i32
    "tpu.region"() ({
      %run_scoped3A = tpu.sem_alloc : memref<!tpu.dma_semaphore, #tpu.memory_space<semaphore_mem>>
      %dma_start3A_21 = arith.constant 0 : i32
      %dma_start3A_22 = tpu.memref_slice %arg6[%arg0, %mul3A_20, %dma_start3A_21] : memref<2x10112x32xf32, #tpu.memory_space<hbm>> -> memref<1x632x32xf32, #tpu.memory_space<hbm>>
      %dma_start3A_23 = tpu.memref_squeeze %dma_start3A_22 : memref<1x632x32xf32, #tpu.memory_space<hbm>> -> memref<632x32xf32, #tpu.memory_space<hbm>>
      %dma_start3A_24 = arith.constant 0 : i32
      %dma_start3A_25 = tpu.memref_slice %arg11[%mul3A_18, %dma_start3A_24] : memref<10112x32xf32, #tpu.memory_space<vmem_shared>> -> memref<632x32xf32, #tpu.memory_space<vmem_shared>>
      tpu.enqueue_dma source(%dma_start3A_25 : memref<632x32xf32, #tpu.memory_space<vmem_shared>>) target(%dma_start3A_23 : memref<632x32xf32, #tpu.memory_space<hbm>>) target_semaphore(%run_scoped3A : memref<!tpu.dma_semaphore, #tpu.memory_space<semaphore_mem>>)
      %dma_wait3A = arith.constant 0 : i32
      %dma_wait3A_26 = tpu.memref_slice %arg6[%arg0, %mul3A_20, %dma_wait3A] : memref<2x10112x32xf32, #tpu.memory_space<hbm>> -> memref<1x632x32xf32, #tpu.memory_space<hbm>>
      %dma_wait3A_27 = tpu.memref_squeeze %dma_wait3A_26 : memref<1x632x32xf32, #tpu.memory_space<hbm>> -> memref<632x32xf32, #tpu.memory_space<hbm>>
      %dma_wait3A_28 = arith.constant 0 : i32
      %dma_wait3A_29 = tpu.memref_slice %arg11[%mul3A_18, %dma_wait3A_28] : memref<10112x32xf32, #tpu.memory_space<vmem_shared>> -> memref<632x32xf32, #tpu.memory_space<vmem_shared>>
      tpu.wait_dma2 semaphore(%run_scoped3A : memref<!tpu.dma_semaphore, #tpu.memory_space<semaphore_mem>>) src(%dma_wait3A_29 : memref<632x32xf32, #tpu.memory_space<vmem_shared>>) dst(%dma_wait3A_27 : memref<632x32xf32, #tpu.memory_space<hbm>>)
      tpu.yield
    }) : () -> ()
    return
  }
}

#map = affine_map<(d0, d1) -> (0, 0)>
#map1 = affine_map<(d0, d1) -> (0, 0, 0)>
module attributes {stable_mosaic.version = 14 : i64} {
  func.func @_sc_body(%arg0: i32, %arg1: i32, %arg2: memref<10112x32xf32, #tpu.memory_space<hbm>>, %arg3: memref<32x20x512xi32, #tpu.memory_space<hbm>>, %arg4: memref<32x20x512xi32, #tpu.memory_space<hbm>>, %arg5: memref<10112x32xf32, #tpu.memory_space<hbm>>, %arg6: memref<2x10112x32xf32, #tpu.memory_space<hbm>>, %arg7: memref<20x512xi32, #tpu.memory_space<vmem>>, %arg8: memref<20x512xi32, #tpu.memory_space<vmem>>, %arg9: memref<512x32xf32, #tpu.memory_space<vmem>>, %arg10: memref<512x32xf32, #tpu.memory_space<vmem>>, %arg11: memref<10112x32xf32, #tpu.memory_space<vmem_shared>>, %arg12: memref<!tpu.dma_semaphore, #tpu.memory_space<semaphore_mem>>, %arg13: memref<!tpu.dma_semaphore, #tpu.memory_space<semaphore_mem>>) attributes {dimension_semantics = [#tpu.dimension_semantics<core_parallel>, #tpu.dimension_semantics<subcore_parallel>], iteration_bounds = array<i64: 2, 16>, scalar_prefetch = 0 : i64, scratch_operands = 7 : i64, tpu.core_type = #tpu.core_type<sc_vector_subcore>, window_params = [{transform_indices = #map}, {transform_indices = #map1}, {transform_indices = #map1}, {transform_indices = #map}, {transform_indices = #map1}]} {
    %mul3A = arith.constant 16 : i32
    %mul3A_0 = arith.muli %arg0, %mul3A : i32
    %add3A = arith.addi %mul3A_0, %arg1 : i32
    %mul3A_1 = arith.constant 632 : i32
    %mul3A_2 = arith.muli %arg1, %mul3A_1 : i32
    %mul3A_3 = arith.constant 632 : i32
    %mul3A_4 = arith.muli %arg1, %mul3A_3 : i32
    "tpu.region"() ({
      %run_scoped3A = tpu.sem_alloc : memref<!tpu.dma_semaphore, #tpu.memory_space<semaphore_mem>>
      %dma_start3A_21 = arith.constant 0 : i32
      %dma_start3A_22 = tpu.memref_slice %arg11[%mul3A_4, %dma_start3A_21] : memref<10112x32xf32, #tpu.memory_space<vmem_shared>> -> memref<632x32xf32, #tpu.memory_space<vmem_shared>>
      %dma_start3A_23 = arith.constant 0 : i32
      %dma_start3A_24 = tpu.memref_slice %arg5[%mul3A_2, %dma_start3A_23] : memref<10112x32xf32, #tpu.memory_space<hbm>> -> memref<632x32xf32, #tpu.memory_space<hbm>>
      tpu.enqueue_dma source(%dma_start3A_24 : memref<632x32xf32, #tpu.memory_space<hbm>>) target(%dma_start3A_22 : memref<632x32xf32, #tpu.memory_space<vmem_shared>>) target_semaphore(%run_scoped3A : memref<!tpu.dma_semaphore, #tpu.memory_space<semaphore_mem>>)
      %dma_wait3A = arith.constant 0 : i32
      %dma_wait3A_25 = tpu.memref_slice %arg11[%mul3A_4, %dma_wait3A] : memref<10112x32xf32, #tpu.memory_space<vmem_shared>> -> memref<632x32xf32, #tpu.memory_space<vmem_shared>>
      %dma_wait3A_26 = arith.constant 0 : i32
      %dma_wait3A_27 = tpu.memref_slice %arg5[%mul3A_2, %dma_wait3A_26] : memref<10112x32xf32, #tpu.memory_space<hbm>> -> memref<632x32xf32, #tpu.memory_space<hbm>>
      tpu.wait_dma2 semaphore(%run_scoped3A : memref<!tpu.dma_semaphore, #tpu.memory_space<semaphore_mem>>) src(%dma_wait3A_27 : memref<632x32xf32, #tpu.memory_space<hbm>>) dst(%dma_wait3A_25 : memref<632x32xf32, #tpu.memory_space<vmem_shared>>)
      tpu.yield
    }) : () -> ()
    "tpu.region"() ({
      %run_scoped3A = tpu.sem_alloc : memref<!tpu.dma_semaphore, #tpu.memory_space<semaphore_mem>>
      %dma_start3A_21 = arith.constant 0 : i32
      %dma_start3A_22 = arith.constant 0 : i32
      %dma_start3A_23 = tpu.memref_slice %arg3[%add3A, %dma_start3A_21, %dma_start3A_22] : memref<32x20x512xi32, #tpu.memory_space<hbm>> -> memref<1x20x512xi32, #tpu.memory_space<hbm>>
      %dma_start3A_24 = tpu.memref_squeeze %dma_start3A_23 : memref<1x20x512xi32, #tpu.memory_space<hbm>> -> memref<20x512xi32, #tpu.memory_space<hbm>>
      %dma_start3A_25 = arith.constant 0 : i32
      %dma_start3A_26 = arith.constant 0 : i32
      %dma_start3A_27 = tpu.memref_slice %arg3[%add3A, %dma_start3A_25, %dma_start3A_26] : memref<32x20x512xi32, #tpu.memory_space<hbm>> -> memref<1x20x512xi32, #tpu.memory_space<hbm>>
      %dma_start3A_28 = tpu.memref_squeeze %dma_start3A_27 : memref<1x20x512xi32, #tpu.memory_space<hbm>> -> memref<20x512xi32, #tpu.memory_space<hbm>>
      tpu.enqueue_dma source(%dma_start3A_28 : memref<20x512xi32, #tpu.memory_space<hbm>>) target(%arg7 : memref<20x512xi32, #tpu.memory_space<vmem>>) target_semaphore(%run_scoped3A : memref<!tpu.dma_semaphore, #tpu.memory_space<semaphore_mem>>)
      %dma_wait3A = arith.constant 0 : i32
      %dma_wait3A_29 = arith.constant 0 : i32
      %dma_wait3A_30 = tpu.memref_slice %arg3[%add3A, %dma_wait3A, %dma_wait3A_29] : memref<32x20x512xi32, #tpu.memory_space<hbm>> -> memref<1x20x512xi32, #tpu.memory_space<hbm>>
      %dma_wait3A_31 = tpu.memref_squeeze %dma_wait3A_30 : memref<1x20x512xi32, #tpu.memory_space<hbm>> -> memref<20x512xi32, #tpu.memory_space<hbm>>
      %dma_wait3A_32 = arith.constant 0 : i32
      %dma_wait3A_33 = arith.constant 0 : i32
      %dma_wait3A_34 = tpu.memref_slice %arg3[%add3A, %dma_wait3A_32, %dma_wait3A_33] : memref<32x20x512xi32, #tpu.memory_space<hbm>> -> memref<1x20x512xi32, #tpu.memory_space<hbm>>
      %dma_wait3A_35 = tpu.memref_squeeze %dma_wait3A_34 : memref<1x20x512xi32, #tpu.memory_space<hbm>> -> memref<20x512xi32, #tpu.memory_space<hbm>>
      tpu.wait_dma2 semaphore(%run_scoped3A : memref<!tpu.dma_semaphore, #tpu.memory_space<semaphore_mem>>) src(%dma_wait3A_35 : memref<20x512xi32, #tpu.memory_space<hbm>>) dst(%arg7 : memref<20x512xi32, #tpu.memory_space<vmem>>)
      tpu.yield
    }) : () -> ()
    "tpu.region"() ({
      %run_scoped3A = tpu.sem_alloc : memref<!tpu.dma_semaphore, #tpu.memory_space<semaphore_mem>>
      %dma_start3A_21 = arith.constant 0 : i32
      %dma_start3A_22 = arith.constant 0 : i32
      %dma_start3A_23 = tpu.memref_slice %arg4[%add3A, %dma_start3A_21, %dma_start3A_22] : memref<32x20x512xi32, #tpu.memory_space<hbm>> -> memref<1x20x512xi32, #tpu.memory_space<hbm>>
      %dma_start3A_24 = tpu.memref_squeeze %dma_start3A_23 : memref<1x20x512xi32, #tpu.memory_space<hbm>> -> memref<20x512xi32, #tpu.memory_space<hbm>>
      %dma_start3A_25 = arith.constant 0 : i32
      %dma_start3A_26 = arith.constant 0 : i32
      %dma_start3A_27 = tpu.memref_slice %arg4[%add3A, %dma_start3A_25, %dma_start3A_26] : memref<32x20x512xi32, #tpu.memory_space<hbm>> -> memref<1x20x512xi32, #tpu.memory_space<hbm>>
      %dma_start3A_28 = tpu.memref_squeeze %dma_start3A_27 : memref<1x20x512xi32, #tpu.memory_space<hbm>> -> memref<20x512xi32, #tpu.memory_space<hbm>>
      tpu.enqueue_dma source(%dma_start3A_28 : memref<20x512xi32, #tpu.memory_space<hbm>>) target(%arg8 : memref<20x512xi32, #tpu.memory_space<vmem>>) target_semaphore(%run_scoped3A : memref<!tpu.dma_semaphore, #tpu.memory_space<semaphore_mem>>)
      %dma_wait3A = arith.constant 0 : i32
      %dma_wait3A_29 = arith.constant 0 : i32
      %dma_wait3A_30 = tpu.memref_slice %arg4[%add3A, %dma_wait3A, %dma_wait3A_29] : memref<32x20x512xi32, #tpu.memory_space<hbm>> -> memref<1x20x512xi32, #tpu.memory_space<hbm>>
      %dma_wait3A_31 = tpu.memref_squeeze %dma_wait3A_30 : memref<1x20x512xi32, #tpu.memory_space<hbm>> -> memref<20x512xi32, #tpu.memory_space<hbm>>
      %dma_wait3A_32 = arith.constant 0 : i32
      %dma_wait3A_33 = arith.constant 0 : i32
      %dma_wait3A_34 = tpu.memref_slice %arg4[%add3A, %dma_wait3A_32, %dma_wait3A_33] : memref<32x20x512xi32, #tpu.memory_space<hbm>> -> memref<1x20x512xi32, #tpu.memory_space<hbm>>
      %dma_wait3A_35 = tpu.memref_squeeze %dma_wait3A_34 : memref<1x20x512xi32, #tpu.memory_space<hbm>> -> memref<20x512xi32, #tpu.memory_space<hbm>>
      tpu.wait_dma2 semaphore(%run_scoped3A : memref<!tpu.dma_semaphore, #tpu.memory_space<semaphore_mem>>) src(%dma_wait3A_35 : memref<20x512xi32, #tpu.memory_space<hbm>>) dst(%arg8 : memref<20x512xi32, #tpu.memory_space<vmem>>)
      tpu.yield
    }) : () -> ()
    %barrier3A = arith.constant 0 : index
    tpu.barrier barrier_id(%barrier3A)
    %dma_start3A = arith.constant 0 : i32
    %dma_start3A_5 = arith.constant 0 : i32
    %dma_start3A_6 = tpu.memref_slice %arg7[%dma_start3A, %dma_start3A_5] : memref<20x512xi32, #tpu.memory_space<vmem>> -> memref<1x512xi32, #tpu.memory_space<vmem>>
    %dma_start3A_7 = tpu.memref_squeeze %dma_start3A_6 : memref<1x512xi32, #tpu.memory_space<vmem>> -> memref<512xi32, #tpu.memory_space<vmem>>
    %dma_start3A_8 = arith.constant 0 : i32
    %dma_start3A_9 = arith.constant 0 : i32
    %dma_start3A_10 = tpu.memref_slice %arg2[%dma_start3A_8, %dma_start3A_9] : memref<10112x32xf32, #tpu.memory_space<hbm>> -> memref<10112x32xf32, #tpu.memory_space<hbm>>
    tpu.enqueue_indirect_dma source(%dma_start3A_10 : memref<10112x32xf32, #tpu.memory_space<hbm>>) target(%arg9 : memref<512x32xf32, #tpu.memory_space<vmem>>) offsets(%dma_start3A_7 : memref<512xi32, #tpu.memory_space<vmem>>) semaphore(%arg12 : memref<!tpu.dma_semaphore, #tpu.memory_space<semaphore_mem>>)
    %scan3A = arith.constant 0 : i32
    %scan3A_11 = arith.constant 0 : i32
    %scan3A_12 = arith.constant 10 : i32
    %scan3A_13 = arith.addi %scan3A_11, %scan3A_12 : i32
    %scan3A_14 = arith.constant 1 : i32
    scf.for %scan3A_21 = %scan3A_11 to %scan3A_13 step %scan3A_14  : i32 {
      %mul3A_22 = arith.constant 2 : i32
      %mul3A_23 = arith.muli %mul3A_22, %scan3A_21 : i32
      %dma_wait3A = arith.constant 0 : i32
      %dma_wait3A_24 = tpu.memref_slice %arg7[%mul3A_23, %dma_wait3A] : memref<20x512xi32, #tpu.memory_space<vmem>> -> memref<1x512xi32, #tpu.memory_space<vmem>>
      %dma_wait3A_25 = tpu.memref_squeeze %dma_wait3A_24 : memref<1x512xi32, #tpu.memory_space<vmem>> -> memref<512xi32, #tpu.memory_space<vmem>>
      %dma_wait3A_26 = arith.constant 0 : i32
      %dma_wait3A_27 = arith.constant 0 : i32
      %dma_wait3A_28 = tpu.memref_slice %arg2[%dma_wait3A_26, %dma_wait3A_27] : memref<10112x32xf32, #tpu.memory_space<hbm>> -> memref<10112x32xf32, #tpu.memory_space<hbm>>
      tpu.wait_indirect_dma semaphore(%arg12 : memref<!tpu.dma_semaphore, #tpu.memory_space<semaphore_mem>>) src(%dma_wait3A_28 : memref<10112x32xf32, #tpu.memory_space<hbm>>) dst(%arg9 : memref<512x32xf32, #tpu.memory_space<vmem>>)
      %add3A_29 = arith.constant 1 : i32
      %add3A_30 = arith.addi %mul3A_23, %add3A_29 : i32
      %dma_start3A_31 = arith.constant 0 : i32
      %dma_start3A_32 = tpu.memref_slice %arg7[%add3A_30, %dma_start3A_31] : memref<20x512xi32, #tpu.memory_space<vmem>> -> memref<1x512xi32, #tpu.memory_space<vmem>>
      %dma_start3A_33 = tpu.memref_squeeze %dma_start3A_32 : memref<1x512xi32, #tpu.memory_space<vmem>> -> memref<512xi32, #tpu.memory_space<vmem>>
      %dma_start3A_34 = arith.constant 0 : i32
      %dma_start3A_35 = arith.constant 0 : i32
      %dma_start3A_36 = tpu.memref_slice %arg2[%dma_start3A_34, %dma_start3A_35] : memref<10112x32xf32, #tpu.memory_space<hbm>> -> memref<10112x32xf32, #tpu.memory_space<hbm>>
      tpu.enqueue_indirect_dma source(%dma_start3A_36 : memref<10112x32xf32, #tpu.memory_space<hbm>>) target(%arg10 : memref<512x32xf32, #tpu.memory_space<vmem>>) offsets(%dma_start3A_33 : memref<512xi32, #tpu.memory_space<vmem>>) semaphore(%arg13 : memref<!tpu.dma_semaphore, #tpu.memory_space<semaphore_mem>>)
      "tpu.region"() ({
        %run_scoped3A = tpu.sem_alloc : memref<!tpu.dma_semaphore, #tpu.memory_space<semaphore_mem>>
        %dma_start3A_51 = arith.constant 0 : i32
        %dma_start3A_52 = tpu.memref_slice %arg8[%mul3A_23, %dma_start3A_51] : memref<20x512xi32, #tpu.memory_space<vmem>> -> memref<1x512xi32, #tpu.memory_space<vmem>>
        %dma_start3A_53 = tpu.memref_squeeze %dma_start3A_52 : memref<1x512xi32, #tpu.memory_space<vmem>> -> memref<512xi32, #tpu.memory_space<vmem>>
        %dma_start3A_54 = arith.constant 0 : i32
        %dma_start3A_55 = arith.constant 0 : i32
        %dma_start3A_56 = tpu.memref_slice %arg11[%dma_start3A_54, %dma_start3A_55] : memref<10112x32xf32, #tpu.memory_space<vmem_shared>> -> memref<10112x32xf32, #tpu.memory_space<vmem_shared>>
        tpu.enqueue_indirect_dma source(%arg9 : memref<512x32xf32, #tpu.memory_space<vmem>>) target(%dma_start3A_56 : memref<10112x32xf32, #tpu.memory_space<vmem_shared>>) offsets(%dma_start3A_53 : memref<512xi32, #tpu.memory_space<vmem>>) semaphore(%run_scoped3A : memref<!tpu.dma_semaphore, #tpu.memory_space<semaphore_mem>>) {add = true}
        %dma_wait3A_57 = arith.constant 0 : i32
        %dma_wait3A_58 = tpu.memref_slice %arg8[%mul3A_23, %dma_wait3A_57] : memref<20x512xi32, #tpu.memory_space<vmem>> -> memref<1x512xi32, #tpu.memory_space<vmem>>
        %dma_wait3A_59 = tpu.memref_squeeze %dma_wait3A_58 : memref<1x512xi32, #tpu.memory_space<vmem>> -> memref<512xi32, #tpu.memory_space<vmem>>
        %dma_wait3A_60 = arith.constant 0 : i32
        %dma_wait3A_61 = arith.constant 0 : i32
        %dma_wait3A_62 = tpu.memref_slice %arg11[%dma_wait3A_60, %dma_wait3A_61] : memref<10112x32xf32, #tpu.memory_space<vmem_shared>> -> memref<10112x32xf32, #tpu.memory_space<vmem_shared>>
        tpu.wait_indirect_dma semaphore(%run_scoped3A : memref<!tpu.dma_semaphore, #tpu.memory_space<semaphore_mem>>) src(%arg9 : memref<512x32xf32, #tpu.memory_space<vmem>>) dst(%dma_wait3A_62 : memref<10112x32xf32, #tpu.memory_space<vmem_shared>>)
        tpu.yield
      }) : () -> ()
      %add3A_37 = arith.constant 1 : i32
      %add3A_38 = arith.addi %mul3A_23, %add3A_37 : i32
      %dma_wait3A_39 = arith.constant 0 : i32
      %dma_wait3A_40 = tpu.memref_slice %arg7[%add3A_38, %dma_wait3A_39] : memref<20x512xi32, #tpu.memory_space<vmem>> -> memref<1x512xi32, #tpu.memory_space<vmem>>
      %dma_wait3A_41 = tpu.memref_squeeze %dma_wait3A_40 : memref<1x512xi32, #tpu.memory_space<vmem>> -> memref<512xi32, #tpu.memory_space<vmem>>
      %dma_wait3A_42 = arith.constant 0 : i32
      %dma_wait3A_43 = arith.constant 0 : i32
      %dma_wait3A_44 = tpu.memref_slice %arg2[%dma_wait3A_42, %dma_wait3A_43] : memref<10112x32xf32, #tpu.memory_space<hbm>> -> memref<10112x32xf32, #tpu.memory_space<hbm>>
      tpu.wait_indirect_dma semaphore(%arg13 : memref<!tpu.dma_semaphore, #tpu.memory_space<semaphore_mem>>) src(%dma_wait3A_44 : memref<10112x32xf32, #tpu.memory_space<hbm>>) dst(%arg10 : memref<512x32xf32, #tpu.memory_space<vmem>>)
      %add3A_45 = arith.constant 1 : i32
      %add3A_46 = arith.addi %scan3A_21, %add3A_45 : i32
      %lt3A = arith.constant 10 : i32
      %lt3A_47 = arith.cmpi slt, %add3A_46, %lt3A : i32
      %convert_element_type3A = arith.extui %lt3A_47 : i1 to i32
      %cond3A = arith.constant 0 : i32
      %cond3A_48 = arith.cmpi ne, %convert_element_type3A, %cond3A : i32
      scf.if %cond3A_48 {
        %add3A_51 = arith.constant 2 : i32
        %add3A_52 = arith.addi %mul3A_23, %add3A_51 : i32
        %dma_start3A_53 = arith.constant 0 : i32
        %dma_start3A_54 = tpu.memref_slice %arg7[%add3A_52, %dma_start3A_53] : memref<20x512xi32, #tpu.memory_space<vmem>> -> memref<1x512xi32, #tpu.memory_space<vmem>>
        %dma_start3A_55 = tpu.memref_squeeze %dma_start3A_54 : memref<1x512xi32, #tpu.memory_space<vmem>> -> memref<512xi32, #tpu.memory_space<vmem>>
        %dma_start3A_56 = arith.constant 0 : i32
        %dma_start3A_57 = arith.constant 0 : i32
        %dma_start3A_58 = tpu.memref_slice %arg2[%dma_start3A_56, %dma_start3A_57] : memref<10112x32xf32, #tpu.memory_space<hbm>> -> memref<10112x32xf32, #tpu.memory_space<hbm>>
        tpu.enqueue_indirect_dma source(%dma_start3A_58 : memref<10112x32xf32, #tpu.memory_space<hbm>>) target(%arg9 : memref<512x32xf32, #tpu.memory_space<vmem>>) offsets(%dma_start3A_55 : memref<512xi32, #tpu.memory_space<vmem>>) semaphore(%arg12 : memref<!tpu.dma_semaphore, #tpu.memory_space<semaphore_mem>>)
      } else {
      }
      %add3A_49 = arith.constant 1 : i32
      %add3A_50 = arith.addi %mul3A_23, %add3A_49 : i32
      "tpu.region"() ({
        %run_scoped3A = tpu.sem_alloc : memref<!tpu.dma_semaphore, #tpu.memory_space<semaphore_mem>>
        %dma_start3A_51 = arith.constant 0 : i32
        %dma_start3A_52 = tpu.memref_slice %arg8[%add3A_50, %dma_start3A_51] : memref<20x512xi32, #tpu.memory_space<vmem>> -> memref<1x512xi32, #tpu.memory_space<vmem>>
        %dma_start3A_53 = tpu.memref_squeeze %dma_start3A_52 : memref<1x512xi32, #tpu.memory_space<vmem>> -> memref<512xi32, #tpu.memory_space<vmem>>
        %dma_start3A_54 = arith.constant 0 : i32
        %dma_start3A_55 = arith.constant 0 : i32
        %dma_start3A_56 = tpu.memref_slice %arg11[%dma_start3A_54, %dma_start3A_55] : memref<10112x32xf32, #tpu.memory_space<vmem_shared>> -> memref<10112x32xf32, #tpu.memory_space<vmem_shared>>
        tpu.enqueue_indirect_dma source(%arg10 : memref<512x32xf32, #tpu.memory_space<vmem>>) target(%dma_start3A_56 : memref<10112x32xf32, #tpu.memory_space<vmem_shared>>) offsets(%dma_start3A_53 : memref<512xi32, #tpu.memory_space<vmem>>) semaphore(%run_scoped3A : memref<!tpu.dma_semaphore, #tpu.memory_space<semaphore_mem>>) {add = true}
        %dma_wait3A_57 = arith.constant 0 : i32
        %dma_wait3A_58 = tpu.memref_slice %arg8[%add3A_50, %dma_wait3A_57] : memref<20x512xi32, #tpu.memory_space<vmem>> -> memref<1x512xi32, #tpu.memory_space<vmem>>
        %dma_wait3A_59 = tpu.memref_squeeze %dma_wait3A_58 : memref<1x512xi32, #tpu.memory_space<vmem>> -> memref<512xi32, #tpu.memory_space<vmem>>
        %dma_wait3A_60 = arith.constant 0 : i32
        %dma_wait3A_61 = arith.constant 0 : i32
        %dma_wait3A_62 = tpu.memref_slice %arg11[%dma_wait3A_60, %dma_wait3A_61] : memref<10112x32xf32, #tpu.memory_space<vmem_shared>> -> memref<10112x32xf32, #tpu.memory_space<vmem_shared>>
        tpu.wait_indirect_dma semaphore(%run_scoped3A : memref<!tpu.dma_semaphore, #tpu.memory_space<semaphore_mem>>) src(%arg10 : memref<512x32xf32, #tpu.memory_space<vmem>>) dst(%dma_wait3A_62 : memref<10112x32xf32, #tpu.memory_space<vmem_shared>>)
        tpu.yield
      }) : () -> ()
    }
    %scan3A_15 = arith.constant 10 : i32
    %barrier3A_16 = arith.constant 0 : index
    tpu.barrier barrier_id(%barrier3A_16)
    %mul3A_17 = arith.constant 632 : i32
    %mul3A_18 = arith.muli %arg1, %mul3A_17 : i32
    %mul3A_19 = arith.constant 632 : i32
    %mul3A_20 = arith.muli %arg1, %mul3A_19 : i32
    "tpu.region"() ({
      %run_scoped3A = tpu.sem_alloc : memref<!tpu.dma_semaphore, #tpu.memory_space<semaphore_mem>>
      %dma_start3A_21 = arith.constant 0 : i32
      %dma_start3A_22 = tpu.memref_slice %arg6[%arg0, %mul3A_20, %dma_start3A_21] : memref<2x10112x32xf32, #tpu.memory_space<hbm>> -> memref<1x632x32xf32, #tpu.memory_space<hbm>>
      %dma_start3A_23 = tpu.memref_squeeze %dma_start3A_22 : memref<1x632x32xf32, #tpu.memory_space<hbm>> -> memref<632x32xf32, #tpu.memory_space<hbm>>
      %dma_start3A_24 = arith.constant 0 : i32
      %dma_start3A_25 = tpu.memref_slice %arg11[%mul3A_18, %dma_start3A_24] : memref<10112x32xf32, #tpu.memory_space<vmem_shared>> -> memref<632x32xf32, #tpu.memory_space<vmem_shared>>
      tpu.enqueue_dma source(%dma_start3A_25 : memref<632x32xf32, #tpu.memory_space<vmem_shared>>) target(%dma_start3A_23 : memref<632x32xf32, #tpu.memory_space<hbm>>) target_semaphore(%run_scoped3A : memref<!tpu.dma_semaphore, #tpu.memory_space<semaphore_mem>>)
      %dma_wait3A = arith.constant 0 : i32
      %dma_wait3A_26 = tpu.memref_slice %arg6[%arg0, %mul3A_20, %dma_wait3A] : memref<2x10112x32xf32, #tpu.memory_space<hbm>> -> memref<1x632x32xf32, #tpu.memory_space<hbm>>
      %dma_wait3A_27 = tpu.memref_squeeze %dma_wait3A_26 : memref<1x632x32xf32, #tpu.memory_space<hbm>> -> memref<632x32xf32, #tpu.memory_space<hbm>>
      %dma_wait3A_28 = arith.constant 0 : i32
      %dma_wait3A_29 = tpu.memref_slice %arg11[%mul3A_18, %dma_wait3A_28] : memref<10112x32xf32, #tpu.memory_space<vmem_shared>> -> memref<632x32xf32, #tpu.memory_space<vmem_shared>>
      tpu.wait_dma2 semaphore(%run_scoped3A : memref<!tpu.dma_semaphore, #tpu.memory_space<semaphore_mem>>) src(%dma_wait3A_29 : memref<632x32xf32, #tpu.memory_space<vmem_shared>>) dst(%dma_wait3A_27 : memref<632x32xf32, #tpu.memory_space<hbm>>)
      tpu.yield
    }) : () -> ()
    return
  }
}

#map = affine_map<(d0, d1) -> (0, 0)>
#map1 = affine_map<(d0, d1) -> (0, 0, 0)>
module attributes {stable_mosaic.version = 14 : i64} {
  func.func @_sc_body(%arg0: i32, %arg1: i32, %arg2: memref<10112x32xf32, #tpu.memory_space<hbm>>, %arg3: memref<32x20x512xi32, #tpu.memory_space<hbm>>, %arg4: memref<32x20x512xi32, #tpu.memory_space<hbm>>, %arg5: memref<10112x32xf32, #tpu.memory_space<hbm>>, %arg6: memref<2x10112x32xf32, #tpu.memory_space<hbm>>, %arg7: memref<20x512xi32, #tpu.memory_space<vmem>>, %arg8: memref<20x512xi32, #tpu.memory_space<vmem>>, %arg9: memref<512x32xf32, #tpu.memory_space<vmem>>, %arg10: memref<512x32xf32, #tpu.memory_space<vmem>>, %arg11: memref<10112x32xf32, #tpu.memory_space<vmem_shared>>, %arg12: memref<!tpu.dma_semaphore, #tpu.memory_space<semaphore_mem>>, %arg13: memref<!tpu.dma_semaphore, #tpu.memory_space<semaphore_mem>>) attributes {dimension_semantics = [#tpu.dimension_semantics<core_parallel>, #tpu.dimension_semantics<subcore_parallel>], iteration_bounds = array<i64: 2, 16>, scalar_prefetch = 0 : i64, scratch_operands = 7 : i64, tpu.core_type = #tpu.core_type<sc_vector_subcore>, window_params = [{transform_indices = #map}, {transform_indices = #map1}, {transform_indices = #map1}, {transform_indices = #map}, {transform_indices = #map1}]} {
    %mul3A = arith.constant 16 : i32
    %mul3A_0 = arith.muli %arg0, %mul3A : i32
    %add3A = arith.addi %mul3A_0, %arg1 : i32
    %mul3A_1 = arith.constant 632 : i32
    %mul3A_2 = arith.muli %arg1, %mul3A_1 : i32
    %mul3A_3 = arith.constant 632 : i32
    %mul3A_4 = arith.muli %arg1, %mul3A_3 : i32
    "tpu.region"() ({
      %run_scoped3A = tpu.sem_alloc : memref<!tpu.dma_semaphore, #tpu.memory_space<semaphore_mem>>
      %dma_start3A_21 = arith.constant 0 : i32
      %dma_start3A_22 = tpu.memref_slice %arg11[%mul3A_4, %dma_start3A_21] : memref<10112x32xf32, #tpu.memory_space<vmem_shared>> -> memref<632x32xf32, #tpu.memory_space<vmem_shared>>
      %dma_start3A_23 = arith.constant 0 : i32
      %dma_start3A_24 = tpu.memref_slice %arg5[%mul3A_2, %dma_start3A_23] : memref<10112x32xf32, #tpu.memory_space<hbm>> -> memref<632x32xf32, #tpu.memory_space<hbm>>
      tpu.enqueue_dma source(%dma_start3A_24 : memref<632x32xf32, #tpu.memory_space<hbm>>) target(%dma_start3A_22 : memref<632x32xf32, #tpu.memory_space<vmem_shared>>) target_semaphore(%run_scoped3A : memref<!tpu.dma_semaphore, #tpu.memory_space<semaphore_mem>>)
      %dma_wait3A = arith.constant 0 : i32
      %dma_wait3A_25 = tpu.memref_slice %arg11[%mul3A_4, %dma_wait3A] : memref<10112x32xf32, #tpu.memory_space<vmem_shared>> -> memref<632x32xf32, #tpu.memory_space<vmem_shared>>
      %dma_wait3A_26 = arith.constant 0 : i32
      %dma_wait3A_27 = tpu.memref_slice %arg5[%mul3A_2, %dma_wait3A_26] : memref<10112x32xf32, #tpu.memory_space<hbm>> -> memref<632x32xf32, #tpu.memory_space<hbm>>
      tpu.wait_dma2 semaphore(%run_scoped3A : memref<!tpu.dma_semaphore, #tpu.memory_space<semaphore_mem>>) src(%dma_wait3A_27 : memref<632x32xf32, #tpu.memory_space<hbm>>) dst(%dma_wait3A_25 : memref<632x32xf32, #tpu.memory_space<vmem_shared>>)
      tpu.yield
    }) : () -> ()
    "tpu.region"() ({
      %run_scoped3A = tpu.sem_alloc : memref<!tpu.dma_semaphore, #tpu.memory_space<semaphore_mem>>
      %dma_start3A_21 = arith.constant 0 : i32
      %dma_start3A_22 = arith.constant 0 : i32
      %dma_start3A_23 = tpu.memref_slice %arg3[%add3A, %dma_start3A_21, %dma_start3A_22] : memref<32x20x512xi32, #tpu.memory_space<hbm>> -> memref<1x20x512xi32, #tpu.memory_space<hbm>>
      %dma_start3A_24 = tpu.memref_squeeze %dma_start3A_23 : memref<1x20x512xi32, #tpu.memory_space<hbm>> -> memref<20x512xi32, #tpu.memory_space<hbm>>
      %dma_start3A_25 = arith.constant 0 : i32
      %dma_start3A_26 = arith.constant 0 : i32
      %dma_start3A_27 = tpu.memref_slice %arg3[%add3A, %dma_start3A_25, %dma_start3A_26] : memref<32x20x512xi32, #tpu.memory_space<hbm>> -> memref<1x20x512xi32, #tpu.memory_space<hbm>>
      %dma_start3A_28 = tpu.memref_squeeze %dma_start3A_27 : memref<1x20x512xi32, #tpu.memory_space<hbm>> -> memref<20x512xi32, #tpu.memory_space<hbm>>
      tpu.enqueue_dma source(%dma_start3A_28 : memref<20x512xi32, #tpu.memory_space<hbm>>) target(%arg7 : memref<20x512xi32, #tpu.memory_space<vmem>>) target_semaphore(%run_scoped3A : memref<!tpu.dma_semaphore, #tpu.memory_space<semaphore_mem>>)
      %dma_wait3A = arith.constant 0 : i32
      %dma_wait3A_29 = arith.constant 0 : i32
      %dma_wait3A_30 = tpu.memref_slice %arg3[%add3A, %dma_wait3A, %dma_wait3A_29] : memref<32x20x512xi32, #tpu.memory_space<hbm>> -> memref<1x20x512xi32, #tpu.memory_space<hbm>>
      %dma_wait3A_31 = tpu.memref_squeeze %dma_wait3A_30 : memref<1x20x512xi32, #tpu.memory_space<hbm>> -> memref<20x512xi32, #tpu.memory_space<hbm>>
      %dma_wait3A_32 = arith.constant 0 : i32
      %dma_wait3A_33 = arith.constant 0 : i32
      %dma_wait3A_34 = tpu.memref_slice %arg3[%add3A, %dma_wait3A_32, %dma_wait3A_33] : memref<32x20x512xi32, #tpu.memory_space<hbm>> -> memref<1x20x512xi32, #tpu.memory_space<hbm>>
      %dma_wait3A_35 = tpu.memref_squeeze %dma_wait3A_34 : memref<1x20x512xi32, #tpu.memory_space<hbm>> -> memref<20x512xi32, #tpu.memory_space<hbm>>
      tpu.wait_dma2 semaphore(%run_scoped3A : memref<!tpu.dma_semaphore, #tpu.memory_space<semaphore_mem>>) src(%dma_wait3A_35 : memref<20x512xi32, #tpu.memory_space<hbm>>) dst(%arg7 : memref<20x512xi32, #tpu.memory_space<vmem>>)
      tpu.yield
    }) : () -> ()
    "tpu.region"() ({
      %run_scoped3A = tpu.sem_alloc : memref<!tpu.dma_semaphore, #tpu.memory_space<semaphore_mem>>
      %dma_start3A_21 = arith.constant 0 : i32
      %dma_start3A_22 = arith.constant 0 : i32
      %dma_start3A_23 = tpu.memref_slice %arg4[%add3A, %dma_start3A_21, %dma_start3A_22] : memref<32x20x512xi32, #tpu.memory_space<hbm>> -> memref<1x20x512xi32, #tpu.memory_space<hbm>>
      %dma_start3A_24 = tpu.memref_squeeze %dma_start3A_23 : memref<1x20x512xi32, #tpu.memory_space<hbm>> -> memref<20x512xi32, #tpu.memory_space<hbm>>
      %dma_start3A_25 = arith.constant 0 : i32
      %dma_start3A_26 = arith.constant 0 : i32
      %dma_start3A_27 = tpu.memref_slice %arg4[%add3A, %dma_start3A_25, %dma_start3A_26] : memref<32x20x512xi32, #tpu.memory_space<hbm>> -> memref<1x20x512xi32, #tpu.memory_space<hbm>>
      %dma_start3A_28 = tpu.memref_squeeze %dma_start3A_27 : memref<1x20x512xi32, #tpu.memory_space<hbm>> -> memref<20x512xi32, #tpu.memory_space<hbm>>
      tpu.enqueue_dma source(%dma_start3A_28 : memref<20x512xi32, #tpu.memory_space<hbm>>) target(%arg8 : memref<20x512xi32, #tpu.memory_space<vmem>>) target_semaphore(%run_scoped3A : memref<!tpu.dma_semaphore, #tpu.memory_space<semaphore_mem>>)
      %dma_wait3A = arith.constant 0 : i32
      %dma_wait3A_29 = arith.constant 0 : i32
      %dma_wait3A_30 = tpu.memref_slice %arg4[%add3A, %dma_wait3A, %dma_wait3A_29] : memref<32x20x512xi32, #tpu.memory_space<hbm>> -> memref<1x20x512xi32, #tpu.memory_space<hbm>>
      %dma_wait3A_31 = tpu.memref_squeeze %dma_wait3A_30 : memref<1x20x512xi32, #tpu.memory_space<hbm>> -> memref<20x512xi32, #tpu.memory_space<hbm>>
      %dma_wait3A_32 = arith.constant 0 : i32
      %dma_wait3A_33 = arith.constant 0 : i32
      %dma_wait3A_34 = tpu.memref_slice %arg4[%add3A, %dma_wait3A_32, %dma_wait3A_33] : memref<32x20x512xi32, #tpu.memory_space<hbm>> -> memref<1x20x512xi32, #tpu.memory_space<hbm>>
      %dma_wait3A_35 = tpu.memref_squeeze %dma_wait3A_34 : memref<1x20x512xi32, #tpu.memory_space<hbm>> -> memref<20x512xi32, #tpu.memory_space<hbm>>
      tpu.wait_dma2 semaphore(%run_scoped3A : memref<!tpu.dma_semaphore, #tpu.memory_space<semaphore_mem>>) src(%dma_wait3A_35 : memref<20x512xi32, #tpu.memory_space<hbm>>) dst(%arg8 : memref<20x512xi32, #tpu.memory_space<vmem>>)
      tpu.yield
    }) : () -> ()
    %barrier3A = arith.constant 0 : index
    tpu.barrier barrier_id(%barrier3A)
    %dma_start3A = arith.constant 0 : i32
    %dma_start3A_5 = arith.constant 0 : i32
    %dma_start3A_6 = tpu.memref_slice %arg7[%dma_start3A, %dma_start3A_5] : memref<20x512xi32, #tpu.memory_space<vmem>> -> memref<1x512xi32, #tpu.memory_space<vmem>>
    %dma_start3A_7 = tpu.memref_squeeze %dma_start3A_6 : memref<1x512xi32, #tpu.memory_space<vmem>> -> memref<512xi32, #tpu.memory_space<vmem>>
    %dma_start3A_8 = arith.constant 0 : i32
    %dma_start3A_9 = arith.constant 0 : i32
    %dma_start3A_10 = tpu.memref_slice %arg2[%dma_start3A_8, %dma_start3A_9] : memref<10112x32xf32, #tpu.memory_space<hbm>> -> memref<10112x32xf32, #tpu.memory_space<hbm>>
    tpu.enqueue_indirect_dma source(%dma_start3A_10 : memref<10112x32xf32, #tpu.memory_space<hbm>>) target(%arg9 : memref<512x32xf32, #tpu.memory_space<vmem>>) offsets(%dma_start3A_7 : memref<512xi32, #tpu.memory_space<vmem>>) semaphore(%arg12 : memref<!tpu.dma_semaphore, #tpu.memory_space<semaphore_mem>>)
    %scan3A = arith.constant 0 : i32
    %scan3A_11 = arith.constant 0 : i32
    %scan3A_12 = arith.constant 10 : i32
    %scan3A_13 = arith.addi %scan3A_11, %scan3A_12 : i32
    %scan3A_14 = arith.constant 1 : i32
    scf.for %scan3A_21 = %scan3A_11 to %scan3A_13 step %scan3A_14  : i32 {
      %mul3A_22 = arith.constant 2 : i32
      %mul3A_23 = arith.muli %mul3A_22, %scan3A_21 : i32
      %dma_wait3A = arith.constant 0 : i32
      %dma_wait3A_24 = tpu.memref_slice %arg7[%mul3A_23, %dma_wait3A] : memref<20x512xi32, #tpu.memory_space<vmem>> -> memref<1x512xi32, #tpu.memory_space<vmem>>
      %dma_wait3A_25 = tpu.memref_squeeze %dma_wait3A_24 : memref<1x512xi32, #tpu.memory_space<vmem>> -> memref<512xi32, #tpu.memory_space<vmem>>
      %dma_wait3A_26 = arith.constant 0 : i32
      %dma_wait3A_27 = arith.constant 0 : i32
      %dma_wait3A_28 = tpu.memref_slice %arg2[%dma_wait3A_26, %dma_wait3A_27] : memref<10112x32xf32, #tpu.memory_space<hbm>> -> memref<10112x32xf32, #tpu.memory_space<hbm>>
      tpu.wait_indirect_dma semaphore(%arg12 : memref<!tpu.dma_semaphore, #tpu.memory_space<semaphore_mem>>) src(%dma_wait3A_28 : memref<10112x32xf32, #tpu.memory_space<hbm>>) dst(%arg9 : memref<512x32xf32, #tpu.memory_space<vmem>>)
      %add3A_29 = arith.constant 1 : i32
      %add3A_30 = arith.addi %mul3A_23, %add3A_29 : i32
      %dma_start3A_31 = arith.constant 0 : i32
      %dma_start3A_32 = tpu.memref_slice %arg7[%add3A_30, %dma_start3A_31] : memref<20x512xi32, #tpu.memory_space<vmem>> -> memref<1x512xi32, #tpu.memory_space<vmem>>
      %dma_start3A_33 = tpu.memref_squeeze %dma_start3A_32 : memref<1x512xi32, #tpu.memory_space<vmem>> -> memref<512xi32, #tpu.memory_space<vmem>>
      %dma_start3A_34 = arith.constant 0 : i32
      %dma_start3A_35 = arith.constant 0 : i32
      %dma_start3A_36 = tpu.memref_slice %arg2[%dma_start3A_34, %dma_start3A_35] : memref<10112x32xf32, #tpu.memory_space<hbm>> -> memref<10112x32xf32, #tpu.memory_space<hbm>>
      tpu.enqueue_indirect_dma source(%dma_start3A_36 : memref<10112x32xf32, #tpu.memory_space<hbm>>) target(%arg10 : memref<512x32xf32, #tpu.memory_space<vmem>>) offsets(%dma_start3A_33 : memref<512xi32, #tpu.memory_space<vmem>>) semaphore(%arg13 : memref<!tpu.dma_semaphore, #tpu.memory_space<semaphore_mem>>)
      "tpu.region"() ({
        %run_scoped3A = tpu.sem_alloc : memref<!tpu.dma_semaphore, #tpu.memory_space<semaphore_mem>>
        %dma_start3A_51 = arith.constant 0 : i32
        %dma_start3A_52 = tpu.memref_slice %arg8[%mul3A_23, %dma_start3A_51] : memref<20x512xi32, #tpu.memory_space<vmem>> -> memref<1x512xi32, #tpu.memory_space<vmem>>
        %dma_start3A_53 = tpu.memref_squeeze %dma_start3A_52 : memref<1x512xi32, #tpu.memory_space<vmem>> -> memref<512xi32, #tpu.memory_space<vmem>>
        %dma_start3A_54 = arith.constant 0 : i32
        %dma_start3A_55 = arith.constant 0 : i32
        %dma_start3A_56 = tpu.memref_slice %arg11[%dma_start3A_54, %dma_start3A_55] : memref<10112x32xf32, #tpu.memory_space<vmem_shared>> -> memref<10112x32xf32, #tpu.memory_space<vmem_shared>>
        tpu.enqueue_indirect_dma source(%arg9 : memref<512x32xf32, #tpu.memory_space<vmem>>) target(%dma_start3A_56 : memref<10112x32xf32, #tpu.memory_space<vmem_shared>>) offsets(%dma_start3A_53 : memref<512xi32, #tpu.memory_space<vmem>>) semaphore(%run_scoped3A : memref<!tpu.dma_semaphore, #tpu.memory_space<semaphore_mem>>) {add = true}
        %dma_wait3A_57 = arith.constant 0 : i32
        %dma_wait3A_58 = tpu.memref_slice %arg8[%mul3A_23, %dma_wait3A_57] : memref<20x512xi32, #tpu.memory_space<vmem>> -> memref<1x512xi32, #tpu.memory_space<vmem>>
        %dma_wait3A_59 = tpu.memref_squeeze %dma_wait3A_58 : memref<1x512xi32, #tpu.memory_space<vmem>> -> memref<512xi32, #tpu.memory_space<vmem>>
        %dma_wait3A_60 = arith.constant 0 : i32
        %dma_wait3A_61 = arith.constant 0 : i32
        %dma_wait3A_62 = tpu.memref_slice %arg11[%dma_wait3A_60, %dma_wait3A_61] : memref<10112x32xf32, #tpu.memory_space<vmem_shared>> -> memref<10112x32xf32, #tpu.memory_space<vmem_shared>>
        tpu.wait_indirect_dma semaphore(%run_scoped3A : memref<!tpu.dma_semaphore, #tpu.memory_space<semaphore_mem>>) src(%arg9 : memref<512x32xf32, #tpu.memory_space<vmem>>) dst(%dma_wait3A_62 : memref<10112x32xf32, #tpu.memory_space<vmem_shared>>)
        tpu.yield
      }) : () -> ()
      %add3A_37 = arith.constant 1 : i32
      %add3A_38 = arith.addi %mul3A_23, %add3A_37 : i32
      %dma_wait3A_39 = arith.constant 0 : i32
      %dma_wait3A_40 = tpu.memref_slice %arg7[%add3A_38, %dma_wait3A_39] : memref<20x512xi32, #tpu.memory_space<vmem>> -> memref<1x512xi32, #tpu.memory_space<vmem>>
      %dma_wait3A_41 = tpu.memref_squeeze %dma_wait3A_40 : memref<1x512xi32, #tpu.memory_space<vmem>> -> memref<512xi32, #tpu.memory_space<vmem>>
      %dma_wait3A_42 = arith.constant 0 : i32
      %dma_wait3A_43 = arith.constant 0 : i32
      %dma_wait3A_44 = tpu.memref_slice %arg2[%dma_wait3A_42, %dma_wait3A_43] : memref<10112x32xf32, #tpu.memory_space<hbm>> -> memref<10112x32xf32, #tpu.memory_space<hbm>>
      tpu.wait_indirect_dma semaphore(%arg13 : memref<!tpu.dma_semaphore, #tpu.memory_space<semaphore_mem>>) src(%dma_wait3A_44 : memref<10112x32xf32, #tpu.memory_space<hbm>>) dst(%arg10 : memref<512x32xf32, #tpu.memory_space<vmem>>)
      %add3A_45 = arith.constant 1 : i32
      %add3A_46 = arith.addi %scan3A_21, %add3A_45 : i32
      %lt3A = arith.constant 10 : i32
      %lt3A_47 = arith.cmpi slt, %add3A_46, %lt3A : i32
      %convert_element_type3A = arith.extui %lt3A_47 : i1 to i32
      %cond3A = arith.constant 0 : i32
      %cond3A_48 = arith.cmpi ne, %convert_element_type3A, %cond3A : i32
      scf.if %cond3A_48 {
        %add3A_51 = arith.constant 2 : i32
        %add3A_52 = arith.addi %mul3A_23, %add3A_51 : i32
        %dma_start3A_53 = arith.constant 0 : i32
        %dma_start3A_54 = tpu.memref_slice %arg7[%add3A_52, %dma_start3A_53] : memref<20x512xi32, #tpu.memory_space<vmem>> -> memref<1x512xi32, #tpu.memory_space<vmem>>
        %dma_start3A_55 = tpu.memref_squeeze %dma_start3A_54 : memref<1x512xi32, #tpu.memory_space<vmem>> -> memref<512xi32, #tpu.memory_space<vmem>>
        %dma_start3A_56 = arith.constant 0 : i32
        %dma_start3A_57 = arith.constant 0 : i32
        %dma_start3A_58 = tpu.memref_slice %arg2[%dma_start3A_56, %dma_start3A_57] : memref<10112x32xf32, #tpu.memory_space<hbm>> -> memref<10112x32xf32, #tpu.memory_space<hbm>>
        tpu.enqueue_indirect_dma source(%dma_start3A_58 : memref<10112x32xf32, #tpu.memory_space<hbm>>) target(%arg9 : memref<512x32xf32, #tpu.memory_space<vmem>>) offsets(%dma_start3A_55 : memref<512xi32, #tpu.memory_space<vmem>>) semaphore(%arg12 : memref<!tpu.dma_semaphore, #tpu.memory_space<semaphore_mem>>)
      } else {
      }
      %add3A_49 = arith.constant 1 : i32
      %add3A_50 = arith.addi %mul3A_23, %add3A_49 : i32
      "tpu.region"() ({
        %run_scoped3A = tpu.sem_alloc : memref<!tpu.dma_semaphore, #tpu.memory_space<semaphore_mem>>
        %dma_start3A_51 = arith.constant 0 : i32
        %dma_start3A_52 = tpu.memref_slice %arg8[%add3A_50, %dma_start3A_51] : memref<20x512xi32, #tpu.memory_space<vmem>> -> memref<1x512xi32, #tpu.memory_space<vmem>>
        %dma_start3A_53 = tpu.memref_squeeze %dma_start3A_52 : memref<1x512xi32, #tpu.memory_space<vmem>> -> memref<512xi32, #tpu.memory_space<vmem>>
        %dma_start3A_54 = arith.constant 0 : i32
        %dma_start3A_55 = arith.constant 0 : i32
        %dma_start3A_56 = tpu.memref_slice %arg11[%dma_start3A_54, %dma_start3A_55] : memref<10112x32xf32, #tpu.memory_space<vmem_shared>> -> memref<10112x32xf32, #tpu.memory_space<vmem_shared>>
        tpu.enqueue_indirect_dma source(%arg10 : memref<512x32xf32, #tpu.memory_space<vmem>>) target(%dma_start3A_56 : memref<10112x32xf32, #tpu.memory_space<vmem_shared>>) offsets(%dma_start3A_53 : memref<512xi32, #tpu.memory_space<vmem>>) semaphore(%run_scoped3A : memref<!tpu.dma_semaphore, #tpu.memory_space<semaphore_mem>>) {add = true}
        %dma_wait3A_57 = arith.constant 0 : i32
        %dma_wait3A_58 = tpu.memref_slice %arg8[%add3A_50, %dma_wait3A_57] : memref<20x512xi32, #tpu.memory_space<vmem>> -> memref<1x512xi32, #tpu.memory_space<vmem>>
        %dma_wait3A_59 = tpu.memref_squeeze %dma_wait3A_58 : memref<1x512xi32, #tpu.memory_space<vmem>> -> memref<512xi32, #tpu.memory_space<vmem>>
        %dma_wait3A_60 = arith.constant 0 : i32
        %dma_wait3A_61 = arith.constant 0 : i32
        %dma_wait3A_62 = tpu.memref_slice %arg11[%dma_wait3A_60, %dma_wait3A_61] : memref<10112x32xf32, #tpu.memory_space<vmem_shared>> -> memref<10112x32xf32, #tpu.memory_space<vmem_shared>>
        tpu.wait_indirect_dma semaphore(%run_scoped3A : memref<!tpu.dma_semaphore, #tpu.memory_space<semaphore_mem>>) src(%arg10 : memref<512x32xf32, #tpu.memory_space<vmem>>) dst(%dma_wait3A_62 : memref<10112x32xf32, #tpu.memory_space<vmem_shared>>)
        tpu.yield
      }) : () -> ()
    }
    %scan3A_15 = arith.constant 10 : i32
    %barrier3A_16 = arith.constant 0 : index
    tpu.barrier barrier_id(%barrier3A_16)
    %mul3A_17 = arith.constant 632 : i32
    %mul3A_18 = arith.muli %arg1, %mul3A_17 : i32
    %mul3A_19 = arith.constant 632 : i32
    %mul3A_20 = arith.muli %arg1, %mul3A_19 : i32
    "tpu.region"() ({
      %run_scoped3A = tpu.sem_alloc : memref<!tpu.dma_semaphore, #tpu.memory_space<semaphore_mem>>
      %dma_start3A_21 = arith.constant 0 : i32
      %dma_start3A_22 = tpu.memref_slice %arg6[%arg0, %mul3A_20, %dma_start3A_21] : memref<2x10112x32xf32, #tpu.memory_space<hbm>> -> memref<1x632x32xf32, #tpu.memory_space<hbm>>
      %dma_start3A_23 = tpu.memref_squeeze %dma_start3A_22 : memref<1x632x32xf32, #tpu.memory_space<hbm>> -> memref<632x32xf32, #tpu.memory_space<hbm>>
      %dma_start3A_24 = arith.constant 0 : i32
      %dma_start3A_25 = tpu.memref_slice %arg11[%mul3A_18, %dma_start3A_24] : memref<10112x32xf32, #tpu.memory_space<vmem_shared>> -> memref<632x32xf32, #tpu.memory_space<vmem_shared>>
      tpu.enqueue_dma source(%dma_start3A_25 : memref<632x32xf32, #tpu.memory_space<vmem_shared>>) target(%dma_start3A_23 : memref<632x32xf32, #tpu.memory_space<hbm>>) target_semaphore(%run_scoped3A : memref<!tpu.dma_semaphore, #tpu.memory_space<semaphore_mem>>)
      %dma_wait3A = arith.constant 0 : i32
      %dma_wait3A_26 = tpu.memref_slice %arg6[%arg0, %mul3A_20, %dma_wait3A] : memref<2x10112x32xf32, #tpu.memory_space<hbm>> -> memref<1x632x32xf32, #tpu.memory_space<hbm>>
      %dma_wait3A_27 = tpu.memref_squeeze %dma_wait3A_26 : memref<1x632x32xf32, #tpu.memory_space<hbm>> -> memref<632x32xf32, #tpu.memory_space<hbm>>
      %dma_wait3A_28 = arith.constant 0 : i32
      %dma_wait3A_29 = tpu.memref_slice %arg11[%mul3A_18, %dma_wait3A_28] : memref<10112x32xf32, #tpu.memory_space<vmem_shared>> -> memref<632x32xf32, #tpu.memory_space<vmem_shared>>
      tpu.wait_dma2 semaphore(%run_scoped3A : memref<!tpu.dma_semaphore, #tpu.memory_space<semaphore_mem>>) src(%dma_wait3A_29 : memref<632x32xf32, #tpu.memory_space<vmem_shared>>) dst(%dma_wait3A_27 : memref<632x32xf32, #tpu.memory_space<hbm>>)
      tpu.yield
    }) : () -> ()
    return
  }
}

module attributes {stable_mosaic.version = 14 : i64} {
  func.func @_tc_pre_body(%arg0: memref<10112x128xf32, #tpu.memory_space<vmem>>, %arg1: memref<128x32xf32, #tpu.memory_space<vmem>>, %arg2: memref<128x32xf32, #tpu.memory_space<vmem>>, %arg3: memref<10112x32xf32, #tpu.memory_space<vmem>>, %arg4: memref<10112x32xf32, #tpu.memory_space<vmem>>) attributes {dimension_semantics = [], scalar_prefetch = 0 : i64, scratch_operands = 0 : i64, tpu.core_type = #tpu.core_type<tc>} {
    %get3A = arith.constant 0 : index
    %get3A_0 = arith.constant 0 : index
    %get3A_1 = vector.load %arg0[%get3A, %get3A_0] : memref<10112x128xf32, #tpu.memory_space<vmem>>, vector<10112x128xf32>
    %get3A_2 = arith.constant 0 : index
    %get3A_3 = arith.constant 0 : index
    %get3A_4 = vector.load %arg1[%get3A_2, %get3A_3] : memref<128x32xf32, #tpu.memory_space<vmem>>, vector<128x32xf32>
    %dot_general3A = arith.constant dense<0.000000e+00> : vector<10112x32xf32>
    %dot_general3A_5 = tpu.matmul %get3A_1, %get3A_4, %dot_general3A {dimension_numbers = #tpu.dot_dimension_numbers<[1], [0], [0], [1], [0, 0, 1, 1], [], []>, transpose_lhs_hint = false} : vector<10112x128xf32>, vector<128x32xf32>, vector<10112x32xf32> -> vector<10112x32xf32>
    %swap3A = arith.constant 0 : index
    %swap3A_6 = arith.constant 0 : index
    %swap3A_7 = vector.load %arg3[%swap3A, %swap3A_6] : memref<10112x32xf32, #tpu.memory_space<vmem>>, vector<10112x32xf32>
    tpu.vector_store %arg3[%swap3A, %swap3A_6], %dot_general3A_5 {strides = array<i32>} : memref<10112x32xf32, #tpu.memory_space<vmem>>, vector<10112x32xf32>,
    %get3A_8 = arith.constant 0 : index
    %get3A_9 = arith.constant 0 : index
    %get3A_10 = vector.load %arg2[%get3A_8, %get3A_9] : memref<128x32xf32, #tpu.memory_space<vmem>>, vector<128x32xf32>
    %dot_general3A_11 = arith.constant dense<0.000000e+00> : vector<10112x32xf32>
    %dot_general3A_12 = tpu.matmul %get3A_1, %get3A_10, %dot_general3A_11 {dimension_numbers = #tpu.dot_dimension_numbers<[1], [0], [0], [1], [0, 0, 1, 1], [], []>, transpose_lhs_hint = false} : vector<10112x128xf32>, vector<128x32xf32>, vector<10112x32xf32> -> vector<10112x32xf32>
    %swap3A_13 = arith.constant 0 : index
    %swap3A_14 = arith.constant 0 : index
    %swap3A_15 = vector.load %arg4[%swap3A_13, %swap3A_14] : memref<10112x32xf32, #tpu.memory_space<vmem>>, vector<10112x32xf32>
    tpu.vector_store %arg4[%swap3A_13, %swap3A_14], %dot_general3A_12 {strides = array<i32>} : memref<10112x32xf32, #tpu.memory_space<vmem>>, vector<10112x32xf32>,
    return
  }
}

module attributes {stable_mosaic.version = 14 : i64} {
  func.func @_tc_mid_body(%arg0: memref<2x10112x32xf32, #tpu.memory_space<vmem>>, %arg1: memref<10112x32xf32, #tpu.memory_space<vmem>>, %arg2: memref<1x32xf32, #tpu.memory_space<vmem>>, %arg3: memref<32x32xf32, #tpu.memory_space<vmem>>, %arg4: memref<32x32xf32, #tpu.memory_space<vmem>>, %arg5: memref<10112x32xf32, #tpu.memory_space<vmem>>, %arg6: memref<10112x32xf32, #tpu.memory_space<vmem>>) attributes {dimension_semantics = [], scalar_prefetch = 0 : i64, scratch_operands = 0 : i64, tpu.core_type = #tpu.core_type<tc>} {
    %get3A = arith.constant 0 : index
    %get3A_0 = arith.constant 0 : index
    %get3A_1 = arith.constant 0 : index
    %get3A_2 = vector.load %arg0[%get3A, %get3A_0, %get3A_1] : memref<2x10112x32xf32, #tpu.memory_space<vmem>>, vector<1x10112x32xf32>
    %get3A_3 = vector.shape_cast %get3A_2 : vector<1x10112x32xf32> to vector<10112x32xf32>
    %get3A_4 = arith.constant 1 : index
    %get3A_5 = arith.constant 0 : index
    %get3A_6 = arith.constant 0 : index
    %get3A_7 = vector.load %arg0[%get3A_4, %get3A_5, %get3A_6] : memref<2x10112x32xf32, #tpu.memory_space<vmem>>, vector<1x10112x32xf32>
    %get3A_8 = vector.shape_cast %get3A_7 : vector<1x10112x32xf32> to vector<10112x32xf32>
    %add3A = arith.addf %get3A_3, %get3A_8 : vector<10112x32xf32>
    %get3A_9 = arith.constant 0 : index
    %get3A_10 = arith.constant 0 : index
    %get3A_11 = vector.load %arg1[%get3A_9, %get3A_10] : memref<10112x32xf32, #tpu.memory_space<vmem>>, vector<10112x32xf32>
    %add3A_12 = arith.addf %add3A, %get3A_11 : vector<10112x32xf32>
    %get3A_13 = arith.constant 0 : index
    %get3A_14 = arith.constant 0 : index
    %get3A_15 = vector.load %arg2[%get3A_13, %get3A_14] : memref<1x32xf32, #tpu.memory_space<vmem>>, vector<1x32xf32>
    %add3A_16 = vector.broadcast %get3A_15 : vector<1x32xf32> to vector<10112x32xf32>
    %add3A_17 = arith.addf %add3A_12, %add3A_16 : vector<10112x32xf32>
    %iota3A = tpu.iota {dimensions = array<i32: 0>} : vector<10112x32xi32>
    %lt3A = arith.constant 10000 : i32
    %lt3A_18 = vector.broadcast %lt3A : i32 to vector<10112x32xi32>
    %lt3A_19 = arith.cmpi slt, %iota3A, %lt3A_18 : vector<10112x32xi32>
    %jit3A = arith.constant 0.000000e+00 : f32
    %broadcast_in_dim3A = vector.broadcast %jit3A : f32 to vector<10112x32xf32>
    %select_n3A = arith.select %lt3A_19, %add3A_17, %broadcast_in_dim3A : vector<10112x32xi1>, vector<10112x32xf32>
    %mul3A = arith.mulf %select_n3A, %select_n3A : vector<10112x32xf32>
    %reduce_sum3A = arith.constant dense<0.000000e+00> : vector<10112xf32>
    %reduce_sum3A_20 = vector.multi_reduction <add>, %mul3A, %reduce_sum3A [1] : vector<10112x32xf32> to vector<10112xf32>
    %broadcast_in_dim3A_21 = vector.shape_cast %reduce_sum3A_20 : vector<10112xf32> to vector<10112x1xf32>
    %sqrt3A = math.sqrt %broadcast_in_dim3A_21 : vector<10112x1xf32>
    %max3A = arith.constant 9.99999996E-13 : f32
    %max3A_22 = vector.broadcast %max3A : f32 to vector<10112x1xf32>
    %max3A_23 = arith.maximumf %sqrt3A, %max3A_22 : vector<10112x1xf32>
    %div3A = vector.broadcast %max3A_23 : vector<10112x1xf32> to vector<10112x32xf32>
    %div3A_24 = arith.divf %select_n3A, %div3A : vector<10112x32xf32>
    %max3A_25 = arith.constant 0.000000e+00 : f32
    %max3A_26 = vector.broadcast %max3A_25 : f32 to vector<10112x32xf32>
    %max3A_27 = arith.maximumf %div3A_24, %max3A_26 : vector<10112x32xf32>
    %get3A_28 = arith.constant 0 : index
    %get3A_29 = arith.constant 0 : index
    %get3A_30 = vector.load %arg3[%get3A_28, %get3A_29] : memref<32x32xf32, #tpu.memory_space<vmem>>, vector<32x32xf32>
    %dot_general3A = arith.constant dense<0.000000e+00> : vector<10112x32xf32>
    %dot_general3A_31 = tpu.matmul %max3A_27, %get3A_30, %dot_general3A {dimension_numbers = #tpu.dot_dimension_numbers<[1], [0], [0], [1], [0, 0, 1, 1], [], []>, transpose_lhs_hint = false} : vector<10112x32xf32>, vector<32x32xf32>, vector<10112x32xf32> -> vector<10112x32xf32>
    %swap3A = arith.constant 0 : index
    %swap3A_32 = arith.constant 0 : index
    %swap3A_33 = vector.load %arg5[%swap3A, %swap3A_32] : memref<10112x32xf32, #tpu.memory_space<vmem>>, vector<10112x32xf32>
    tpu.vector_store %arg5[%swap3A, %swap3A_32], %dot_general3A_31 {strides = array<i32>} : memref<10112x32xf32, #tpu.memory_space<vmem>>, vector<10112x32xf32>,
    %get3A_34 = arith.constant 0 : index
    %get3A_35 = arith.constant 0 : index
    %get3A_36 = vector.load %arg4[%get3A_34, %get3A_35] : memref<32x32xf32, #tpu.memory_space<vmem>>, vector<32x32xf32>
    %dot_general3A_37 = arith.constant dense<0.000000e+00> : vector<10112x32xf32>
    %dot_general3A_38 = tpu.matmul %max3A_27, %get3A_36, %dot_general3A_37 {dimension_numbers = #tpu.dot_dimension_numbers<[1], [0], [0], [1], [0, 0, 1, 1], [], []>, transpose_lhs_hint = false} : vector<10112x32xf32>, vector<32x32xf32>, vector<10112x32xf32> -> vector<10112x32xf32>
    %swap3A_39 = arith.constant 0 : index
    %swap3A_40 = arith.constant 0 : index
    %swap3A_41 = vector.load %arg6[%swap3A_39, %swap3A_40] : memref<10112x32xf32, #tpu.memory_space<vmem>>, vector<10112x32xf32>
    tpu.vector_store %arg6[%swap3A_39, %swap3A_40], %dot_general3A_38 {strides = array<i32>} : memref<10112x32xf32, #tpu.memory_space<vmem>>, vector<10112x32xf32>,
    return
  }
}

module attributes {stable_mosaic.version = 14 : i64} {
  func.func @_tc_fin_body(%arg0: memref<2x10112x32xf32, #tpu.memory_space<vmem>>, %arg1: memref<10112x32xf32, #tpu.memory_space<vmem>>, %arg2: memref<1x32xf32, #tpu.memory_space<vmem>>, %arg3: memref<32x2xf32, #tpu.memory_space<vmem>>, %arg4: memref<32x2xf32, #tpu.memory_space<vmem>>, %arg5: memref<1x2xf32, #tpu.memory_space<vmem>>, %arg6: memref<1x2xf32, #tpu.memory_space<vmem>>) attributes {dimension_semantics = [], scalar_prefetch = 0 : i64, scratch_operands = 0 : i64, tpu.core_type = #tpu.core_type<tc>} {
    %get3A = arith.constant 0 : index
    %get3A_0 = arith.constant 0 : index
    %get3A_1 = arith.constant 0 : index
    %get3A_2 = vector.load %arg0[%get3A, %get3A_0, %get3A_1] : memref<2x10112x32xf32, #tpu.memory_space<vmem>>, vector<1x10112x32xf32>
    %get3A_3 = vector.shape_cast %get3A_2 : vector<1x10112x32xf32> to vector<10112x32xf32>
    %get3A_4 = arith.constant 1 : index
    %get3A_5 = arith.constant 0 : index
    %get3A_6 = arith.constant 0 : index
    %get3A_7 = vector.load %arg0[%get3A_4, %get3A_5, %get3A_6] : memref<2x10112x32xf32, #tpu.memory_space<vmem>>, vector<1x10112x32xf32>
    %get3A_8 = vector.shape_cast %get3A_7 : vector<1x10112x32xf32> to vector<10112x32xf32>
    %add3A = arith.addf %get3A_3, %get3A_8 : vector<10112x32xf32>
    %get3A_9 = arith.constant 0 : index
    %get3A_10 = arith.constant 0 : index
    %get3A_11 = vector.load %arg1[%get3A_9, %get3A_10] : memref<10112x32xf32, #tpu.memory_space<vmem>>, vector<10112x32xf32>
    %add3A_12 = arith.addf %add3A, %get3A_11 : vector<10112x32xf32>
    %get3A_13 = arith.constant 0 : index
    %get3A_14 = arith.constant 0 : index
    %get3A_15 = vector.load %arg2[%get3A_13, %get3A_14] : memref<1x32xf32, #tpu.memory_space<vmem>>, vector<1x32xf32>
    %add3A_16 = vector.broadcast %get3A_15 : vector<1x32xf32> to vector<10112x32xf32>
    %add3A_17 = arith.addf %add3A_12, %add3A_16 : vector<10112x32xf32>
    %iota3A = tpu.iota {dimensions = array<i32: 0>} : vector<10112x32xi32>
    %lt3A = arith.constant 10000 : i32
    %lt3A_18 = vector.broadcast %lt3A : i32 to vector<10112x32xi32>
    %lt3A_19 = arith.cmpi slt, %iota3A, %lt3A_18 : vector<10112x32xi32>
    %jit3A = arith.constant 0.000000e+00 : f32
    %broadcast_in_dim3A = vector.broadcast %jit3A : f32 to vector<10112x32xf32>
    %select_n3A = arith.select %lt3A_19, %add3A_17, %broadcast_in_dim3A : vector<10112x32xi1>, vector<10112x32xf32>
    %mul3A = arith.mulf %select_n3A, %select_n3A : vector<10112x32xf32>
    %reduce_sum3A = arith.constant dense<0.000000e+00> : vector<10112xf32>
    %reduce_sum3A_20 = vector.multi_reduction <add>, %mul3A, %reduce_sum3A [1] : vector<10112x32xf32> to vector<10112xf32>
    %broadcast_in_dim3A_21 = vector.shape_cast %reduce_sum3A_20 : vector<10112xf32> to vector<10112x1xf32>
    %sqrt3A = math.sqrt %broadcast_in_dim3A_21 : vector<10112x1xf32>
    %max3A = arith.constant 9.99999996E-13 : f32
    %max3A_22 = vector.broadcast %max3A : f32 to vector<10112x1xf32>
    %max3A_23 = arith.maximumf %sqrt3A, %max3A_22 : vector<10112x1xf32>
    %div3A = vector.broadcast %max3A_23 : vector<10112x1xf32> to vector<10112x32xf32>
    %div3A_24 = arith.divf %select_n3A, %div3A : vector<10112x32xf32>
    %max3A_25 = arith.constant 0.000000e+00 : f32
    %max3A_26 = vector.broadcast %max3A_25 : f32 to vector<10112x32xf32>
    %max3A_27 = arith.maximumf %div3A_24, %max3A_26 : vector<10112x32xf32>
    %reduce_max3A = arith.constant dense<0xFF800000> : vector<32xf32>
    %reduce_max3A_28 = vector.multi_reduction <maximumf>, %max3A_27, %reduce_max3A [0] : vector<10112x32xf32> to vector<32xf32>
    %broadcast_in_dim3A_29 = vector.shape_cast %reduce_max3A_28 : vector<32xf32> to vector<1x32xf32>
    %reduce_sum3A_30 = arith.constant dense<0.000000e+00> : vector<32xf32>
    %reduce_sum3A_31 = vector.multi_reduction <add>, %max3A_27, %reduce_sum3A_30 [0] : vector<10112x32xf32> to vector<32xf32>
    %broadcast_in_dim3A_32 = vector.shape_cast %reduce_sum3A_31 : vector<32xf32> to vector<1x32xf32>
    %mul3A_33 = arith.constant 9.99999974E-5 : f32
    %mul3A_34 = vector.broadcast %mul3A_33 : f32 to vector<1x32xf32>
    %mul3A_35 = arith.mulf %broadcast_in_dim3A_32, %mul3A_34 : vector<1x32xf32>
    %get3A_36 = arith.constant 0 : index
    %get3A_37 = arith.constant 0 : index
    %get3A_38 = vector.load %arg3[%get3A_36, %get3A_37] : memref<32x2xf32, #tpu.memory_space<vmem>>, vector<32x2xf32>
    %dot_general3A = arith.constant dense<0.000000e+00> : vector<1x2xf32>
    %dot_general3A_39 = tpu.matmul %broadcast_in_dim3A_29, %get3A_38, %dot_general3A {dimension_numbers = #tpu.dot_dimension_numbers<[1], [0], [0], [1], [0, 0, 1, 1], [], []>, transpose_lhs_hint = false} : vector<1x32xf32>, vector<32x2xf32>, vector<1x2xf32> -> vector<1x2xf32>
    %get3A_40 = arith.constant 0 : index
    %get3A_41 = arith.constant 0 : index
    %get3A_42 = vector.load %arg4[%get3A_40, %get3A_41] : memref<32x2xf32, #tpu.memory_space<vmem>>, vector<32x2xf32>
    %dot_general3A_43 = arith.constant dense<0.000000e+00> : vector<1x2xf32>
    %dot_general3A_44 = tpu.matmul %mul3A_35, %get3A_42, %dot_general3A_43 {dimension_numbers = #tpu.dot_dimension_numbers<[1], [0], [0], [1], [0, 0, 1, 1], [], []>, transpose_lhs_hint = false} : vector<1x32xf32>, vector<32x2xf32>, vector<1x2xf32> -> vector<1x2xf32>
    %add3A_45 = arith.addf %dot_general3A_39, %dot_general3A_44 : vector<1x2xf32>
    %get3A_46 = arith.constant 0 : index
    %get3A_47 = arith.constant 0 : index
    %get3A_48 = vector.load %arg5[%get3A_46, %get3A_47] : memref<1x2xf32, #tpu.memory_space<vmem>>, vector<1x2xf32>
    %add3A_49 = arith.addf %add3A_45, %get3A_48 : vector<1x2xf32>
    %swap3A = arith.constant 0 : index
    %swap3A_50 = arith.constant 0 : index
    %swap3A_51 = vector.load %arg6[%swap3A, %swap3A_50] : memref<1x2xf32, #tpu.memory_space<vmem>>, vector<1x2xf32>
    tpu.vector_store %arg6[%swap3A, %swap3A_50], %add3A_49 {strides = array<i32>} : memref<1x2xf32, #tpu.memory_space<vmem>>, vector<1x2xf32>,
    return
  }
}

</mosaic_0001>

<sc_bundles>
// kernel: kernel.12.cloned.1.call-start
scs
__scs_entry_jumppad:
0x0: {  	(pc) =	sbr.rel $0x88, $3  }
0x1: {  	(tag) =	ssettag $0x0;
	lr =	simm.s32 $0x1  }
0x2: {  	[smem:$0x3F94] =	sst lr;
	_ =	strace $0xD0000000  }
0x3: {  	_ = 	snop  }
0x4: {  	_ = 	snop  }
0x5: {  	_ = 	snop  }
0x6: {  	_ = 	snop  }
0x7: {  	_ = 	snop  }
__scs_overlays_trampoline_lowered:
0x8: {  	[smem:$0x3FA3] =	sst s0  }
0x9: {  	[smem:$0x3FA4] =	sst s1  }
0xa: {  	[smem:$0x3FA5] =	sst s2  }
0xb: {  	[smem:$0x3FA6] =	sst s3  }
0xc: {  	[smem:$0x3FA7] =	sst s4  }
0xd: {  	[smem:$0x3FA8] =	sst s5  }
0xe: {  	[smem:$0x3FA9] =	sst s6  }
0xf: {  	[smem:$0x3FAA] =	sst s7  }
0x10: {  	[smem:$0x3FAB] =	sst s8  }
0x11: {  	[smem:$0x3FAC] =	sst s9;
	s0 =	simm.s32 @!p0 $0x0  }
0x12: {  	s1 =	sld [smem:$0x3F92];
	s0 =	simm.s32 @p0 $0x1  }
0x13: {  	[smem:$0x3FAD] =	sst s0;
	s0 =	simm.s32 @!p1 $0x0  }
0x14: {  	s2 =	sld [smem:$0x3F91];
	s0 =	simm.s32 @p1 $0x1  }
0x15: {  	[smem:$0x3FAE] =	sst s0;
	s0 =	simm.s32 @!p2 $0x0  }
0x16: {  	s3 =	sld [smem:$0x3FDB];
	s0 =	simm.s32 @p2 $0x1  }
0x17: {  	s4 =	simm.s32 $0x1BF5;
	[smem:$0x3FB0] =	sst s0  }
0x18: {  	s0 =	sld [smem:$0x3F93];
	_ =	swait.ge [sflag:s4], $0x0  }
0x19: {  	s7 =	sld [smem:$0x3F94]  }
0x1a: {  	s8 =	sadd.s32 $0xFFFFE003, lr  }
0x1b: {  	s9 =	sadd.s32 $0xFFFFFEF7, lr;
	s5 =	simm.s32 $0xFFFFFFFF;
	p2 =	slt.u32 s8, $0xFFFFF086  }
0x1c: {  	p1 =	slt.u32 s9, $0xF7A;
	s5 =	simm.s32 @!p2 $0x0  }
0x1d: {  	s5 =	simm.s32 @p1 $0x1;
	p0 =	seq.s32 s7, s2  }
0x1e: {  	s7 =	smul.u32 @!p0 $0xF7A, s2;
	p2 =	seq.s32 @!p0 s5, $0x0  }
0x1f: {  	s9 =	smul.u32 $0xF7A, s1;
	s8 =	simm.s32 @!p0 $0x1BF5;
	p2 =	por !p2, p0  }
0x20: {  	[sflag:s8] =	ssyncset.s32 @!p0 $0xFFFFF086;
	s6 =	sadd.s32 @!p0 s3, s7;
	s7 =	simm.s32 @!p0 $0x108  }
0x21: {  	s3 =	sadd.s32 s3, s9;
	s6 =	sadd.s32 @!p0 $0x88, s6;
	s7 =	simm.s32 @p2 $0x1082  }
0x22: {  	[simem:s7], [sflag:s8] =	dma.local @!p0 [hbm:s6], $0xF7A  }
0x23: {  	s9 =	sor.u32 $0xD0000000, s2;
	s6 =	simm.s32 $0x108;
	_ =	swait.ge @!p0 [sflag:s8], $0x0  }
0x24: {  	s3 =	sadd.s32 $0x88, s3;
	s6 =	simm.s32 @!p1 $0x1082;
	[sflag:s4] =	ssyncset.s32 $0xFFFFF086  }
0x25: {  	[simem:s6], [sflag:s4] =	dma.local [hbm:s3], $0xF7A  }
0x26: {  	[smem:$0x3F94] =	sst s1;
	(tag) =	ssettag s2;
	_ =	strace s9  }
0x27: {  	s1 =	sld [smem:$0x3FA4]  }
0x28: {  	s2 =	sld [smem:$0x3FA5]  }
0x29: {  	s4 =	sld [smem:$0x3FA7]  }
0x2a: {  	p0 =	seq.s32 s5, $0x0;
	s5 =	sld [smem:$0x3FA8]  }
0x2b: {  	s6 =	sld [smem:$0x3FA9]  }
0x2c: {  	s7 =	sld [smem:$0x3FAA]  }
0x2d: {  	s3 =	simm.s32 $0x108;
	s8 =	sld [smem:$0x3FAB]  }
0x2e: {  	s3 =	simm.s32 @!p0 $0x1082;
	s9 =	sld [smem:$0x3FAC]  }
0x2f: {  	lr =	sadd.s32 s0, s3;
	s0 =	sld [smem:$0x3FA3]  }
0x30: {  	s3 =	sld [smem:$0x3FA6]  }
0x31: {  	[smem:$0x3FAF] =	sst s10  }
0x32: {  	s10 =	sld [smem:$0x3FAD];
	_ =	sdelay $0x3  }
0x33: {  	p0 =	seq.s32 s10, $0x1;
	s10 =	sld [smem:$0x3FAF];
	_ =	sdelay $0x3  }
0x34: {  	[smem:$0x3FAF] =	sst s10  }
0x35: {  	s10 =	sld [smem:$0x3FAE];
	_ =	sdelay $0x3  }
0x36: {  	p1 =	seq.s32 s10, $0x1;
	s10 =	sld [smem:$0x3FAF];
	_ =	sdelay $0x3  }
0x37: {  	[smem:$0x3FAF] =	sst s10  }
0x38: {  	s10 =	sld [smem:$0x3FB0]  }
0x39: {  	_ = 	snop;
	(pc) =	sbr.ind lr, $3  }
0x3a: {  	_ = 	snop  }
0x3b: {  	_ = 	snop  }
0x3c: {  	p2 =	seq.s32 s10, $0x1;
	s10 =	sld [smem:$0x3FAF]  }
0x3d: {  	_ =	shalt  }
0x3e: {  	_ =	shalt  }
0x3f: {  	_ =	shalt  }
0x40: {  	_ =	shalt  }
0x41: {  	_ =	shalt  }
0x42: {  	_ =	shalt  }
0x43: {  	_ =	shalt  }
0x44: {  	_ =	shalt  }
0x45: {  	_ =	shalt  }
0x46: {  	_ =	shalt  }
0x47: {  	_ =	shalt  }
0x48: {  	_ =	shalt  }
0x49: {  	_ =	shalt  }
0x4a: {  	_ =	shalt  }
0x4b: {  	_ =	shalt  }
0x4c: {  	_ =	shalt  }
0x4d: {  	_ =	shalt  }
0x4e: {  	_ =	shalt  }
0x4f: {  	_ =	shalt  }
0x50: {  	_ =	shalt  }
0x51: {  	_ =	shalt  }
0x52: {  	_ =	shalt  }
0x53: {  	_ =	shalt  }
0x54: {  	_ =	shalt  }
0x55: {  	_ =	shalt  }
0x56: {  	_ =	shalt  }
0x57: {  	_ =	shalt  }
0x58: {  	_ =	shalt  }
0x59: {  	_ =	shalt  }
0x5a: {  	_ =	shalt  }
0x5b: {  	_ =	shalt  }
0x5c: {  	_ =	shalt  }
0x5d: {  	_ =	shalt  }
0x5e: {  	_ =	shalt  }
0x5f: {  	_ =	shalt  }
0x60: {  	_ =	shalt  }
0x61: {  	_ =	shalt  }
0x62: {  	_ =	shalt  }
0x63: {  	_ =	shalt  }
0x64: {  	_ =	shalt  }
0x65: {  	_ =	shalt  }
0x66: {  	_ =	shalt  }
0x67: {  	_ =	shalt  }
0x68: {  	_ =	shalt  }
0x69: {  	_ =	shalt  }
0x6a: {  	_ =	shalt  }
0x6b: {  	_ =	shalt  }
0x6c: {  	_ =	shalt  }
0x6d: {  	_ =	shalt  }
0x6e: {  	_ =	shalt  }
0x6f: {  	_ =	shalt  }
0x70: {  	_ =	shalt  }
0x71: {  	_ =	shalt  }
0x72: {  	_ =	shalt  }
0x73: {  	_ =	shalt  }
0x74: {  	_ =	shalt  }
0x75: {  	_ =	shalt  }
0x76: {  	_ =	shalt  }
0x77: {  	_ =	shalt  }
0x78: {  	_ =	shalt  }
0x79: {  	_ =	shalt  }
0x7a: {  	_ =	shalt  }
0x7b: {  	_ =	shalt  }
0x7c: {  	_ =	shalt  }
0x7d: {  	_ =	shalt  }
0x7e: {  	_ =	shalt  }
0x7f: {  	_ =	shalt  }
0x80: {  	_ =	shalt  }
0x81: {  	_ =	shalt  }
0x82: {  	_ =	shalt  }
0x83: {  	_ =	shalt  }
0x84: {  	_ =	shalt  }
0x85: {  	_ =	shalt  }
0x86: {  	_ =	shalt  }
0x87: {  	_ =	shalt  }
.Lfunc_end0:
.L_simem_size_0:
called_computation.1_lowered:
.L_overlay_start_0:
0x88: {  	s2 =	sld [smem:$0x3FD9]  }
0x89: {  	s3 =	sld [smem:$0x3FFE];
	_ =	sdelay $0x1  }
0x8a: {  	s1 =	srdreg.scid  }
0x8b: {  	s0 =	sand.u32 $0x1, s1  }
0x8c: {  	s16 =	sshll.u32 s0, $0xA;
	s2 =	sadd.s32 s3, s2  }
0x8d: {  	s2 =	sadd.s32 s2, s16  }
0x8e: {  	[smem:$0x3FBB] =	sst s2  }
0x8f: {  	_ = 	snop  }
0x90: {  	(tm) =	ssettm $0x1  }
0x91: {  	s17 =	sld [smem:$0x3FFB];
	_ =	sdelay $0x3  }
0x92: {  	_ =	strace s17  }
0x93: {  	s2 =	sld [smem:$0x3FFC];
	_ =	sdelay $0x3  }
0x94: {  	_ =	strace s2  }
0x95: {  	s2 =	sld [smem:$0x3FFD];
	_ =	sdelay $0x3  }
0x96: {  	_ =	strace s2  }
0x97: {  	_ =	strace $0x8FFFFFFF  }
0x98: {  	s18 =	sld [smem:$0x3FDB];
	_ =	sdelay $0x1  }
0x99: {  	s19 =	simm.s32 $_scs_section_size  }
0x9a: {  	s4 =	simm.s32 $_size__tile_overlayer_lowered;
	s5 =	simm.s32 $_tile_overlayer_lowered  }
0x9b: {  	s22 =	simm.s32 $0x1BFF;
	s21 =	sshll.u32 s5, $0x1;
	s2 =	sadd.s32 s19, s18  }
0x9c: {  	s6 =	simm.s32 $0x0;
	s20 =	sshll.u32 s4, $0x1;
	s4 =	sadd.s32 s21, s2  }
0x9d: {  	[timem:s6], [sflag:s22] =	dma.local [hbm:s4], s20  }
0x9e: {  	_ =	swait.ge [sflag:s22], s20  }
0x9f: {  	s3 =	ssub.s32 $0x0, s20;
	[sflag:s22] =	ssyncset.done $0x0  }
0xa0: {  	[sflag:s22] =	ssyncadd.s32 s3;
	_ =	sdelay $0x1  }
0xa1: {  	s23 =	simm.s32 $0x1B8B  }
0xa2: {  	_ =	swait.ge [sflag:s23], $0x1  }
0xa3: {  	[sflag:s23] =	ssyncset.done $0x0  }
0xa4: {  	s25 =	simm.s32 $0x1B8E;
	s24 =	sld [smem:$0x3FFE];
	[sflag:s23] =	ssyncadd.s32 $0xFFFFFFFF  }
0xa5: {  	s26 =	simm.s32 $execute0_lowered;
	[smem:$0x3FD2] =	sst s25  }
0xa6: {  	s4 =	sshll.u32 s26, $0x1;
	_ =	strace $0x80000049;
	[dreg:$0x1] =	wrdreg $0xFFFFFFFF  }
0xa7: {  	s28 =	simm.s32 $_size_execute0_lowered;
	s2 =	sadd.s32 s2, s4;
	[dreg:$0x0] =	wrdreg $0x0  }
0xa8: {  	s4 =	sshll.u32 s28, $0x1;
	[dreg:$0x2] =	wrdreg s2  }
0xa9: {  	[dreg:$0x3] =	wrdreg s4  }
0xaa: {  	[dreg:$0x4] =	wrdreg $0xC0  }
0xab: {  	_ =	task [dreg:s6], $0x5FFFF  }
0xac: {  	[dreg:$0x1] =	wrdreg $0xFFFFFFFF  }
0xad: {  	[dreg:$0x0] =	wrdreg $0x60  }
0xae: {  	[dreg:$0x2] =	wrdreg s24  }
0xaf: {  	[dreg:$0x3] =	wrdreg $0xD0000  }
0xb0: {  	[dreg:$0x4] =	wrdreg $0x9  }
0xb1: {  	_ =	task.clear_ibuf [dreg:s6], $0x5FFFF;
	_ =	strace $0x90000049  }
0xb2: {  	s29 =	simm.s32 $0x9;
	_ =	strace $0x8000004B  }
0xb3: {  	_ =	swait.ge [sflag:s29], $0x1  }
0xb4: {  	[sflag:s29] =	ssyncadd.s32 $0xFFFFFFFF  }
0xb5: {  	_ =	strace $0x9000004B  }
0xb6: {  	_ =	sfence  }
0xb7: {  	s30 =	sld [smem:$0x0];
	_ =	sdelay $0x2  }
0xb8: {  	s31 =	sshll.u32 s1, $0xD;
	s1 =	sshrl.u32 s1, $0x2  }
0xb9: {  	s3 =	sand.u32 $0x4000, s31;
	s1 =	sadd.s32 s1, s30  }
0xba: {  	s0 =	sor.u32 s3, s0;
	s1 =	sshll.u32 s1, $0x11  }
0xbb: {  	s0 =	sor.u32 s1, s0  }
0xbc: {  	s0 =	sadd.s32 $0x8F2B, s0  }
0xbd: {  	[sflag:s0] =	ssyncadd.remote.s32 $0x1  }
0xbe: {  	_ =	sfence.sel $0xFFFF  }
0xbf: {  	[dreg:$0x0] =	wrdreg $0xFFFFFFFF;
	(pc) =	sbr.abs _section_cstart, $3  }
0xc0: {  	[dreg:$0x1] =	wrdreg $0xFFFFFFFF  }
0xc1: {  	_ =	task.clear_ibuf [dreg:s6], $0x2FFFF;
	_ =	strace $0x9FFFFFFF  }
0xc2: {  	(tm) =	ssettm $0x7FFFFFFF  }
0xc3: {  	_ =	shalt  }
tec
execute0_lowered:
.L_overlay_start_1:
0x0: {  	(tag) =	ssettag $0x1  }
0x1: {  	s1 =	rddreg [dreg:$0x0]  }
0x2: {  	s2 =	rddreg [dreg:$0x1];
	s30 =	simm.s32 $0x0  }
0x3: {  	s25 =	simm.s32 $0x400;
	[smem:$0x7FF] =	sst s30  }
0x4: {  	s26 =	simm.s32 $0x2A00;
	_ =	strace $0x8000004A;
	[dreg:$0x7] =	wrdreg s25  }
0x5: {  	s0 =	srdreg.scid;
	s7 =	simm.s32 $0x800;
	[dreg:$0x8] =	wrdreg s26  }
0x6: {  	s12 =	stileid.u32;
	s8 =	simm.s32 $0x2E00;
	[dreg:$0xb] =	wrdreg s7  }
0x7: {  	s9 =	simm.s32 $0xA00;
	s10 =	simm.s32 $0x3000;
	[dreg:$0xc] =	wrdreg s8  }
0x8: {  	s13 =	simm.s32 $0xC00;
	s14 =	simm.s32 $0x3200;
	[dreg:$0xd] =	wrdreg s9  }
0x9: {  	s16 =	simm.s32 $0xE00;
	s18 =	simm.s32 $0x3400;
	[dreg:$0xe] =	wrdreg s10  }
0xa: {  	s19 =	simm.s32 $0x1000;
	s20 =	simm.s32 $0x3600;
	[dreg:$0xf] =	wrdreg s13  }
0xb: {  	s21 =	simm.s32 $0x1200;
	s22 =	simm.s32 $0x3800;
	[dreg:$0x10] =	wrdreg s14  }
0xc: {  	s31 =	simm.s32 $0x2800;
	s29 =	simm.s32 $0x1800;
	[dreg:$0x11] =	wrdreg s16  }
0xd: {  	s28 =	simm.s32 $0x4000;
	p0 =	por $0x0, $0x0;
	[dreg:$0x12] =	wrdreg s18  }
0xe: {  	s0 =	sand.u32 $0x1, s0;
	s4 =	smul.u32 $0x4F00, s12;
	[dreg:$0x13] =	wrdreg s19  }
0xf: {  	s17 =	sshll.u32 s12, $0x6;
	s3 =	sshll.u32 s0, $0x4;
	[dreg:$0x14] =	wrdreg s20  }
0x10: {  	s6 =	smul.u32 $0x4F000, s0;
	s0 =	ssub.s32 $0x2, s0;
	[dreg:$0x15] =	wrdreg s21  }
0x11: {  	[dreg:$0x16] =	wrdreg s22;
	s7 =	simm.s32 $0x200;
	s9 =	simm.s32 $0x5000  }
0x12: {  	s25 =	simm.s32 $0x1600;
	s26 =	simm.s32 $0x3C00;
	s8 =	simm.s32 $0x9000  }
0x13: {  	s10 =	simm.s32 $0x2;
	s18 =	simm.s32 $0x3E00;
	s22 =	simm.s32 $0x1E00  }
0x14: {  	s20 =	simm.s32 $0x2000;
	s21 =	simm.s32 $0x4600;
	s19 =	simm.s32 $0x4800  }
0x15: {  	s16 =	simm.s32 $0x2400;
	s14 =	simm.s32 $0x2600;
	s13 =	simm.s32 $0x4E00  }
0x16: {  	s3 =	sor.u32 s12, s3;
	s5 =	sshrl.u32 s4, $0x3;
	[dreg:$0x19] =	wrdreg s25  }
0x17: {  	s11 =	sshrl.u32 s0, $0x1;
	s15 =	sadd.s32 s4, s2;
	[dreg:$0x1a] =	wrdreg s26  }
0x18: {  	s26 =	simm.s32 $0x1A00;
	s25 =	simm.s32 $0x4200;
	s3 =	smul.u32 $0x500, s3  }
0x19: {  	s5 =	sadd.s32 s5, s1;
	s6 =	sadd.s32 s4, s6;
	s0 =	ssub.s32 s0, s11  }
0x1a: {  	s4 =	sor.u32 $0x1C03, s17;
	s11 =	simm.s32 $0x1;
	s17 =	simm.s32 $0x4A00  }
0x1b: {  	s5 =	sadd.s32 $0x1FC00, s5;
	s6 =	sshrl.u32 s6, $0x3;
	s0 =	smax.u32 s0, $0x1  }
0x1c: {  	s3 =	sadd.s32 s3, s1;
	[dreg:$0x3] =	wrdreg s5;
	s5 =	simm.s32 $0x600  }
0x1d: {  	s6 =	sadd.s32 s6, s1;
	s23 =	sadd.s32 $0x15C00, s3;
	[dreg:$0x9] =	wrdreg s5  }
0x1e: {  	p1 =	sne.s32 s0, $0x1;
	s3 =	sadd.s32 $0xBC00, s3;
	[dreg:$0x4] =	wrdreg s23  }
0x1f: {  	s24 =	sadd.s32 $0x29A00, s6;
	s6 =	simm.s32 $0x2C00;
	[dreg:$0x5] =	wrdreg s3  }
.Ltmp0:
0x20: {  	s5 =	sshrl.u32 s15, $0x3;
	[dreg:$0x6] =	wrdreg s24;
	(pc) =	sbr.rel @!p1 .LBB2_1-.Ltmp0, $4  }
0x21: {  	s15 =	simm.s32 $0x4C00;
	[dreg:$0xa] =	wrdreg s6;
	s3 =	sadd.s32 $0x1E00, s1  }
0x22: {  	s23 =	simm.s32 $0x1400;
	s1 =	sadd.s32 $0xFFFFFFFF, s0;
	s0 =	rddreg [dreg:$0x3]  }
0x23: {  	s6 =	simm.s32 $0x3;
	s24 =	simm.s32 $0x3A00;
	[dreg:$0x17] =	wrdreg s23  }
0x24: {  	[dreg:$0x18] =	wrdreg s24;
	s24 =	simm.s32 $0x1C00;
	s23 =	simm.s32 $0x4400  }
0x25: {  	[spmem:s5], [sflag:s4] =	dma.local [hbm:s0], $0x9E0  }
0x26: {  	_ =	swait.ge [sflag:s6], $0x9E0  }
0x27: {  	[sflag:s6] =	ssyncset.done $0x0  }
0x28: {  	s12 =	rddreg [dreg:$0x4];
	[sflag:s6] =	ssyncadd.s32 $0xFFFFF620  }
0x29: {  	[tilespmem:s30], [sflag:$0x3] =	stream.linear.gather [hbm4b:s12+s30], $0x2800, $0x38;
	[tilespmem:$0x11F00] =	vst v63  }
0x2a: {  	_ =	swait.ge [sflag:s6], $0x2800  }
0x2b: {  	[sflag:s6] =	ssyncset.done $0x0  }
0x2c: {  	s12 =	rddreg [dreg:$0x5];
	[sflag:s6] =	ssyncadd.s32 $0xFFFFD800  }
0x2d: {  	[tilespmem:s31], [sflag:$0x3] =	stream.linear.gather [hbm4b:s12+s30], $0x2800, $0x38;
	[tilespmem:$0x11F00] =	vst v63  }
0x2e: {  	_ =	swait.ge [sflag:s6], $0x2800  }
0x2f: {  	[sflag:s6] =	ssyncset.done $0x0  }
0x30: {  	[sflag:s6] =	ssyncadd.s32 $0xFFFFD800  }
0x31: {  	[bflag:$0x0] =	sbarrier.arrive $0xFFFF  }
0x32: {  	[tilespmem:s9], [sflag:$0x1] =	stream.indirect.gather [hbm4b:s3+s7], $0x20, s30, s7, $0xb8;
	[tilespmem:$0x11F00] =	vst v63  }
0x33: {  	_ =	swait.ge [sflag:s11], $0x4000  }
0x34: {  	[sflag:s11] =	ssyncset.done $0x0  }
0x35: {  	[sflag:s11] =	ssyncadd.s32 $0xFFFFC000  }
0x36: {  	[tilespmem:s8], [sflag:$0x2] =	stream.indirect.gather [hbm4b:s3+s7], $0x20, s7, s7, $0xb8;
	[tilespmem:$0x11F00] =	vst v63  }
0x37: {  	_ = 	snop  }
0x38: {  	[spmem:s2] =	stream.indirect.scatter.add.f32 [tilespmem:s9], [sflag:$0x3], $0x20, s31, s7, $0xb8;
	[tilespmem:$0x11F00] =	vst v63  }
0x39: {  	_ =	swait.ge [sflag:s6], $0x4000  }
0x3a: {  	[sflag:s6] =	ssyncset.done $0x0  }
0x3b: {  	[sflag:s6] =	ssyncadd.s32 $0xFFFFC000  }
0x3c: {  	_ =	swait.ge [sflag:s10], $0x4000  }
0x3d: {  	[sflag:s10] =	ssyncset.done $0x0  }
0x3e: {  	s0 =	rddreg [dreg:$0x7];
	[sflag:s10] =	ssyncadd.s32 $0xFFFFC000  }
0x3f: {  	[tilespmem:s9], [sflag:$0x1] =	stream.indirect.gather [hbm4b:s3+s7], $0x20, s0, s7, $0xb8;
	[tilespmem:$0x11F00] =	vst v63  }
0x40: {  	s12 =	smov.u32 s1;
	s1 =	rddreg [dreg:$0x8]  }
0x41: {  	[spmem:s2] =	stream.indirect.scatter.add.f32 [tilespmem:s8], [sflag:$0x3], $0x20, s1, s7, $0xb8;
	[tilespmem:$0x11F00] =	vst v63  }
0x42: {  	_ =	swait.ge [sflag:s6], $0x4000  }
0x43: {  	[sflag:s6] =	ssyncset.done $0x0  }
0x44: {  	[sflag:s6] =	ssyncadd.s32 $0xFFFFC000  }
0x45: {  	_ =	swait.ge [sflag:s11], $0x4000  }
0x46: {  	[sflag:s11] =	ssyncset.done $0x0  }
0x47: {  	s0 =	rddreg [dreg:$0x9];
	[sflag:s11] =	ssyncadd.s32 $0xFFFFC000  }
0x48: {  	[tilespmem:s8], [sflag:$0x2] =	stream.indirect.gather [hbm4b:s3+s7], $0x20, s0, s7, $0xb8;
	[tilespmem:$0x11F00] =	vst v63  }
0x49: {  	s1 =	rddreg [dreg:$0xa]  }
0x4a: {  	[spmem:s2] =	stream.indirect.scatter.add.f32 [tilespmem:s9], [sflag:$0x3], $0x20, s1, s7, $0xb8;
	[tilespmem:$0x11F00] =	vst v63  }
0x4b: {  	_ =	swait.ge [sflag:s6], $0x4000  }
0x4c: {  	[sflag:s6] =	ssyncset.done $0x0  }
0x4d: {  	[sflag:s6] =	ssyncadd.s32 $0xFFFFC000  }
0x4e: {  	_ =	swait.ge [sflag:s10], $0x4000  }
0x4f: {  	[sflag:s10] =	ssyncset.done $0x0  }
0x50: {  	s0 =	rddreg [dreg:$0xb];
	[sflag:s10] =	ssyncadd.s32 $0xFFFFC000  }
0x51: {  	[tilespmem:s9], [sflag:$0x1] =	stream.indirect.gather [hbm4b:s3+s7], $0x20, s0, s7, $0xb8;
	[tilespmem:$0x11F00] =	vst v63  }
0x52: {  	s1 =	rddreg [dreg:$0xc]  }
0x53: {  	[spmem:s2] =	stream.indirect.scatter.add.f32 [tilespmem:s8], [sflag:$0x3], $0x20, s1, s7, $0xb8;
	[tilespmem:$0x11F00] =	vst v63  }
0x54: {  	_ =	swait.ge [sflag:s6], $0x4000  }
0x55: {  	[sflag:s6] =	ssyncset.done $0x0  }
0x56: {  	[sflag:s6] =	ssyncadd.s32 $0xFFFFC000  }
0x57: {  	_ =	swait.ge [sflag:s11], $0x4000  }
0x58: {  	[sflag:s11] =	ssyncset.done $0x0  }
0x59: {  	s0 =	rddreg [dreg:$0xd];
	[sflag:s11] =	ssyncadd.s32 $0xFFFFC000  }
0x5a: {  	[tilespmem:s8], [sflag:$0x2] =	stream.indirect.gather [hbm4b:s3+s7], $0x20, s0, s7, $0xb8;
	[tilespmem:$0x11F00] =	vst v63  }
0x5b: {  	s1 =	rddreg [dreg:$0xe]  }
0x5c: {  	[spmem:s2] =	stream.indirect.scatter.add.f32 [tilespmem:s9], [sflag:$0x3], $0x20, s1, s7, $0xb8;
	[tilespmem:$0x11F00] =	vst v63  }
0x5d: {  	_ =	swait.ge [sflag:s6], $0x4000  }
0x5e: {  	[sflag:s6] =	ssyncset.done $0x0  }
0x5f: {  	[sflag:s6] =	ssyncadd.s32 $0xFFFFC000  }
0x60: {  	_ =	swait.ge [sflag:s10], $0x4000  }
0x61: {  	[sflag:s10] =	ssyncset.done $0x0  }
0x62: {  	s0 =	rddreg [dreg:$0xf];
	[sflag:s10] =	ssyncadd.s32 $0xFFFFC000  }
0x63: {  	[tilespmem:s9], [sflag:$0x1] =	stream.indirect.gather [hbm4b:s3+s7], $0x20, s0, s7, $0xb8;
	[tilespmem:$0x11F00] =	vst v63  }
0x64: {  	s1 =	rddreg [dreg:$0x10]  }
0x65: {  	[spmem:s2] =	stream.indirect.scatter.add.f32 [tilespmem:s8], [sflag:$0x3], $0x20, s1, s7, $0xb8;
	[tilespmem:$0x11F00] =	vst v63  }
0x66: {  	_ =	swait.ge [sflag:s6], $0x4000  }
0x67: {  	[sflag:s6] =	ssyncset.done $0x0  }
0x68: {  	[sflag:s6] =	ssyncadd.s32 $0xFFFFC000  }
0x69: {  	_ =	swait.ge [sflag:s11], $0x4000  }
0x6a: {  	[sflag:s11] =	ssyncset.done $0x0  }
0x6b: {  	s0 =	rddreg [dreg:$0x11];
	[sflag:s11] =	ssyncadd.s32 $0xFFFFC000  }
0x6c: {  	[tilespmem:s8], [sflag:$0x2] =	stream.indirect.gather [hbm4b:s3+s7], $0x20, s0, s7, $0xb8;
	[tilespmem:$0x11F00] =	vst v63  }
0x6d: {  	s1 =	rddreg [dreg:$0x12]  }
0x6e: {  	[spmem:s2] =	stream.indirect.scatter.add.f32 [tilespmem:s9], [sflag:$0x3], $0x20, s1, s7, $0xb8;
	[tilespmem:$0x11F00] =	vst v63  }
0x6f: {  	_ =	swait.ge [sflag:s6], $0x4000  }
0x70: {  	[sflag:s6] =	ssyncset.done $0x0  }
0x71: {  	[sflag:s6] =	ssyncadd.s32 $0xFFFFC000  }
0x72: {  	_ =	swait.ge [sflag:s10], $0x4000  }
0x73: {  	[sflag:s10] =	ssyncset.done $0x0  }
0x74: {  	s0 =	rddreg [dreg:$0x13];
	[sflag:s10] =	ssyncadd.s32 $0xFFFFC000  }
0x75: {  	[tilespmem:s9], [sflag:$0x1] =	stream.indirect.gather [hbm4b:s3+s7], $0x20, s0, s7, $0xb8;
	[tilespmem:$0x11F00] =	vst v63  }
0x76: {  	s1 =	rddreg [dreg:$0x14]  }
0x77: {  	[spmem:s2] =	stream.indirect.scatter.add.f32 [tilespmem:s8], [sflag:$0x3], $0x20, s1, s7, $0xb8;
	[tilespmem:$0x11F00] =	vst v63  }
0x78: {  	_ =	swait.ge [sflag:s6], $0x4000  }
0x79: {  	[sflag:s6] =	ssyncset.done $0x0  }
0x7a: {  	[sflag:s6] =	ssyncadd.s32 $0xFFFFC000  }
0x7b: {  	_ =	swait.ge [sflag:s11], $0x4000  }
0x7c: {  	[sflag:s11] =	ssyncset.done $0x0  }
0x7d: {  	s0 =	rddreg [dreg:$0x15];
	[sflag:s11] =	ssyncadd.s32 $0xFFFFC000  }
0x7e: {  	[tilespmem:s8], [sflag:$0x2] =	stream.indirect.gather [hbm4b:s3+s7], $0x20, s0, s7, $0xb8;
	[tilespmem:$0x11F00] =	vst v63  }
0x7f: {  	s1 =	rddreg [dreg:$0x16]  }
0x80: {  	[spmem:s2] =	stream.indirect.scatter.add.f32 [tilespmem:s9], [sflag:$0x3], $0x20, s1, s7, $0xb8;
	[tilespmem:$0x11F00] =	vst v63  }
0x81: {  	_ =	swait.ge [sflag:s6], $0x4000  }
0x82: {  	[sflag:s6] =	ssyncset.done $0x0  }
0x83: {  	[sflag:s6] =	ssyncadd.s32 $0xFFFFC000  }
0x84: {  	_ =	swait.ge [sflag:s10], $0x4000  }
0x85: {  	[sflag:s10] =	ssyncset.done $0x0  }
0x86: {  	s0 =	rddreg [dreg:$0x17];
	[sflag:s10] =	ssyncadd.s32 $0xFFFFC000  }
0x87: {  	[tilespmem:s9], [sflag:$0x1] =	stream.indirect.gather [hbm4b:s3+s7], $0x20, s0, s7, $0xb8;
	[tilespmem:$0x11F00] =	vst v63  }
0x88: {  	s1 =	rddreg [dreg:$0x18]  }
0x89: {  	[spmem:s2] =	stream.indirect.scatter.add.f32 [tilespmem:s8], [sflag:$0x3], $0x20, s1, s7, $0xb8;
	[tilespmem:$0x11F00] =	vst v63  }
0x8a: {  	_ =	swait.ge [sflag:s6], $0x4000  }
0x8b: {  	[sflag:s6] =	ssyncset.done $0x0  }
0x8c: {  	[sflag:s6] =	ssyncadd.s32 $0xFFFFC000  }
0x8d: {  	_ =	swait.ge [sflag:s11], $0x4000  }
0x8e: {  	[sflag:s11] =	ssyncset.done $0x0  }
0x8f: {  	s0 =	rddreg [dreg:$0x19];
	[sflag:s11] =	ssyncadd.s32 $0xFFFFC000  }
0x90: {  	[tilespmem:s8], [sflag:$0x2] =	stream.indirect.gather [hbm4b:s3+s7], $0x20, s0, s7, $0xb8;
	[tilespmem:$0x11F00] =	vst v63  }
0x91: {  	s1 =	rddreg [dreg:$0x1a]  }
0x92: {  	[spmem:s2] =	stream.indirect.scatter.add.f32 [tilespmem:s9], [sflag:$0x3], $0x20, s1, s7, $0xb8;
	[tilespmem:$0x11F00] =	vst v63  }
0x93: {  	_ =	swait.ge [sflag:s6], $0x4000  }
0x94: {  	[sflag:s6] =	ssyncset.done $0x0  }
0x95: {  	[sflag:s6] =	ssyncadd.s32 $0xFFFFC000  }
0x96: {  	_ =	swait.ge [sflag:s10], $0x4000  }
0x97: {  	[sflag:s10] =	ssyncset.done $0x0  }
0x98: {  	[sflag:s10] =	ssyncadd.s32 $0xFFFFC000  }
0x99: {  	[tilespmem:s9], [sflag:$0x1] =	stream.indirect.gather [hbm4b:s3+s7], $0x20, s29, s7, $0xb8;
	[tilespmem:$0x11F00] =	vst v63  }
0x9a: {  	_ = 	snop  }
0x9b: {  	[spmem:s2] =	stream.indirect.scatter.add.f32 [tilespmem:s8], [sflag:$0x3], $0x20, s18, s7, $0xb8;
	[tilespmem:$0x11F00] =	vst v63  }
0x9c: {  	_ =	swait.ge [sflag:s6], $0x4000  }
0x9d: {  	[sflag:s6] =	ssyncset.done $0x0  }
0x9e: {  	[sflag:s6] =	ssyncadd.s32 $0xFFFFC000  }
0x9f: {  	_ =	swait.ge [sflag:s11], $0x4000  }
0xa0: {  	[sflag:s11] =	ssyncset.done $0x0  }
0xa1: {  	[sflag:s11] =	ssyncadd.s32 $0xFFFFC000  }
0xa2: {  	[tilespmem:s8], [sflag:$0x2] =	stream.indirect.gather [hbm4b:s3+s7], $0x20, s26, s7, $0xb8;
	[tilespmem:$0x11F00] =	vst v63  }
0xa3: {  	_ = 	snop  }
0xa4: {  	[spmem:s2] =	stream.indirect.scatter.add.f32 [tilespmem:s9], [sflag:$0x3], $0x20, s28, s7, $0xb8;
	[tilespmem:$0x11F00] =	vst v63  }
0xa5: {  	_ =	swait.ge [sflag:s6], $0x4000  }
0xa6: {  	[sflag:s6] =	ssyncset.done $0x0  }
0xa7: {  	[sflag:s6] =	ssyncadd.s32 $0xFFFFC000  }
0xa8: {  	_ =	swait.ge [sflag:s10], $0x4000  }
0xa9: {  	[sflag:s10] =	ssyncset.done $0x0  }
0xaa: {  	[sflag:s10] =	ssyncadd.s32 $0xFFFFC000  }
0xab: {  	[tilespmem:s9], [sflag:$0x1] =	stream.indirect.gather [hbm4b:s3+s7], $0x20, s24, s7, $0xb8;
	[tilespmem:$0x11F00] =	vst v63  }
0xac: {  	_ = 	snop  }
0xad: {  	[spmem:s2] =	stream.indirect.scatter.add.f32 [tilespmem:s8], [sflag:$0x3], $0x20, s25, s7, $0xb8;
	[tilespmem:$0x11F00] =	vst v63  }
0xae: {  	_ =	swait.ge [sflag:s6], $0x4000  }
0xaf: {  	[sflag:s6] =	ssyncset.done $0x0  }
0xb0: {  	[sflag:s6] =	ssyncadd.s32 $0xFFFFC000  }
0xb1: {  	_ =	swait.ge [sflag:s11], $0x4000  }
0xb2: {  	[sflag:s11] =	ssyncset.done $0x0  }
0xb3: {  	[sflag:s11] =	ssyncadd.s32 $0xFFFFC000  }
0xb4: {  	[tilespmem:s8], [sflag:$0x2] =	stream.indirect.gather [hbm4b:s3+s7], $0x20, s22, s7, $0xb8;
	[tilespmem:$0x11F00] =	vst v63  }
0xb5: {  	_ = 	snop  }
0xb6: {  	[spmem:s2] =	stream.indirect.scatter.add.f32 [tilespmem:s9], [sflag:$0x3], $0x20, s23, s7, $0xb8;
	[tilespmem:$0x11F00] =	vst v63  }
0xb7: {  	_ =	swait.ge [sflag:s6], $0x4000  }
0xb8: {  	[sflag:s6] =	ssyncset.done $0x0  }
0xb9: {  	[sflag:s6] =	ssyncadd.s32 $0xFFFFC000  }
0xba: {  	_ =	swait.ge [sflag:s10], $0x4000  }
0xbb: {  	[sflag:s10] =	ssyncset.done $0x0  }
0xbc: {  	[sflag:s10] =	ssyncadd.s32 $0xFFFFC000  }
0xbd: {  	[tilespmem:s9], [sflag:$0x1] =	stream.indirect.gather [hbm4b:s3+s7], $0x20, s20, s7, $0xb8;
	[tilespmem:$0x11F00] =	vst v63  }
0xbe: {  	_ = 	snop  }
0xbf: {  	[spmem:s2] =	stream.indirect.scatter.add.f32 [tilespmem:s8], [sflag:$0x3], $0x20, s21, s7, $0xb8;
	[tilespmem:$0x11F00] =	vst v63  }
0xc0: {  	_ =	swait.ge [sflag:s6], $0x4000  }
0xc1: {  	[sflag:s6] =	ssyncset.done $0x0  }
0xc2: {  	[sflag:s6] =	ssyncadd.s32 $0xFFFFC000  }
0xc3: {  	_ =	swait.ge [sflag:s11], $0x4000  }
0xc4: {  	[sflag:s11] =	ssyncset.done $0x0  }
0xc5: {  	s1 =	simm.s32 $0x2200;
	[sflag:s11] =	ssyncadd.s32 $0xFFFFC000  }
0xc6: {  	[tilespmem:s8], [sflag:$0x2] =	stream.indirect.gather [hbm4b:s3+s7], $0x20, s1, s7, $0xb8;
	[tilespmem:$0x11F00] =	vst v63  }
0xc7: {  	_ = 	snop  }
0xc8: {  	[spmem:s2] =	stream.indirect.scatter.add.f32 [tilespmem:s9], [sflag:$0x3], $0x20, s19, s7, $0xb8;
	[tilespmem:$0x11F00] =	vst v63  }
0xc9: {  	_ =	swait.ge [sflag:s6], $0x4000  }
0xca: {  	[sflag:s6] =	ssyncset.done $0x0  }
0xcb: {  	[sflag:s6] =	ssyncadd.s32 $0xFFFFC000  }
0xcc: {  	_ =	swait.ge [sflag:s10], $0x4000  }
0xcd: {  	[sflag:s10] =	ssyncset.done $0x0  }
0xce: {  	[sflag:s10] =	ssyncadd.s32 $0xFFFFC000  }
0xcf: {  	[tilespmem:s9], [sflag:$0x1] =	stream.indirect.gather [hbm4b:s3+s7], $0x20, s16, s7, $0xb8;
	[tilespmem:$0x11F00] =	vst v63  }
0xd0: {  	_ = 	snop  }
0xd1: {  	[spmem:s2] =	stream.indirect.scatter.add.f32 [tilespmem:s8], [sflag:$0x3], $0x20, s17, s7, $0xb8;
	[tilespmem:$0x11F00] =	vst v63  }
0xd2: {  	_ =	swait.ge [sflag:s6], $0x4000  }
0xd3: {  	[sflag:s6] =	ssyncset.done $0x0  }
0xd4: {  	[sflag:s6] =	ssyncadd.s32 $0xFFFFC000  }
0xd5: {  	_ =	swait.ge [sflag:s11], $0x4000  }
0xd6: {  	[sflag:s11] =	ssyncset.done $0x0  }
0xd7: {  	[sflag:s11] =	ssyncadd.s32 $0xFFFFC000  }
0xd8: {  	[tilespmem:s8], [sflag:$0x2] =	stream.indirect.gather [hbm4b:s3+s7], $0x20, s14, s7, $0xb8;
	[tilespmem:$0x11F00] =	vst v63  }
0xd9: {  	_ = 	snop  }
0xda: {  	[spmem:s2] =	stream.indirect.scatter.add.f32 [tilespmem:s9], [sflag:$0x3], $0x20, s15, s7, $0xb8;
	[tilespmem:$0x11F00] =	vst v63  }
0xdb: {  	_ =	swait.ge [sflag:s6], $0x4000  }
0xdc: {  	[sflag:s6] =	ssyncset.done $0x0  }
0xdd: {  	[sflag:s6] =	ssyncadd.s32 $0xFFFFC000  }
0xde: {  	_ =	swait.ge [sflag:s10], $0x4000  }
0xdf: {  	[sflag:s10] =	ssyncset.done $0x0  }
0xe0: {  	[sflag:s10] =	ssyncadd.s32 $0xFFFFC000  }
0xe1: {  	[spmem:s2] =	stream.indirect.scatter.add.f32 [tilespmem:s8], [sflag:$0x3], $0x20, s13, s7, $0xb8;
	[tilespmem:$0x11F00] =	vst v63  }
0xe2: {  	_ =	swait.ge [sflag:s6], $0x4000  }
0xe3: {  	[sflag:s6] =	ssyncset.done $0x0  }
0xe4: {  	p1 =	sne.s32 s12, $0x1;
	[sflag:s6] =	ssyncadd.s32 $0xFFFFC000  }
.Ltmp1:
0xe5: {  	[bflag:$0x0] =	sbarrier.arrive $0xFFFF;
	(pc) =	sbr.rel @!p1 .LBB2_3-.Ltmp1, $4  }
0xe6: {  	s1 =	rddreg [dreg:$0x6]  }
0xe7: {  	[hbm:s1], [sflag:s4] =	dma.local [spmem:s5], $0x9E0  }
0xe8: {  	p0 =	por $0x1, $0x1;
	_ =	swait.ge [sflag:s6], $0x9E0  }
0xe9: {  	s1 =	sadd.s32 $0xFFFFFFFF, s12;
	s0 =	rddreg [dreg:$0x3];
	[sflag:s6] =	ssyncset.done $0x0  }
.LBB2_4:
0xea: {  	[sflag:s6] =	ssyncadd.s32 $0xFFFFF620  }
0xeb: {  	[spmem:s5], [sflag:s4] =	dma.local [hbm:s0], $0x9E0  }
0xec: {  	_ =	swait.ge [sflag:s6], $0x9E0  }
0xed: {  	[sflag:s6] =	ssyncset.done $0x0  }
0xee: {  	s12 =	rddreg [dreg:$0x4];
	[sflag:s6] =	ssyncadd.s32 $0xFFFFF620  }
0xef: {  	[tilespmem:s30], [sflag:$0x3] =	stream.linear.gather [hbm4b:s12+s30], $0x2800, $0x38;
	[tilespmem:$0x11F00] =	vst v63  }
0xf0: {  	_ =	swait.ge [sflag:s6], $0x2800  }
0xf1: {  	[sflag:s6] =	ssyncset.done $0x0  }
0xf2: {  	s12 =	rddreg [dreg:$0x5];
	[sflag:s6] =	ssyncadd.s32 $0xFFFFD800  }
0xf3: {  	[tilespmem:s31], [sflag:$0x3] =	stream.linear.gather [hbm4b:s12+s30], $0x2800, $0x38;
	[tilespmem:$0x11F00] =	vst v63  }
0xf4: {  	_ =	swait.ge [sflag:s6], $0x2800  }
0xf5: {  	[sflag:s6] =	ssyncset.done $0x0  }
0xf6: {  	[sflag:s6] =	ssyncadd.s32 $0xFFFFD800  }
0xf7: {  	[bflag:$0x0] =	sbarrier.arrive $0xFFFF  }
0xf8: {  	[tilespmem:s9], [sflag:$0x1] =	stream.indirect.gather [hbm4b:s3+s7], $0x20, s30, s7, $0xb8;
	[tilespmem:$0x11F00] =	vst v63  }
0xf9: {  	_ =	swait.ge [sflag:s11], $0x4000  }
0xfa: {  	[sflag:s11] =	ssyncset.done $0x0  }
0xfb: {  	[sflag:s11] =	ssyncadd.s32 $0xFFFFC000  }
0xfc: {  	[tilespmem:s8], [sflag:$0x2] =	stream.indirect.gather [hbm4b:s3+s7], $0x20, s7, s7, $0xb8;
	[tilespmem:$0x11F00] =	vst v63  }
0xfd: {  	_ = 	snop  }
0xfe: {  	[spmem:s2] =	stream.indirect.scatter.add.f32 [tilespmem:s9], [sflag:$0x3], $0x20, s31, s7, $0xb8;
	[tilespmem:$0x11F00] =	vst v63  }
0xff: {  	_ =	swait.ge [sflag:s6], $0x4000  }
0x100: {  	[sflag:s6] =	ssyncset.done $0x0  }
0x101: {  	[sflag:s6] =	ssyncadd.s32 $0xFFFFC000  }
0x102: {  	_ =	swait.ge [sflag:s10], $0x4000  }
0x103: {  	[sflag:s10] =	ssyncset.done $0x0  }
0x104: {  	s0 =	rddreg [dreg:$0x7];
	[sflag:s10] =	ssyncadd.s32 $0xFFFFC000  }
0x105: {  	[tilespmem:s9], [sflag:$0x1] =	stream.indirect.gather [hbm4b:s3+s7], $0x20, s0, s7, $0xb8;
	[tilespmem:$0x11F00] =	vst v63  }
0x106: {  	s12 =	rddreg [dreg:$0x8]  }
0x107: {  	[spmem:s2] =	stream.indirect.scatter.add.f32 [tilespmem:s8], [sflag:$0x3], $0x20, s12, s7, $0xb8;
	[tilespmem:$0x11F00] =	vst v63  }
0x108: {  	_ =	swait.ge [sflag:s6], $0x4000  }
0x109: {  	[sflag:s6] =	ssyncset.done $0x0  }
0x10a: {  	[sflag:s6] =	ssyncadd.s32 $0xFFFFC000  }
0x10b: {  	_ =	swait.ge [sflag:s11], $0x4000  }
0x10c: {  	[sflag:s11] =	ssyncset.done $0x0  }
0x10d: {  	s0 =	rddreg [dreg:$0x9];
	[sflag:s11] =	ssyncadd.s32 $0xFFFFC000  }
0x10e: {  	[tilespmem:s8], [sflag:$0x2] =	stream.indirect.gather [hbm4b:s3+s7], $0x20, s0, s7, $0xb8;
	[tilespmem:$0x11F00] =	vst v63  }
0x10f: {  	s12 =	rddreg [dreg:$0xa]  }
0x110: {  	[spmem:s2] =	stream.indirect.scatter.add.f32 [tilespmem:s9], [sflag:$0x3], $0x20, s12, s7, $0xb8;
	[tilespmem:$0x11F00] =	vst v63  }
0x111: {  	_ =	swait.ge [sflag:s6], $0x4000  }
0x112: {  	[sflag:s6] =	ssyncset.done $0x0  }
0x113: {  	[sflag:s6] =	ssyncadd.s32 $0xFFFFC000  }
0x114: {  	_ =	swait.ge [sflag:s10], $0x4000  }
0x115: {  	[sflag:s10] =	ssyncset.done $0x0  }
0x116: {  	s0 =	rddreg [dreg:$0xb];
	[sflag:s10] =	ssyncadd.s32 $0xFFFFC000  }
0x117: {  	[tilespmem:s9], [sflag:$0x1] =	stream.indirect.gather [hbm4b:s3+s7], $0x20, s0, s7, $0xb8;
	[tilespmem:$0x11F00] =	vst v63  }
0x118: {  	s12 =	rddreg [dreg:$0xc]  }
0x119: {  	[spmem:s2] =	stream.indirect.scatter.add.f32 [tilespmem:s8], [sflag:$0x3], $0x20, s12, s7, $0xb8;
	[tilespmem:$0x11F00] =	vst v63  }
0x11a: {  	_ =	swait.ge [sflag:s6], $0x4000  }
0x11b: {  	[sflag:s6] =	ssyncset.done $0x0  }
0x11c: {  	[sflag:s6] =	ssyncadd.s32 $0xFFFFC000  }
0x11d: {  	_ =	swait.ge [sflag:s11], $0x4000  }
0x11e: {  	[sflag:s11] =	ssyncset.done $0x0  }
0x11f: {  	s0 =	rddreg [dreg:$0xd];
	[sflag:s11] =	ssyncadd.s32 $0xFFFFC000  }
0x120: {  	[tilespmem:s8], [sflag:$0x2] =	stream.indirect.gather [hbm4b:s3+s7], $0x20, s0, s7, $0xb8;
	[tilespmem:$0x11F00] =	vst v63  }
0x121: {  	s12 =	rddreg [dreg:$0xe]  }
0x122: {  	[spmem:s2] =	stream.indirect.scatter.add.f32 [tilespmem:s9], [sflag:$0x3], $0x20, s12, s7, $0xb8;
	[tilespmem:$0x11F00] =	vst v63  }
0x123: {  	_ =	swait.ge [sflag:s6], $0x4000  }
0x124: {  	[sflag:s6] =	ssyncset.done $0x0  }
0x125: {  	[sflag:s6] =	ssyncadd.s32 $0xFFFFC000  }
0x126: {  	_ =	swait.ge [sflag:s10], $0x4000  }
0x127: {  	[sflag:s10] =	ssyncset.done $0x0  }
0x128: {  	s0 =	rddreg [dreg:$0xf];
	[sflag:s10] =	ssyncadd.s32 $0xFFFFC000  }
0x129: {  	[tilespmem:s9], [sflag:$0x1] =	stream.indirect.gather [hbm4b:s3+s7], $0x20, s0, s7, $0xb8;
	[tilespmem:$0x11F00] =	vst v63  }
0x12a: {  	s12 =	rddreg [dreg:$0x10]  }
0x12b: {  	[spmem:s2] =	stream.indirect.scatter.add.f32 [tilespmem:s8], [sflag:$0x3], $0x20, s12, s7, $0xb8;
	[tilespmem:$0x11F00] =	vst v63  }
0x12c: {  	_ =	swait.ge [sflag:s6], $0x4000  }
0x12d: {  	[sflag:s6] =	ssyncset.done $0x0  }
0x12e: {  	[sflag:s6] =	ssyncadd.s32 $0xFFFFC000  }
0x12f: {  	_ =	swait.ge [sflag:s11], $0x4000  }
0x130: {  	[sflag:s11] =	ssyncset.done $0x0  }
0x131: {  	s0 =	rddreg [dreg:$0x11];
	[sflag:s11] =	ssyncadd.s32 $0xFFFFC000  }
0x132: {  	[tilespmem:s8], [sflag:$0x2] =	stream.indirect.gather [hbm4b:s3+s7], $0x20, s0, s7, $0xb8;
	[tilespmem:$0x11F00] =	vst v63  }
0x133: {  	s12 =	rddreg [dreg:$0x12]  }
0x134: {  	[spmem:s2] =	stream.indirect.scatter.add.f32 [tilespmem:s9], [sflag:$0x3], $0x20, s12, s7, $0xb8;
	[tilespmem:$0x11F00] =	vst v63  }
0x135: {  	_ =	swait.ge [sflag:s6], $0x4000  }
0x136: {  	[sflag:s6] =	ssyncset.done $0x0  }
0x137: {  	[sflag:s6] =	ssyncadd.s32 $0xFFFFC000  }
0x138: {  	_ =	swait.ge [sflag:s10], $0x4000  }
0x139: {  	[sflag:s10] =	ssyncset.done $0x0  }
0x13a: {  	s0 =	rddreg [dreg:$0x13];
	[sflag:s10] =	ssyncadd.s32 $0xFFFFC000  }
0x13b: {  	[tilespmem:s9], [sflag:$0x1] =	stream.indirect.gather [hbm4b:s3+s7], $0x20, s0, s7, $0xb8;
	[tilespmem:$0x11F00] =	vst v63  }
0x13c: {  	s12 =	rddreg [dreg:$0x14]  }
0x13d: {  	[spmem:s2] =	stream.indirect.scatter.add.f32 [tilespmem:s8], [sflag:$0x3], $0x20, s12, s7, $0xb8;
	[tilespmem:$0x11F00] =	vst v63  }
0x13e: {  	_ =	swait.ge [sflag:s6], $0x4000  }
0x13f: {  	[sflag:s6] =	ssyncset.done $0x0  }
0x140: {  	[sflag:s6] =	ssyncadd.s32 $0xFFFFC000  }
0x141: {  	_ =	swait.ge [sflag:s11], $0x4000  }
0x142: {  	[sflag:s11] =	ssyncset.done $0x0  }
0x143: {  	s0 =	rddreg [dreg:$0x15];
	[sflag:s11] =	ssyncadd.s32 $0xFFFFC000  }
0x144: {  	[tilespmem:s8], [sflag:$0x2] =	stream.indirect.gather [hbm4b:s3+s7], $0x20, s0, s7, $0xb8;
	[tilespmem:$0x11F00] =	vst v63  }
0x145: {  	s12 =	rddreg [dreg:$0x16]  }
0x146: {  	[spmem:s2] =	stream.indirect.scatter.add.f32 [tilespmem:s9], [sflag:$0x3], $0x20, s12, s7, $0xb8;
	[tilespmem:$0x11F00] =	vst v63  }
0x147: {  	_ =	swait.ge [sflag:s6], $0x4000  }
0x148: {  	[sflag:s6] =	ssyncset.done $0x0  }
0x149: {  	[sflag:s6] =	ssyncadd.s32 $0xFFFFC000  }
0x14a: {  	_ =	swait.ge [sflag:s10], $0x4000  }
0x14b: {  	[sflag:s10] =	ssyncset.done $0x0  }
0x14c: {  	s0 =	rddreg [dreg:$0x17];
	[sflag:s10] =	ssyncadd.s32 $0xFFFFC000  }
0x14d: {  	[tilespmem:s9], [sflag:$0x1] =	stream.indirect.gather [hbm4b:s3+s7], $0x20, s0, s7, $0xb8;
	[tilespmem:$0x11F00] =	vst v63  }
0x14e: {  	s12 =	rddreg [dreg:$0x18]  }
0x14f: {  	[spmem:s2] =	stream.indirect.scatter.add.f32 [tilespmem:s8], [sflag:$0x3], $0x20, s12, s7, $0xb8;
	[tilespmem:$0x11F00] =	vst v63  }
0x150: {  	_ =	swait.ge [sflag:s6], $0x4000  }
0x151: {  	[sflag:s6] =	ssyncset.done $0x0  }
0x152: {  	[sflag:s6] =	ssyncadd.s32 $0xFFFFC000  }
0x153: {  	_ =	swait.ge [sflag:s11], $0x4000  }
0x154: {  	[sflag:s11] =	ssyncset.done $0x0  }
0x155: {  	s0 =	rddreg [dreg:$0x19];
	[sflag:s11] =	ssyncadd.s32 $0xFFFFC000  }
0x156: {  	[tilespmem:s8], [sflag:$0x2] =	stream.indirect.gather [hbm4b:s3+s7], $0x20, s0, s7, $0xb8;
	[tilespmem:$0x11F00] =	vst v63  }
0x157: {  	s12 =	rddreg [dreg:$0x1a]  }
0x158: {  	[spmem:s2] =	stream.indirect.scatter.add.f32 [tilespmem:s9], [sflag:$0x3], $0x20, s12, s7, $0xb8;
	[tilespmem:$0x11F00] =	vst v63  }
0x159: {  	_ =	swait.ge [sflag:s6], $0x4000  }
0x15a: {  	[sflag:s6] =	ssyncset.done $0x0  }
0x15b: {  	[sflag:s6] =	ssyncadd.s32 $0xFFFFC000  }
0x15c: {  	_ =	swait.ge [sflag:s10], $0x4000  }
0x15d: {  	[sflag:s10] =	ssyncset.done $0x0  }
0x15e: {  	[sflag:s10] =	ssyncadd.s32 $0xFFFFC000  }
0x15f: {  	[tilespmem:s9], [sflag:$0x1] =	stream.indirect.gather [hbm4b:s3+s7], $0x20, s29, s7, $0xb8;
	[tilespmem:$0x11F00] =	vst v63  }
0x160: {  	_ = 	snop  }
0x161: {  	[spmem:s2] =	stream.indirect.scatter.add.f32 [tilespmem:s8], [sflag:$0x3], $0x20, s18, s7, $0xb8;
	[tilespmem:$0x11F00] =	vst v63  }
0x162: {  	_ =	swait.ge [sflag:s6], $0x4000  }
0x163: {  	[sflag:s6] =	ssyncset.done $0x0  }
0x164: {  	[sflag:s6] =	ssyncadd.s32 $0xFFFFC000  }
0x165: {  	_ =	swait.ge [sflag:s11], $0x4000  }
0x166: {  	[sflag:s11] =	ssyncset.done $0x0  }
0x167: {  	[sflag:s11] =	ssyncadd.s32 $0xFFFFC000  }
0x168: {  	[tilespmem:s8], [sflag:$0x2] =	stream.indirect.gather [hbm4b:s3+s7], $0x20, s26, s7, $0xb8;
	[tilespmem:$0x11F00] =	vst v63  }
0x169: {  	_ = 	snop  }
0x16a: {  	[spmem:s2] =	stream.indirect.scatter.add.f32 [tilespmem:s9], [sflag:$0x3], $0x20, s28, s7, $0xb8;
	[tilespmem:$0x11F00] =	vst v63  }
0x16b: {  	_ =	swait.ge [sflag:s6], $0x4000  }
0x16c: {  	[sflag:s6] =	ssyncset.done $0x0  }
0x16d: {  	[sflag:s6] =	ssyncadd.s32 $0xFFFFC000  }
0x16e: {  	_ =	swait.ge [sflag:s10], $0x4000  }
0x16f: {  	[sflag:s10] =	ssyncset.done $0x0  }
0x170: {  	[sflag:s10] =	ssyncadd.s32 $0xFFFFC000  }
0x171: {  	[tilespmem:s9], [sflag:$0x1] =	stream.indirect.gather [hbm4b:s3+s7], $0x20, s24, s7, $0xb8;
	[tilespmem:$0x11F00] =	vst v63  }
0x172: {  	_ = 	snop  }
0x173: {  	[spmem:s2] =	stream.indirect.scatter.add.f32 [tilespmem:s8], [sflag:$0x3], $0x20, s25, s7, $0xb8;
	[tilespmem:$0x11F00] =	vst v63  }
0x174: {  	_ =	swait.ge [sflag:s6], $0x4000  }
0x175: {  	[sflag:s6] =	ssyncset.done $0x0  }
0x176: {  	[sflag:s6] =	ssyncadd.s32 $0xFFFFC000  }
0x177: {  	_ =	swait.ge [sflag:s11], $0x4000  }
0x178: {  	[sflag:s11] =	ssyncset.done $0x0  }
0x179: {  	[sflag:s11] =	ssyncadd.s32 $0xFFFFC000  }
0x17a: {  	[tilespmem:s8], [sflag:$0x2] =	stream.indirect.gather [hbm4b:s3+s7], $0x20, s22, s7, $0xb8;
	[tilespmem:$0x11F00] =	vst v63  }
0x17b: {  	_ = 	snop  }
0x17c: {  	[spmem:s2] =	stream.indirect.scatter.add.f32 [tilespmem:s9], [sflag:$0x3], $0x20, s23, s7, $0xb8;
	[tilespmem:$0x11F00] =	vst v63  }
0x17d: {  	_ =	swait.ge [sflag:s6], $0x4000  }
0x17e: {  	[sflag:s6] =	ssyncset.done $0x0  }
0x17f: {  	[sflag:s6] =	ssyncadd.s32 $0xFFFFC000  }
0x180: {  	_ =	swait.ge [sflag:s10], $0x4000  }
0x181: {  	[sflag:s10] =	ssyncset.done $0x0  }
0x182: {  	[sflag:s10] =	ssyncadd.s32 $0xFFFFC000  }
0x183: {  	[tilespmem:s9], [sflag:$0x1] =	stream.indirect.gather [hbm4b:s3+s7], $0x20, s20, s7, $0xb8;
	[tilespmem:$0x11F00] =	vst v63  }
0x184: {  	_ = 	snop  }
0x185: {  	[spmem:s2] =	stream.indirect.scatter.add.f32 [tilespmem:s8], [sflag:$0x3], $0x20, s21, s7, $0xb8;
	[tilespmem:$0x11F00] =	vst v63  }
0x186: {  	_ =	swait.ge [sflag:s6], $0x4000  }
0x187: {  	[sflag:s6] =	ssyncset.done $0x0  }
0x188: {  	[sflag:s6] =	ssyncadd.s32 $0xFFFFC000  }
0x189: {  	_ =	swait.ge [sflag:s11], $0x4000  }
0x18a: {  	[sflag:s11] =	ssyncset.done $0x0  }
0x18b: {  	s12 =	simm.s32 $0x2200;
	[sflag:s11] =	ssyncadd.s32 $0xFFFFC000  }
0x18c: {  	[tilespmem:s8], [sflag:$0x2] =	stream.indirect.gather [hbm4b:s3+s7], $0x20, s12, s7, $0xb8;
	[tilespmem:$0x11F00] =	vst v63  }
0x18d: {  	_ = 	snop  }
0x18e: {  	[spmem:s2] =	stream.indirect.scatter.add.f32 [tilespmem:s9], [sflag:$0x3], $0x20, s19, s7, $0xb8;
	[tilespmem:$0x11F00] =	vst v63  }
0x18f: {  	_ =	swait.ge [sflag:s6], $0x4000  }
0x190: {  	[sflag:s6] =	ssyncset.done $0x0  }
0x191: {  	[sflag:s6] =	ssyncadd.s32 $0xFFFFC000  }
0x192: {  	_ =	swait.ge [sflag:s10], $0x4000  }
0x193: {  	[sflag:s10] =	ssyncset.done $0x0  }
0x194: {  	[sflag:s10] =	ssyncadd.s32 $0xFFFFC000  }
0x195: {  	[tilespmem:s9], [sflag:$0x1] =	stream.indirect.gather [hbm4b:s3+s7], $0x20, s16, s7, $0xb8;
	[tilespmem:$0x11F00] =	vst v63  }
0x196: {  	_ = 	snop  }
0x197: {  	[spmem:s2] =	stream.indirect.scatter.add.f32 [tilespmem:s8], [sflag:$0x3], $0x20, s17, s7, $0xb8;
	[tilespmem:$0x11F00] =	vst v63  }
0x198: {  	_ =	swait.ge [sflag:s6], $0x4000  }
0x199: {  	[sflag:s6] =	ssyncset.done $0x0  }
0x19a: {  	[sflag:s6] =	ssyncadd.s32 $0xFFFFC000  }
0x19b: {  	_ =	swait.ge [sflag:s11], $0x4000  }
0x19c: {  	[sflag:s11] =	ssyncset.done $0x0  }
0x19d: {  	[sflag:s11] =	ssyncadd.s32 $0xFFFFC000  }
0x19e: {  	[tilespmem:s8], [sflag:$0x2] =	stream.indirect.gather [hbm4b:s3+s7], $0x20, s14, s7, $0xb8;
	[tilespmem:$0x11F00] =	vst v63  }
0x19f: {  	_ = 	snop  }
0x1a0: {  	[spmem:s2] =	stream.indirect.scatter.add.f32 [tilespmem:s9], [sflag:$0x3], $0x20, s15, s7, $0xb8;
	[tilespmem:$0x11F00] =	vst v63  }
0x1a1: {  	_ =	swait.ge [sflag:s6], $0x4000  }
0x1a2: {  	[sflag:s6] =	ssyncset.done $0x0  }
0x1a3: {  	[sflag:s6] =	ssyncadd.s32 $0xFFFFC000  }
0x1a4: {  	_ =	swait.ge [sflag:s10], $0x4000  }
0x1a5: {  	[sflag:s10] =	ssyncset.done $0x0  }
0x1a6: {  	[sflag:s10] =	ssyncadd.s32 $0xFFFFC000  }
0x1a7: {  	[spmem:s2] =	stream.indirect.scatter.add.f32 [tilespmem:s8], [sflag:$0x3], $0x20, s13, s7, $0xb8;
	[tilespmem:$0x11F00] =	vst v63  }
0x1a8: {  	_ =	swait.ge [sflag:s6], $0x4000  }
0x1a9: {  	[sflag:s6] =	ssyncset.done $0x0  }
0x1aa: {  	p1 =	sne.s32 s1, $0x1;
	[sflag:s6] =	ssyncadd.s32 $0xFFFFC000  }
.Ltmp2:
0x1ab: {  	[bflag:$0x0] =	sbarrier.arrive $0xFFFF;
	(pc) =	sbr.rel @p1 .LBB2_4-.Ltmp2, $4  }
0x1ac: {  	s12 =	rddreg [dreg:$0x6]  }
0x1ad: {  	[hbm:s12], [sflag:s4] =	dma.local [spmem:s5], $0x9E0  }
0x1ae: {  	_ =	swait.ge [sflag:s6], $0x9E0  }
0x1af: {  	s1 =	sadd.s32 $0xFFFFFFFF, s1;
	s0 =	rddreg [dreg:$0x3];
	[sflag:s6] =	ssyncset.done $0x0  }
0x1b0: {  	s13 =	simm.s32 $0x3E00;
	s29 =	simm.s32 $0x1800  }
0x1b1: {  	s28 =	simm.s32 $0x4000;
	s26 =	simm.s32 $0x1A00;
	s25 =	simm.s32 $0x4200  }
0x1b2: {  	s24 =	simm.s32 $0x1C00;
	s23 =	simm.s32 $0x4400;
	s22 =	simm.s32 $0x1E00  }
0x1b3: {  	s21 =	simm.s32 $0x4600;
	s20 =	simm.s32 $0x2000;
	s19 =	simm.s32 $0x4800  }
0x1b4: {  	s18 =	simm.s32 $0x2200;
	s17 =	simm.s32 $0x4A00;
	s16 =	simm.s32 $0x2400  }
0x1b5: {  	s15 =	simm.s32 $0x4C00;
	s14 =	simm.s32 $0x2600;
	s12 =	stileid.u32  }
.LBB2_6:
0x1b6: {  	[sflag:s6] =	ssyncadd.s32 @p0 $0xFFFFF620  }
0x1b7: {  	[spmem:s5], [sflag:s4] =	dma.local [hbm:s0], $0x9E0  }
0x1b8: {  	_ =	swait.ge [sflag:s6], $0x9E0  }
0x1b9: {  	[sflag:s6] =	ssyncset.done $0x0  }
0x1ba: {  	s1 =	rddreg [dreg:$0x4];
	[sflag:s6] =	ssyncadd.s32 $0xFFFFF620  }
0x1bb: {  	[tilespmem:s30], [sflag:$0x3] =	stream.linear.gather [hbm4b:s1+s30], $0x2800, $0x38;
	[tilespmem:$0x11F00] =	vst v63  }
0x1bc: {  	_ =	swait.ge [sflag:s6], $0x2800  }
0x1bd: {  	[sflag:s6] =	ssyncset.done $0x0  }
0x1be: {  	s1 =	rddreg [dreg:$0x5];
	[sflag:s6] =	ssyncadd.s32 $0xFFFFD800  }
0x1bf: {  	[tilespmem:s31], [sflag:$0x3] =	stream.linear.gather [hbm4b:s1+s30], $0x2800, $0x38;
	[tilespmem:$0x11F00] =	vst v63  }
0x1c0: {  	_ =	swait.ge [sflag:s6], $0x2800  }
0x1c1: {  	[sflag:s6] =	ssyncset.done $0x0  }
0x1c2: {  	[sflag:s6] =	ssyncadd.s32 $0xFFFFD800  }
0x1c3: {  	[bflag:$0x0] =	sbarrier.arrive $0xFFFF  }
0x1c4: {  	[tilespmem:s9], [sflag:$0x1] =	stream.indirect.gather [hbm4b:s3+s7], $0x20, s30, s7, $0xb8;
	[tilespmem:$0x11F00] =	vst v63  }
0x1c5: {  	_ =	swait.ge [sflag:s11], $0x4000  }
0x1c6: {  	[sflag:s11] =	ssyncset.done $0x0  }
0x1c7: {  	[sflag:s11] =	ssyncadd.s32 $0xFFFFC000  }
0x1c8: {  	[tilespmem:s8], [sflag:$0x2] =	stream.indirect.gather [hbm4b:s3+s7], $0x20, s7, s7, $0xb8;
	[tilespmem:$0x11F00] =	vst v63  }
0x1c9: {  	_ = 	snop  }
0x1ca: {  	[spmem:s2] =	stream.indirect.scatter.add.f32 [tilespmem:s9], [sflag:$0x3], $0x20, s31, s7, $0xb8;
	[tilespmem:$0x11F00] =	vst v63  }
0x1cb: {  	_ =	swait.ge [sflag:s6], $0x4000  }
0x1cc: {  	[sflag:s6] =	ssyncset.done $0x0  }
0x1cd: {  	[sflag:s6] =	ssyncadd.s32 $0xFFFFC000  }
0x1ce: {  	_ =	swait.ge [sflag:s10], $0x4000  }
0x1cf: {  	[sflag:s10] =	ssyncset.done $0x0  }
0x1d0: {  	s31 =	rddreg [dreg:$0x7];
	[sflag:s10] =	ssyncadd.s32 $0xFFFFC000  }
0x1d1: {  	[tilespmem:s9], [sflag:$0x1] =	stream.indirect.gather [hbm4b:s3+s7], $0x20, s31, s7, $0xb8;
	[tilespmem:$0x11F00] =	vst v63  }
0x1d2: {  	s1 =	rddreg [dreg:$0x8]  }
0x1d3: {  	[spmem:s2] =	stream.indirect.scatter.add.f32 [tilespmem:s8], [sflag:$0x3], $0x20, s1, s7, $0xb8;
	[tilespmem:$0x11F00] =	vst v63  }
0x1d4: {  	_ =	swait.ge [sflag:s6], $0x4000  }
0x1d5: {  	[sflag:s6] =	ssyncset.done $0x0  }
0x1d6: {  	[sflag:s6] =	ssyncadd.s32 $0xFFFFC000  }
0x1d7: {  	_ =	swait.ge [sflag:s11], $0x4000  }
0x1d8: {  	[sflag:s11] =	ssyncset.done $0x0  }
0x1d9: {  	s30 =	rddreg [dreg:$0x9];
	[sflag:s11] =	ssyncadd.s32 $0xFFFFC000  }
0x1da: {  	[tilespmem:s8], [sflag:$0x2] =	stream.indirect.gather [hbm4b:s3+s7], $0x20, s30, s7, $0xb8;
	[tilespmem:$0x11F00] =	vst v63  }
0x1db: {  	s31 =	rddreg [dreg:$0xa]  }
0x1dc: {  	[spmem:s2] =	stream.indirect.scatter.add.f32 [tilespmem:s9], [sflag:$0x3], $0x20, s31, s7, $0xb8;
	[tilespmem:$0x11F00] =	vst v63  }
0x1dd: {  	_ =	swait.ge [sflag:s6], $0x4000  }
0x1de: {  	[sflag:s6] =	ssyncset.done $0x0  }
0x1df: {  	[sflag:s6] =	ssyncadd.s32 $0xFFFFC000  }
0x1e0: {  	_ =	swait.ge [sflag:s10], $0x4000  }
0x1e1: {  	[sflag:s10] =	ssyncset.done $0x0  }
0x1e2: {  	s30 =	rddreg [dreg:$0xb];
	[sflag:s10] =	ssyncadd.s32 $0xFFFFC000  }
0x1e3: {  	[tilespmem:s9], [sflag:$0x1] =	stream.indirect.gather [hbm4b:s3+s7], $0x20, s30, s7, $0xb8;
	[tilespmem:$0x11F00] =	vst v63  }
0x1e4: {  	s31 =	rddreg [dreg:$0xc]  }
0x1e5: {  	[spmem:s2] =	stream.indirect.scatter.add.f32 [tilespmem:s8], [sflag:$0x3], $0x20, s31, s7, $0xb8;
	[tilespmem:$0x11F00] =	vst v63  }
0x1e6: {  	_ =	swait.ge [sflag:s6], $0x4000  }
0x1e7: {  	[sflag:s6] =	ssyncset.done $0x0  }
0x1e8: {  	[sflag:s6] =	ssyncadd.s32 $0xFFFFC000  }
0x1e9: {  	_ =	swait.ge [sflag:s11], $0x4000  }
0x1ea: {  	[sflag:s11] =	ssyncset.done $0x0  }
0x1eb: {  	s30 =	rddreg [dreg:$0xd];
	[sflag:s11] =	ssyncadd.s32 $0xFFFFC000  }
0x1ec: {  	[tilespmem:s8], [sflag:$0x2] =	stream.indirect.gather [hbm4b:s3+s7], $0x20, s30, s7, $0xb8;
	[tilespmem:$0x11F00] =	vst v63  }
0x1ed: {  	s31 =	rddreg [dreg:$0xe]  }
0x1ee: {  	[spmem:s2] =	stream.indirect.scatter.add.f32 [tilespmem:s9], [sflag:$0x3], $0x20, s31, s7, $0xb8;
	[tilespmem:$0x11F00] =	vst v63  }
0x1ef: {  	_ =	swait.ge [sflag:s6], $0x4000  }
0x1f0: {  	[sflag:s6] =	ssyncset.done $0x0  }
0x1f1: {  	[sflag:s6] =	ssyncadd.s32 $0xFFFFC000  }
0x1f2: {  	_ =	swait.ge [sflag:s10], $0x4000  }
0x1f3: {  	[sflag:s10] =	ssyncset.done $0x0  }
0x1f4: {  	s30 =	rddreg [dreg:$0xf];
	[sflag:s10] =	ssyncadd.s32 $0xFFFFC000  }
0x1f5: {  	[tilespmem:s9], [sflag:$0x1] =	stream.indirect.gather [hbm4b:s3+s7], $0x20, s30, s7, $0xb8;
	[tilespmem:$0x11F00] =	vst v63  }
0x1f6: {  	s31 =	rddreg [dreg:$0x10]  }
0x1f7: {  	[spmem:s2] =	stream.indirect.scatter.add.f32 [tilespmem:s8], [sflag:$0x3], $0x20, s31, s7, $0xb8;
	[tilespmem:$0x11F00] =	vst v63  }
0x1f8: {  	_ =	swait.ge [sflag:s6], $0x4000  }
0x1f9: {  	[sflag:s6] =	ssyncset.done $0x0  }
0x1fa: {  	[sflag:s6] =	ssyncadd.s32 $0xFFFFC000  }
0x1fb: {  	_ =	swait.ge [sflag:s11], $0x4000  }
0x1fc: {  	[sflag:s11] =	ssyncset.done $0x0  }
0x1fd: {  	s30 =	rddreg [dreg:$0x11];
	[sflag:s11] =	ssyncadd.s32 $0xFFFFC000  }
0x1fe: {  	[tilespmem:s8], [sflag:$0x2] =	stream.indirect.gather [hbm4b:s3+s7], $0x20, s30, s7, $0xb8;
	[tilespmem:$0x11F00] =	vst v63  }
0x1ff: {  	s31 =	rddreg [dreg:$0x12]  }
0x200: {  	[spmem:s2] =	stream.indirect.scatter.add.f32 [tilespmem:s9], [sflag:$0x3], $0x20, s31, s7, $0xb8;
	[tilespmem:$0x11F00] =	vst v63  }
0x201: {  	_ =	swait.ge [sflag:s6], $0x4000  }
0x202: {  	[sflag:s6] =	ssyncset.done $0x0  }
0x203: {  	[sflag:s6] =	ssyncadd.s32 $0xFFFFC000  }
0x204: {  	_ =	swait.ge [sflag:s10], $0x4000  }
0x205: {  	[sflag:s10] =	ssyncset.done $0x0  }
0x206: {  	s30 =	rddreg [dreg:$0x13];
	[sflag:s10] =	ssyncadd.s32 $0xFFFFC000  }
0x207: {  	[tilespmem:s9], [sflag:$0x1] =	stream.indirect.gather [hbm4b:s3+s7], $0x20, s30, s7, $0xb8;
	[tilespmem:$0x11F00] =	vst v63  }
0x208: {  	s31 =	rddreg [dreg:$0x14]  }
0x209: {  	[spmem:s2] =	stream.indirect.scatter.add.f32 [tilespmem:s8], [sflag:$0x3], $0x20, s31, s7, $0xb8;
	[tilespmem:$0x11F00] =	vst v63  }
0x20a: {  	_ =	swait.ge [sflag:s6], $0x4000  }
0x20b: {  	[sflag:s6] =	ssyncset.done $0x0  }
0x20c: {  	[sflag:s6] =	ssyncadd.s32 $0xFFFFC000  }
0x20d: {  	_ =	swait.ge [sflag:s11], $0x4000  }
0x20e: {  	[sflag:s11] =	ssyncset.done $0x0  }
0x20f: {  	s30 =	rddreg [dreg:$0x15];
	[sflag:s11] =	ssyncadd.s32 $0xFFFFC000  }
0x210: {  	[tilespmem:s8], [sflag:$0x2] =	stream.indirect.gather [hbm4b:s3+s7], $0x20, s30, s7, $0xb8;
	[tilespmem:$0x11F00] =	vst v63  }
0x211: {  	s31 =	rddreg [dreg:$0x16]  }
0x212: {  	[spmem:s2] =	stream.indirect.scatter.add.f32 [tilespmem:s9], [sflag:$0x3], $0x20, s31, s7, $0xb8;
	[tilespmem:$0x11F00] =	vst v63  }
0x213: {  	_ =	swait.ge [sflag:s6], $0x4000  }
0x214: {  	[sflag:s6] =	ssyncset.done $0x0  }
0x215: {  	[sflag:s6] =	ssyncadd.s32 $0xFFFFC000  }
0x216: {  	_ =	swait.ge [sflag:s10], $0x4000  }
0x217: {  	[sflag:s10] =	ssyncset.done $0x0  }
0x218: {  	s30 =	rddreg [dreg:$0x17];
	[sflag:s10] =	ssyncadd.s32 $0xFFFFC000  }
0x219: {  	[tilespmem:s9], [sflag:$0x1] =	stream.indirect.gather [hbm4b:s3+s7], $0x20, s30, s7, $0xb8;
	[tilespmem:$0x11F00] =	vst v63  }
0x21a: {  	s31 =	rddreg [dreg:$0x18]  }
0x21b: {  	[spmem:s2] =	stream.indirect.scatter.add.f32 [tilespmem:s8], [sflag:$0x3], $0x20, s31, s7, $0xb8;
	[tilespmem:$0x11F00] =	vst v63  }
0x21c: {  	_ =	swait.ge [sflag:s6], $0x4000  }
0x21d: {  	[sflag:s6] =	ssyncset.done $0x0  }
0x21e: {  	[sflag:s6] =	ssyncadd.s32 $0xFFFFC000  }
0x21f: {  	_ =	swait.ge [sflag:s11], $0x4000  }
0x220: {  	[sflag:s11] =	ssyncset.done $0x0  }
0x221: {  	s30 =	rddreg [dreg:$0x19];
	[sflag:s11] =	ssyncadd.s32 $0xFFFFC000  }
0x222: {  	[tilespmem:s8], [sflag:$0x2] =	stream.indirect.gather [hbm4b:s3+s7], $0x20, s30, s7, $0xb8;
	[tilespmem:$0x11F00] =	vst v63  }
0x223: {  	s31 =	rddreg [dreg:$0x1a]  }
0x224: {  	[spmem:s2] =	stream.indirect.scatter.add.f32 [tilespmem:s9], [sflag:$0x3], $0x20, s31, s7, $0xb8;
	[tilespmem:$0x11F00] =	vst v63  }
0x225: {  	_ =	swait.ge [sflag:s6], $0x4000  }
0x226: {  	[sflag:s6] =	ssyncset.done $0x0  }
0x227: {  	[sflag:s6] =	ssyncadd.s32 $0xFFFFC000  }
0x228: {  	_ =	swait.ge [sflag:s10], $0x4000  }
0x229: {  	[sflag:s10] =	ssyncset.done $0x0  }
0x22a: {  	[sflag:s10] =	ssyncadd.s32 $0xFFFFC000  }
0x22b: {  	[tilespmem:s9], [sflag:$0x1] =	stream.indirect.gather [hbm4b:s3+s7], $0x20, s29, s7, $0xb8;
	[tilespmem:$0x11F00] =	vst v63  }
0x22c: {  	_ = 	snop  }
0x22d: {  	[spmem:s2] =	stream.indirect.scatter.add.f32 [tilespmem:s8], [sflag:$0x3], $0x20, s13, s7, $0xb8;
	[tilespmem:$0x11F00] =	vst v63  }
0x22e: {  	_ =	swait.ge [sflag:s6], $0x4000  }
0x22f: {  	[sflag:s6] =	ssyncset.done $0x0  }
0x230: {  	[sflag:s6] =	ssyncadd.s32 $0xFFFFC000  }
0x231: {  	_ =	swait.ge [sflag:s11], $0x4000  }
0x232: {  	[sflag:s11] =	ssyncset.done $0x0  }
0x233: {  	[sflag:s11] =	ssyncadd.s32 $0xFFFFC000  }
0x234: {  	[tilespmem:s8], [sflag:$0x2] =	stream.indirect.gather [hbm4b:s3+s7], $0x20, s26, s7, $0xb8;
	[tilespmem:$0x11F00] =	vst v63  }
0x235: {  	_ = 	snop  }
0x236: {  	[spmem:s2] =	stream.indirect.scatter.add.f32 [tilespmem:s9], [sflag:$0x3], $0x20, s28, s7, $0xb8;
	[tilespmem:$0x11F00] =	vst v63  }
0x237: {  	_ =	swait.ge [sflag:s6], $0x4000  }
0x238: {  	[sflag:s6] =	ssyncset.done $0x0  }
0x239: {  	[sflag:s6] =	ssyncadd.s32 $0xFFFFC000  }
0x23a: {  	_ =	swait.ge [sflag:s10], $0x4000  }
0x23b: {  	[sflag:s10] =	ssyncset.done $0x0  }
0x23c: {  	[sflag:s10] =	ssyncadd.s32 $0xFFFFC000  }
0x23d: {  	[tilespmem:s9], [sflag:$0x1] =	stream.indirect.gather [hbm4b:s3+s7], $0x20, s24, s7, $0xb8;
	[tilespmem:$0x11F00] =	vst v63  }
0x23e: {  	_ = 	snop  }
0x23f: {  	[spmem:s2] =	stream.indirect.scatter.add.f32 [tilespmem:s8], [sflag:$0x3], $0x20, s25, s7, $0xb8;
	[tilespmem:$0x11F00] =	vst v63  }
0x240: {  	_ =	swait.ge [sflag:s6], $0x4000  }
0x241: {  	[sflag:s6] =	ssyncset.done $0x0  }
0x242: {  	[sflag:s6] =	ssyncadd.s32 $0xFFFFC000  }
0x243: {  	_ =	swait.ge [sflag:s11], $0x4000  }
0x244: {  	[sflag:s11] =	ssyncset.done $0x0  }
0x245: {  	[sflag:s11] =	ssyncadd.s32 $0xFFFFC000  }
0x246: {  	[tilespmem:s8], [sflag:$0x2] =	stream.indirect.gather [hbm4b:s3+s7], $0x20, s22, s7, $0xb8;
	[tilespmem:$0x11F00] =	vst v63  }
0x247: {  	_ = 	snop  }
0x248: {  	[spmem:s2] =	stream.indirect.scatter.add.f32 [tilespmem:s9], [sflag:$0x3], $0x20, s23, s7, $0xb8;
	[tilespmem:$0x11F00] =	vst v63  }
0x249: {  	_ =	swait.ge [sflag:s6], $0x4000  }
0x24a: {  	[sflag:s6] =	ssyncset.done $0x0  }
0x24b: {  	[sflag:s6] =	ssyncadd.s32 $0xFFFFC000  }
0x24c: {  	_ =	swait.ge [sflag:s10], $0x4000  }
0x24d: {  	[sflag:s10] =	ssyncset.done $0x0  }
0x24e: {  	[sflag:s10] =	ssyncadd.s32 $0xFFFFC000  }
0x24f: {  	[tilespmem:s9], [sflag:$0x1] =	stream.indirect.gather [hbm4b:s3+s7], $0x20, s20, s7, $0xb8;
	[tilespmem:$0x11F00] =	vst v63  }
0x250: {  	_ = 	snop  }
0x251: {  	[spmem:s2] =	stream.indirect.scatter.add.f32 [tilespmem:s8], [sflag:$0x3], $0x20, s21, s7, $0xb8;
	[tilespmem:$0x11F00] =	vst v63  }
0x252: {  	_ =	swait.ge [sflag:s6], $0x4000  }
0x253: {  	[sflag:s6] =	ssyncset.done $0x0  }
0x254: {  	[sflag:s6] =	ssyncadd.s32 $0xFFFFC000  }
0x255: {  	_ =	swait.ge [sflag:s11], $0x4000  }
0x256: {  	[sflag:s11] =	ssyncset.done $0x0  }
0x257: {  	[sflag:s11] =	ssyncadd.s32 $0xFFFFC000  }
0x258: {  	[tilespmem:s8], [sflag:$0x2] =	stream.indirect.gather [hbm4b:s3+s7], $0x20, s18, s7, $0xb8;
	[tilespmem:$0x11F00] =	vst v63  }
0x259: {  	_ = 	snop  }
0x25a: {  	[spmem:s2] =	stream.indirect.scatter.add.f32 [tilespmem:s9], [sflag:$0x3], $0x20, s19, s7, $0xb8;
	[tilespmem:$0x11F00] =	vst v63  }
0x25b: {  	_ =	swait.ge [sflag:s6], $0x4000  }
0x25c: {  	[sflag:s6] =	ssyncset.done $0x0  }
0x25d: {  	[sflag:s6] =	ssyncadd.s32 $0xFFFFC000  }
0x25e: {  	_ =	swait.ge [sflag:s10], $0x4000  }
0x25f: {  	[sflag:s10] =	ssyncset.done $0x0  }
0x260: {  	[sflag:s10] =	ssyncadd.s32 $0xFFFFC000  }
0x261: {  	[tilespmem:s9], [sflag:$0x1] =	stream.indirect.gather [hbm4b:s3+s7], $0x20, s16, s7, $0xb8;
	[tilespmem:$0x11F00] =	vst v63  }
0x262: {  	_ = 	snop  }
0x263: {  	[spmem:s2] =	stream.indirect.scatter.add.f32 [tilespmem:s8], [sflag:$0x3], $0x20, s17, s7, $0xb8;
	[tilespmem:$0x11F00] =	vst v63  }
0x264: {  	_ =	swait.ge [sflag:s6], $0x4000  }
0x265: {  	[sflag:s6] =	ssyncset.done $0x0  }
0x266: {  	[sflag:s6] =	ssyncadd.s32 $0xFFFFC000  }
0x267: {  	_ =	swait.ge [sflag:s11], $0x4000  }
0x268: {  	[sflag:s11] =	ssyncset.done $0x0  }
0x269: {  	[sflag:s11] =	ssyncadd.s32 $0xFFFFC000  }
0x26a: {  	[tilespmem:s8], [sflag:$0x2] =	stream.indirect.gather [hbm4b:s3+s7], $0x20, s14, s7, $0xb8;
	[tilespmem:$0x11F00] =	vst v63  }
0x26b: {  	_ = 	snop  }
0x26c: {  	[spmem:s2] =	stream.indirect.scatter.add.f32 [tilespmem:s9], [sflag:$0x3], $0x20, s15, s7, $0xb8;
	[tilespmem:$0x11F00] =	vst v63  }
0x26d: {  	_ =	swait.ge [sflag:s6], $0x4000  }
0x26e: {  	[sflag:s6] =	ssyncset.done $0x0  }
0x26f: {  	[sflag:s6] =	ssyncadd.s32 $0xFFFFC000  }
0x270: {  	_ =	swait.ge [sflag:s10], $0x4000  }
0x271: {  	[sflag:s10] =	ssyncset.done $0x0  }
0x272: {  	s30 =	simm.s32 $0x4E00;
	[sflag:s10] =	ssyncadd.s32 $0xFFFFC000  }
0x273: {  	[spmem:s2] =	stream.indirect.scatter.add.f32 [tilespmem:s8], [sflag:$0x3], $0x20, s30, s7, $0xb8;
	[tilespmem:$0x11F00] =	vst v63  }
0x274: {  	_ =	swait.ge [sflag:s6], $0x4000  }
0x275: {  	[sflag:s6] =	ssyncset.done $0x0  }
0x276: {  	[sflag:s6] =	ssyncadd.s32 $0xFFFFC000  }
0x277: {  	[bflag:$0x0] =	sbarrier.arrive $0xFFFF  }
0x278: {  	s31 =	rddreg [dreg:$0x6]  }
0x279: {  	[hbm:s31], [sflag:s4] =	dma.local [spmem:s5], $0x9E0  }
0x27a: {  	_ =	swait.ge [sflag:s6], $0x9E0  }
0x27b: {  	[sflag:s6] =	ssyncset.done $0x0  }
0x27c: {  	[sflag:s6] =	ssyncadd.s32 $0xFFFFF620  }
0x27d: {  	_ =	sfence.sel $0x180000  }
0x27e: {  	[bflag:$0x0] =	sbarrier.arrive $0xFFFF  }
0x27f: {  	_ =	strace $0x9000004A  }
0x280: {  	[bflag:$0x2] =	sbarrier.arrive $0xFFFF  }
0x281: {  	p0 =	sne.s32 s12, $0x0;
	s0 =	rddreg [dreg:$0x2]  }
0x282: {  	s0 =	sadd.s32 @!p0 $0x100000, s0  }
0x283: {  	[sflag:s0] =	ssyncadd.tile.s32 @!p0 $0x1;
	_ =	shalt  }
.LBB2_1:
0x284: {  	s13 =	simm.s32 $0x3E00;
	s29 =	simm.s32 $0x1800  }
.Ltmp3:
0x285: {  	s28 =	simm.s32 $0x4000;
	s26 =	simm.s32 $0x1A00;
	(pc) =	sbr.rel .LBB2_6-.Ltmp3, $4  }
0x286: {  	s25 =	simm.s32 $0x4200;
	s24 =	simm.s32 $0x1C00;
	s23 =	simm.s32 $0x4400  }
0x287: {  	s22 =	simm.s32 $0x1E00;
	s21 =	simm.s32 $0x4600;
	s20 =	simm.s32 $0x2000  }
0x288: {  	s19 =	simm.s32 $0x4800;
	s18 =	simm.s32 $0x2200;
	s17 =	simm.s32 $0x4A00  }
0x289: {  	s16 =	simm.s32 $0x2400;
	s15 =	simm.s32 $0x4C00;
	s14 =	simm.s32 $0x2600  }
.LBB2_3:
0x28a: {  	s13 =	simm.s32 $0x3E00;
	s29 =	simm.s32 $0x1800;
	s28 =	simm.s32 $0x4000  }
.Ltmp4:
0x28b: {  	s26 =	simm.s32 $0x1A00;
	s25 =	simm.s32 $0x4200;
	(pc) =	sbr.rel .LBB2_6-.Ltmp4, $4  }
0x28c: {  	s24 =	simm.s32 $0x1C00;
	s23 =	simm.s32 $0x4400;
	s22 =	simm.s32 $0x1E00  }
0x28d: {  	s21 =	simm.s32 $0x4600;
	s20 =	simm.s32 $0x2000;
	s19 =	simm.s32 $0x4800  }
0x28e: {  	s18 =	simm.s32 $0x2200;
	s17 =	simm.s32 $0x4A00;
	s16 =	simm.s32 $0x2400  }
0x28f: {  	s15 =	simm.s32 $0x4C00;
	s14 =	simm.s32 $0x2600;
	s12 =	stileid.u32  }
.Lfunc_end2:
_tile_overlayer_lowered:
.L_overlay_start_2:
0x290: {  	(tag) =	ssettag $0x2  }
0x291: {  	s0 =	rddreg [dreg:$0x0];
	s2 =	stileid.u32  }
0x292: {  	s1 =	rddreg [dreg:$0x1];
	p0 =	sne.s32 s2, $0x0  }
0x293: {  	s3 =	rddreg [dreg:$0x2];
	[bflag:$0x3] =	sbarrier.arrive $0xFFFF;
	s2 =	simm.s32 @!p0 $0x1C03  }
0x294: {  	[timem:s3], [sflag:s2] =	dma.local @!p0 [hbm:s0], s1  }
0x295: {  	s0 =	simm.s32 @!p0 $0x3  }
0x296: {  	_ =	swait.ge @!p0 [sflag:s0], s1  }
0x297: {  	s1 =	ssub.s32 @!p0 $0x0, s1;
	[sflag:s0] =	ssyncset.done @!p0 $0x0  }
0x298: {  	[sflag:s0] =	ssyncadd.s32 @!p0 s1  }
0x299: {  	[bflag:$0x3] =	sbarrier.arrive $0xFFFF  }
0x29a: {  	_ =	shalt  }

// kernel: kernel.15.cloned.1.call-start
scs
__scs_entry_jumppad:
0x0: {  	(pc) =	sbr.rel $0x88, $3  }
0x1: {  	(tag) =	ssettag $0x0;
	lr =	simm.s32 $0x1  }
0x2: {  	[smem:$0x3F94] =	sst lr;
	_ =	strace $0xD0000000  }
0x3: {  	_ = 	snop  }
0x4: {  	_ = 	snop  }
0x5: {  	_ = 	snop  }
0x6: {  	_ = 	snop  }
0x7: {  	_ = 	snop  }
__scs_overlays_trampoline_lowered:
0x8: {  	[smem:$0x3FA3] =	sst s0  }
0x9: {  	[smem:$0x3FA4] =	sst s1  }
0xa: {  	[smem:$0x3FA5] =	sst s2  }
0xb: {  	[smem:$0x3FA6] =	sst s3  }
0xc: {  	[smem:$0x3FA7] =	sst s4  }
0xd: {  	[smem:$0x3FA8] =	sst s5  }
0xe: {  	[smem:$0x3FA9] =	sst s6  }
0xf: {  	[smem:$0x3FAA] =	sst s7  }
0x10: {  	[smem:$0x3FAB] =	sst s8  }
0x11: {  	[smem:$0x3FAC] =	sst s9;
	s0 =	simm.s32 @!p0 $0x0  }
0x12: {  	s1 =	sld [smem:$0x3F92];
	s0 =	simm.s32 @p0 $0x1  }
0x13: {  	[smem:$0x3FAD] =	sst s0;
	s0 =	simm.s32 @!p1 $0x0  }
0x14: {  	s2 =	sld [smem:$0x3F91];
	s0 =	simm.s32 @p1 $0x1  }
0x15: {  	[smem:$0x3FAE] =	sst s0;
	s0 =	simm.s32 @!p2 $0x0  }
0x16: {  	s3 =	sld [smem:$0x3FDB];
	s0 =	simm.s32 @p2 $0x1  }
0x17: {  	s4 =	simm.s32 $0x1BF5;
	[smem:$0x3FB0] =	sst s0  }
0x18: {  	s0 =	sld [smem:$0x3F93];
	_ =	swait.ge [sflag:s4], $0x0  }
0x19: {  	s7 =	sld [smem:$0x3F94]  }
0x1a: {  	s8 =	sadd.s32 $0xFFFFE003, lr  }
0x1b: {  	s9 =	sadd.s32 $0xFFFFFEF7, lr;
	s5 =	simm.s32 $0xFFFFFFFF;
	p2 =	slt.u32 s8, $0xFFFFF086  }
0x1c: {  	p1 =	slt.u32 s9, $0xF7A;
	s5 =	simm.s32 @!p2 $0x0  }
0x1d: {  	s5 =	simm.s32 @p1 $0x1;
	p0 =	seq.s32 s7, s2  }
0x1e: {  	s7 =	smul.u32 @!p0 $0xF7A, s2;
	p2 =	seq.s32 @!p0 s5, $0x0  }
0x1f: {  	s9 =	smul.u32 $0xF7A, s1;
	s8 =	simm.s32 @!p0 $0x1BF5;
	p2 =	por !p2, p0  }
0x20: {  	[sflag:s8] =	ssyncset.s32 @!p0 $0xFFFFF086;
	s6 =	sadd.s32 @!p0 s3, s7;
	s7 =	simm.s32 @!p0 $0x108  }
0x21: {  	s3 =	sadd.s32 s3, s9;
	s6 =	sadd.s32 @!p0 $0x88, s6;
	s7 =	simm.s32 @p2 $0x1082  }
0x22: {  	[simem:s7], [sflag:s8] =	dma.local @!p0 [hbm:s6], $0xF7A  }
0x23: {  	s9 =	sor.u32 $0xD0000000, s2;
	s6 =	simm.s32 $0x108;
	_ =	swait.ge @!p0 [sflag:s8], $0x0  }
0x24: {  	s3 =	sadd.s32 $0x88, s3;
	s6 =	simm.s32 @!p1 $0x1082;
	[sflag:s4] =	ssyncset.s32 $0xFFFFF086  }
0x25: {  	[simem:s6], [sflag:s4] =	dma.local [hbm:s3], $0xF7A  }
0x26: {  	[smem:$0x3F94] =	sst s1;
	(tag) =	ssettag s2;
	_ =	strace s9  }
0x27: {  	s1 =	sld [smem:$0x3FA4]  }
0x28: {  	s2 =	sld [smem:$0x3FA5]  }
0x29: {  	s4 =	sld [smem:$0x3FA7]  }
0x2a: {  	p0 =	seq.s32 s5, $0x0;
	s5 =	sld [smem:$0x3FA8]  }
0x2b: {  	s6 =	sld [smem:$0x3FA9]  }
0x2c: {  	s7 =	sld [smem:$0x3FAA]  }
0x2d: {  	s3 =	simm.s32 $0x108;
	s8 =	sld [smem:$0x3FAB]  }
0x2e: {  	s3 =	simm.s32 @!p0 $0x1082;
	s9 =	sld [smem:$0x3FAC]  }
0x2f: {  	lr =	sadd.s32 s0, s3;
	s0 =	sld [smem:$0x3FA3]  }
0x30: {  	s3 =	sld [smem:$0x3FA6]  }
0x31: {  	[smem:$0x3FAF] =	sst s10  }
0x32: {  	s10 =	sld [smem:$0x3FAD];
	_ =	sdelay $0x3  }
0x33: {  	p0 =	seq.s32 s10, $0x1;
	s10 =	sld [smem:$0x3FAF];
	_ =	sdelay $0x3  }
0x34: {  	[smem:$0x3FAF] =	sst s10  }
0x35: {  	s10 =	sld [smem:$0x3FAE];
	_ =	sdelay $0x3  }
0x36: {  	p1 =	seq.s32 s10, $0x1;
	s10 =	sld [smem:$0x3FAF];
	_ =	sdelay $0x3  }
0x37: {  	[smem:$0x3FAF] =	sst s10  }
0x38: {  	s10 =	sld [smem:$0x3FB0]  }
0x39: {  	_ = 	snop;
	(pc) =	sbr.ind lr, $3  }
0x3a: {  	_ = 	snop  }
0x3b: {  	_ = 	snop  }
0x3c: {  	p2 =	seq.s32 s10, $0x1;
	s10 =	sld [smem:$0x3FAF]  }
0x3d: {  	_ =	shalt  }
0x3e: {  	_ =	shalt  }
0x3f: {  	_ =	shalt  }
0x40: {  	_ =	shalt  }
0x41: {  	_ =	shalt  }
0x42: {  	_ =	shalt  }
0x43: {  	_ =	shalt  }
0x44: {  	_ =	shalt  }
0x45: {  	_ =	shalt  }
0x46: {  	_ =	shalt  }
0x47: {  	_ =	shalt  }
0x48: {  	_ =	shalt  }
0x49: {  	_ =	shalt  }
0x4a: {  	_ =	shalt  }
0x4b: {  	_ =	shalt  }
0x4c: {  	_ =	shalt  }
0x4d: {  	_ =	shalt  }
0x4e: {  	_ =	shalt  }
0x4f: {  	_ =	shalt  }
0x50: {  	_ =	shalt  }
0x51: {  	_ =	shalt  }
0x52: {  	_ =	shalt  }
0x53: {  	_ =	shalt  }
0x54: {  	_ =	shalt  }
0x55: {  	_ =	shalt  }
0x56: {  	_ =	shalt  }
0x57: {  	_ =	shalt  }
0x58: {  	_ =	shalt  }
0x59: {  	_ =	shalt  }
0x5a: {  	_ =	shalt  }
0x5b: {  	_ =	shalt  }
0x5c: {  	_ =	shalt  }
0x5d: {  	_ =	shalt  }
0x5e: {  	_ =	shalt  }
0x5f: {  	_ =	shalt  }
0x60: {  	_ =	shalt  }
0x61: {  	_ =	shalt  }
0x62: {  	_ =	shalt  }
0x63: {  	_ =	shalt  }
0x64: {  	_ =	shalt  }
0x65: {  	_ =	shalt  }
0x66: {  	_ =	shalt  }
0x67: {  	_ =	shalt  }
0x68: {  	_ =	shalt  }
0x69: {  	_ =	shalt  }
0x6a: {  	_ =	shalt  }
0x6b: {  	_ =	shalt  }
0x6c: {  	_ =	shalt  }
0x6d: {  	_ =	shalt  }
0x6e: {  	_ =	shalt  }
0x6f: {  	_ =	shalt  }
0x70: {  	_ =	shalt  }
0x71: {  	_ =	shalt  }
0x72: {  	_ =	shalt  }
0x73: {  	_ =	shalt  }
0x74: {  	_ =	shalt  }
0x75: {  	_ =	shalt  }
0x76: {  	_ =	shalt  }
0x77: {  	_ =	shalt  }
0x78: {  	_ =	shalt  }
0x79: {  	_ =	shalt  }
0x7a: {  	_ =	shalt  }
0x7b: {  	_ =	shalt  }
0x7c: {  	_ =	shalt  }
0x7d: {  	_ =	shalt  }
0x7e: {  	_ =	shalt  }
0x7f: {  	_ =	shalt  }
0x80: {  	_ =	shalt  }
0x81: {  	_ =	shalt  }
0x82: {  	_ =	shalt  }
0x83: {  	_ =	shalt  }
0x84: {  	_ =	shalt  }
0x85: {  	_ =	shalt  }
0x86: {  	_ =	shalt  }
0x87: {  	_ =	shalt  }
.Lfunc_end0:
.L_simem_size_0:
called_computation.2_lowered:
.L_overlay_start_0:
0x88: {  	s2 =	sld [smem:$0x3FD9]  }
0x89: {  	s3 =	sld [smem:$0x3FFE];
	_ =	sdelay $0x1  }
0x8a: {  	s1 =	srdreg.scid  }
0x8b: {  	s0 =	sand.u32 $0x1, s1  }
0x8c: {  	s16 =	sshll.u32 s0, $0xA;
	s2 =	sadd.s32 s3, s2  }
0x8d: {  	s2 =	sadd.s32 s2, s16  }
0x8e: {  	[smem:$0x3FBB] =	sst s2  }
0x8f: {  	_ = 	snop  }
0x90: {  	(tm) =	ssettm $0x1  }
0x91: {  	s17 =	sld [smem:$0x3FFB];
	_ =	sdelay $0x3  }
0x92: {  	_ =	strace s17  }
0x93: {  	s2 =	sld [smem:$0x3FFC];
	_ =	sdelay $0x3  }
0x94: {  	_ =	strace s2  }
0x95: {  	s2 =	sld [smem:$0x3FFD];
	_ =	sdelay $0x3  }
0x96: {  	_ =	strace s2  }
0x97: {  	_ =	strace $0x8FFFFFFF  }
0x98: {  	s18 =	sld [smem:$0x3FDB];
	_ =	sdelay $0x1  }
0x99: {  	s19 =	simm.s32 $_scs_section_size  }
0x9a: {  	s4 =	simm.s32 $_size__tile_overlayer_lowered;
	s5 =	simm.s32 $_tile_overlayer_lowered  }
0x9b: {  	s22 =	simm.s32 $0x1BFF;
	s21 =	sshll.u32 s5, $0x1;
	s2 =	sadd.s32 s19, s18  }
0x9c: {  	s6 =	simm.s32 $0x0;
	s20 =	sshll.u32 s4, $0x1;
	s4 =	sadd.s32 s21, s2  }
0x9d: {  	[timem:s6], [sflag:s22] =	dma.local [hbm:s4], s20  }
0x9e: {  	_ =	swait.ge [sflag:s22], s20  }
0x9f: {  	s3 =	ssub.s32 $0x0, s20;
	[sflag:s22] =	ssyncset.done $0x0  }
0xa0: {  	[sflag:s22] =	ssyncadd.s32 s3;
	_ =	sdelay $0x1  }
0xa1: {  	s23 =	simm.s32 $0x1B8B  }
0xa2: {  	_ =	swait.ge [sflag:s23], $0x1  }
0xa3: {  	[sflag:s23] =	ssyncset.done $0x0  }
0xa4: {  	s25 =	simm.s32 $0x1B8E;
	s24 =	sld [smem:$0x3FFE];
	[sflag:s23] =	ssyncadd.s32 $0xFFFFFFFF  }
0xa5: {  	s26 =	simm.s32 $execute0_lowered;
	[smem:$0x3FD2] =	sst s25  }
0xa6: {  	s4 =	sshll.u32 s26, $0x1;
	_ =	strace $0x8000004C;
	[dreg:$0x1] =	wrdreg $0xFFFFFFFF  }
0xa7: {  	s28 =	simm.s32 $_size_execute0_lowered;
	s2 =	sadd.s32 s2, s4;
	[dreg:$0x0] =	wrdreg $0x0  }
0xa8: {  	s4 =	sshll.u32 s28, $0x1;
	[dreg:$0x2] =	wrdreg s2  }
0xa9: {  	[dreg:$0x3] =	wrdreg s4  }
0xaa: {  	[dreg:$0x4] =	wrdreg $0xC0  }
0xab: {  	_ =	task [dreg:s6], $0x5FFFF  }
0xac: {  	[dreg:$0x1] =	wrdreg $0xFFFFFFFF  }
0xad: {  	[dreg:$0x0] =	wrdreg $0x60  }
0xae: {  	[dreg:$0x2] =	wrdreg s24  }
0xaf: {  	[dreg:$0x3] =	wrdreg $0xD0000  }
0xb0: {  	[dreg:$0x4] =	wrdreg $0x9  }
0xb1: {  	_ =	task.clear_ibuf [dreg:s6], $0x5FFFF;
	_ =	strace $0x9000004C  }
0xb2: {  	s29 =	simm.s32 $0x9;
	_ =	strace $0x8000004E  }
0xb3: {  	_ =	swait.ge [sflag:s29], $0x1  }
0xb4: {  	[sflag:s29] =	ssyncadd.s32 $0xFFFFFFFF  }
0xb5: {  	_ =	strace $0x9000004E  }
0xb6: {  	_ =	sfence  }
0xb7: {  	s30 =	sld [smem:$0x0];
	_ =	sdelay $0x2  }
0xb8: {  	s31 =	sshll.u32 s1, $0xD;
	s1 =	sshrl.u32 s1, $0x2  }
0xb9: {  	s3 =	sand.u32 $0x4000, s31;
	s1 =	sadd.s32 s1, s30  }
0xba: {  	s0 =	sor.u32 s3, s0;
	s1 =	sshll.u32 s1, $0x11  }
0xbb: {  	s0 =	sor.u32 s1, s0  }
0xbc: {  	s0 =	sadd.s32 $0x8F2B, s0  }
0xbd: {  	[sflag:s0] =	ssyncadd.remote.s32 $0x1  }
0xbe: {  	_ =	sfence.sel $0xFFFF  }
0xbf: {  	[dreg:$0x0] =	wrdreg $0xFFFFFFFF;
	(pc) =	sbr.abs _section_cstart, $3  }
0xc0: {  	[dreg:$0x1] =	wrdreg $0xFFFFFFFF  }
0xc1: {  	_ =	task.clear_ibuf [dreg:s6], $0x2FFFF;
	_ =	strace $0x9FFFFFFF  }
0xc2: {  	(tm) =	ssettm $0x7FFFFFFF  }
0xc3: {  	_ =	shalt  }
tec
execute0_lowered:
.L_overlay_start_1:
0x0: {  	(tag) =	ssettag $0x1  }
0x1: {  	s1 =	rddreg [dreg:$0x0]  }
0x2: {  	s2 =	rddreg [dreg:$0x1];
	s30 =	simm.s32 $0x0  }
0x3: {  	s25 =	simm.s32 $0x400;
	[smem:$0x7FF] =	sst s30  }
0x4: {  	s26 =	simm.s32 $0x2A00;
	_ =	strace $0x8000004D;
	[dreg:$0x7] =	wrdreg s25  }
0x5: {  	s0 =	srdreg.scid;
	s7 =	simm.s32 $0x800;
	[dreg:$0x8] =	wrdreg s26  }
0x6: {  	s12 =	stileid.u32;
	s8 =	simm.s32 $0x2E00;
	[dreg:$0xb] =	wrdreg s7  }
0x7: {  	s9 =	simm.s32 $0xA00;
	s10 =	simm.s32 $0x3000;
	[dreg:$0xc] =	wrdreg s8  }
0x8: {  	s13 =	simm.s32 $0xC00;
	s14 =	simm.s32 $0x3200;
	[dreg:$0xd] =	wrdreg s9  }
0x9: {  	s16 =	simm.s32 $0xE00;
	s18 =	simm.s32 $0x3400;
	[dreg:$0xe] =	wrdreg s10  }
0xa: {  	s19 =	simm.s32 $0x1000;
	s20 =	simm.s32 $0x3600;
	[dreg:$0xf] =	wrdreg s13  }
0xb: {  	s21 =	simm.s32 $0x1200;
	s22 =	simm.s32 $0x3800;
	[dreg:$0x10] =	wrdreg s14  }
0xc: {  	s31 =	simm.s32 $0x2800;
	s29 =	simm.s32 $0x1800;
	[dreg:$0x11] =	wrdreg s16  }
0xd: {  	s28 =	simm.s32 $0x4000;
	p0 =	por $0x0, $0x0;
	[dreg:$0x12] =	wrdreg s18  }
0xe: {  	s0 =	sand.u32 $0x1, s0;
	s4 =	smul.u32 $0x4F00, s12;
	[dreg:$0x13] =	wrdreg s19  }
0xf: {  	s17 =	sshll.u32 s12, $0x6;
	s3 =	sshll.u32 s0, $0x4;
	[dreg:$0x14] =	wrdreg s20  }
0x10: {  	s6 =	smul.u32 $0x4F000, s0;
	s0 =	ssub.s32 $0x2, s0;
	[dreg:$0x15] =	wrdreg s21  }
0x11: {  	[dreg:$0x16] =	wrdreg s22;
	s7 =	simm.s32 $0x200;
	s9 =	simm.s32 $0x5000  }
0x12: {  	s25 =	simm.s32 $0x1600;
	s26 =	simm.s32 $0x3C00;
	s8 =	simm.s32 $0x9000  }
0x13: {  	s10 =	simm.s32 $0x2;
	s18 =	simm.s32 $0x3E00;
	s22 =	simm.s32 $0x1E00  }
0x14: {  	s20 =	simm.s32 $0x2000;
	s21 =	simm.s32 $0x4600;
	s19 =	simm.s32 $0x4800  }
0x15: {  	s16 =	simm.s32 $0x2400;
	s14 =	simm.s32 $0x2600;
	s13 =	simm.s32 $0x4E00  }
0x16: {  	s3 =	sor.u32 s12, s3;
	s5 =	sshrl.u32 s4, $0x3;
	[dreg:$0x19] =	wrdreg s25  }
0x17: {  	s11 =	sshrl.u32 s0, $0x1;
	s15 =	sadd.s32 s4, s2;
	[dreg:$0x1a] =	wrdreg s26  }
0x18: {  	s26 =	simm.s32 $0x1A00;
	s25 =	simm.s32 $0x4200;
	s3 =	smul.u32 $0x500, s3  }
0x19: {  	s5 =	sadd.s32 s5, s1;
	s6 =	sadd.s32 s4, s6;
	s0 =	ssub.s32 s0, s11  }
0x1a: {  	s4 =	sor.u32 $0x1C03, s17;
	s11 =	simm.s32 $0x1;
	s17 =	simm.s32 $0x4A00  }
0x1b: {  	s5 =	sadd.s32 $0x1FC00, s5;
	s6 =	sshrl.u32 s6, $0x3;
	s0 =	smax.u32 s0, $0x1  }
0x1c: {  	s3 =	sadd.s32 s3, s1;
	[dreg:$0x3] =	wrdreg s5;
	s5 =	simm.s32 $0x600  }
0x1d: {  	s6 =	sadd.s32 s6, s1;
	s23 =	sadd.s32 $0x15C00, s3;
	[dreg:$0x9] =	wrdreg s5  }
0x1e: {  	p1 =	sne.s32 s0, $0x1;
	s3 =	sadd.s32 $0xBC00, s3;
	[dreg:$0x4] =	wrdreg s23  }
0x1f: {  	s24 =	sadd.s32 $0x29A00, s6;
	s6 =	simm.s32 $0x2C00;
	[dreg:$0x5] =	wrdreg s3  }
.Ltmp0:
0x20: {  	s5 =	sshrl.u32 s15, $0x3;
	[dreg:$0x6] =	wrdreg s24;
	(pc) =	sbr.rel @!p1 .LBB2_1-.Ltmp0, $4  }
0x21: {  	s15 =	simm.s32 $0x4C00;
	[dreg:$0xa] =	wrdreg s6;
	s3 =	sadd.s32 $0x1E00, s1  }
0x22: {  	s23 =	simm.s32 $0x1400;
	s1 =	sadd.s32 $0xFFFFFFFF, s0;
	s0 =	rddreg [dreg:$0x3]  }
0x23: {  	s6 =	simm.s32 $0x3;
	s24 =	simm.s32 $0x3A00;
	[dreg:$0x17] =	wrdreg s23  }
0x24: {  	[dreg:$0x18] =	wrdreg s24;
	s24 =	simm.s32 $0x1C00;
	s23 =	simm.s32 $0x4400  }
0x25: {  	[spmem:s5], [sflag:s4] =	dma.local [hbm:s0], $0x9E0  }
0x26: {  	_ =	swait.ge [sflag:s6], $0x9E0  }
0x27: {  	[sflag:s6] =	ssyncset.done $0x0  }
0x28: {  	s12 =	rddreg [dreg:$0x4];
	[sflag:s6] =	ssyncadd.s32 $0xFFFFF620  }
0x29: {  	[tilespmem:s30], [sflag:$0x3] =	stream.linear.gather [hbm4b:s12+s30], $0x2800, $0x38;
	[tilespmem:$0x11F00] =	vst v63  }
0x2a: {  	_ =	swait.ge [sflag:s6], $0x2800  }
0x2b: {  	[sflag:s6] =	ssyncset.done $0x0  }
0x2c: {  	s12 =	rddreg [dreg:$0x5];
	[sflag:s6] =	ssyncadd.s32 $0xFFFFD800  }
0x2d: {  	[tilespmem:s31], [sflag:$0x3] =	stream.linear.gather [hbm4b:s12+s30], $0x2800, $0x38;
	[tilespmem:$0x11F00] =	vst v63  }
0x2e: {  	_ =	swait.ge [sflag:s6], $0x2800  }
0x2f: {  	[sflag:s6] =	ssyncset.done $0x0  }
0x30: {  	[sflag:s6] =	ssyncadd.s32 $0xFFFFD800  }
0x31: {  	[bflag:$0x0] =	sbarrier.arrive $0xFFFF  }
0x32: {  	[tilespmem:s9], [sflag:$0x1] =	stream.indirect.gather [hbm4b:s3+s7], $0x20, s30, s7, $0xb8;
	[tilespmem:$0x11F00] =	vst v63  }
0x33: {  	_ =	swait.ge [sflag:s11], $0x4000  }
0x34: {  	[sflag:s11] =	ssyncset.done $0x0  }
0x35: {  	[sflag:s11] =	ssyncadd.s32 $0xFFFFC000  }
0x36: {  	[tilespmem:s8], [sflag:$0x2] =	stream.indirect.gather [hbm4b:s3+s7], $0x20, s7, s7, $0xb8;
	[tilespmem:$0x11F00] =	vst v63  }
0x37: {  	_ = 	snop  }
0x38: {  	[spmem:s2] =	stream.indirect.scatter.add.f32 [tilespmem:s9], [sflag:$0x3], $0x20, s31, s7, $0xb8;
	[tilespmem:$0x11F00] =	vst v63  }
0x39: {  	_ =	swait.ge [sflag:s6], $0x4000  }
0x3a: {  	[sflag:s6] =	ssyncset.done $0x0  }
0x3b: {  	[sflag:s6] =	ssyncadd.s32 $0xFFFFC000  }
0x3c: {  	_ =	swait.ge [sflag:s10], $0x4000  }
0x3d: {  	[sflag:s10] =	ssyncset.done $0x0  }
0x3e: {  	s0 =	rddreg [dreg:$0x7];
	[sflag:s10] =	ssyncadd.s32 $0xFFFFC000  }
0x3f: {  	[tilespmem:s9], [sflag:$0x1] =	stream.indirect.gather [hbm4b:s3+s7], $0x20, s0, s7, $0xb8;
	[tilespmem:$0x11F00] =	vst v63  }
0x40: {  	s12 =	smov.u32 s1;
	s1 =	rddreg [dreg:$0x8]  }
0x41: {  	[spmem:s2] =	stream.indirect.scatter.add.f32 [tilespmem:s8], [sflag:$0x3], $0x20, s1, s7, $0xb8;
	[tilespmem:$0x11F00] =	vst v63  }
0x42: {  	_ =	swait.ge [sflag:s6], $0x4000  }
0x43: {  	[sflag:s6] =	ssyncset.done $0x0  }
0x44: {  	[sflag:s6] =	ssyncadd.s32 $0xFFFFC000  }
0x45: {  	_ =	swait.ge [sflag:s11], $0x4000  }
0x46: {  	[sflag:s11] =	ssyncset.done $0x0  }
0x47: {  	s0 =	rddreg [dreg:$0x9];
	[sflag:s11] =	ssyncadd.s32 $0xFFFFC000  }
0x48: {  	[tilespmem:s8], [sflag:$0x2] =	stream.indirect.gather [hbm4b:s3+s7], $0x20, s0, s7, $0xb8;
	[tilespmem:$0x11F00] =	vst v63  }
0x49: {  	s1 =	rddreg [dreg:$0xa]  }
0x4a: {  	[spmem:s2] =	stream.indirect.scatter.add.f32 [tilespmem:s9], [sflag:$0x3], $0x20, s1, s7, $0xb8;
	[tilespmem:$0x11F00] =	vst v63  }
0x4b: {  	_ =	swait.ge [sflag:s6], $0x4000  }
0x4c: {  	[sflag:s6] =	ssyncset.done $0x0  }
0x4d: {  	[sflag:s6] =	ssyncadd.s32 $0xFFFFC000  }
0x4e: {  	_ =	swait.ge [sflag:s10], $0x4000  }
0x4f: {  	[sflag:s10] =	ssyncset.done $0x0  }
0x50: {  	s0 =	rddreg [dreg:$0xb];
	[sflag:s10] =	ssyncadd.s32 $0xFFFFC000  }
0x51: {  	[tilespmem:s9], [sflag:$0x1] =	stream.indirect.gather [hbm4b:s3+s7], $0x20, s0, s7, $0xb8;
	[tilespmem:$0x11F00] =	vst v63  }
0x52: {  	s1 =	rddreg [dreg:$0xc]  }
0x53: {  	[spmem:s2] =	stream.indirect.scatter.add.f32 [tilespmem:s8], [sflag:$0x3], $0x20, s1, s7, $0xb8;
	[tilespmem:$0x11F00] =	vst v63  }
0x54: {  	_ =	swait.ge [sflag:s6], $0x4000  }
0x55: {  	[sflag:s6] =	ssyncset.done $0x0  }
0x56: {  	[sflag:s6] =	ssyncadd.s32 $0xFFFFC000  }
0x57: {  	_ =	swait.ge [sflag:s11], $0x4000  }
0x58: {  	[sflag:s11] =	ssyncset.done $0x0  }
0x59: {  	s0 =	rddreg [dreg:$0xd];
	[sflag:s11] =	ssyncadd.s32 $0xFFFFC000  }
0x5a: {  	[tilespmem:s8], [sflag:$0x2] =	stream.indirect.gather [hbm4b:s3+s7], $0x20, s0, s7, $0xb8;
	[tilespmem:$0x11F00] =	vst v63  }
0x5b: {  	s1 =	rddreg [dreg:$0xe]  }
0x5c: {  	[spmem:s2] =	stream.indirect.scatter.add.f32 [tilespmem:s9], [sflag:$0x3], $0x20, s1, s7, $0xb8;
	[tilespmem:$0x11F00] =	vst v63  }
0x5d: {  	_ =	swait.ge [sflag:s6], $0x4000  }
0x5e: {  	[sflag:s6] =	ssyncset.done $0x0  }
0x5f: {  	[sflag:s6] =	ssyncadd.s32 $0xFFFFC000  }
0x60: {  	_ =	swait.ge [sflag:s10], $0x4000  }
0x61: {  	[sflag:s10] =	ssyncset.done $0x0  }
0x62: {  	s0 =	rddreg [dreg:$0xf];
	[sflag:s10] =	ssyncadd.s32 $0xFFFFC000  }
0x63: {  	[tilespmem:s9], [sflag:$0x1] =	stream.indirect.gather [hbm4b:s3+s7], $0x20, s0, s7, $0xb8;
	[tilespmem:$0x11F00] =	vst v63  }
0x64: {  	s1 =	rddreg [dreg:$0x10]  }
0x65: {  	[spmem:s2] =	stream.indirect.scatter.add.f32 [tilespmem:s8], [sflag:$0x3], $0x20, s1, s7, $0xb8;
	[tilespmem:$0x11F00] =	vst v63  }
0x66: {  	_ =	swait.ge [sflag:s6], $0x4000  }
0x67: {  	[sflag:s6] =	ssyncset.done $0x0  }
0x68: {  	[sflag:s6] =	ssyncadd.s32 $0xFFFFC000  }
0x69: {  	_ =	swait.ge [sflag:s11], $0x4000  }
0x6a: {  	[sflag:s11] =	ssyncset.done $0x0  }
0x6b: {  	s0 =	rddreg [dreg:$0x11];
	[sflag:s11] =	ssyncadd.s32 $0xFFFFC000  }
0x6c: {  	[tilespmem:s8], [sflag:$0x2] =	stream.indirect.gather [hbm4b:s3+s7], $0x20, s0, s7, $0xb8;
	[tilespmem:$0x11F00] =	vst v63  }
0x6d: {  	s1 =	rddreg [dreg:$0x12]  }
0x6e: {  	[spmem:s2] =	stream.indirect.scatter.add.f32 [tilespmem:s9], [sflag:$0x3], $0x20, s1, s7, $0xb8;
	[tilespmem:$0x11F00] =	vst v63  }
0x6f: {  	_ =	swait.ge [sflag:s6], $0x4000  }
0x70: {  	[sflag:s6] =	ssyncset.done $0x0  }
0x71: {  	[sflag:s6] =	ssyncadd.s32 $0xFFFFC000  }
0x72: {  	_ =	swait.ge [sflag:s10], $0x4000  }
0x73: {  	[sflag:s10] =	ssyncset.done $0x0  }
0x74: {  	s0 =	rddreg [dreg:$0x13];
	[sflag:s10] =	ssyncadd.s32 $0xFFFFC000  }
0x75: {  	[tilespmem:s9], [sflag:$0x1] =	stream.indirect.gather [hbm4b:s3+s7], $0x20, s0, s7, $0xb8;
	[tilespmem:$0x11F00] =	vst v63  }
0x76: {  	s1 =	rddreg [dreg:$0x14]  }
0x77: {  	[spmem:s2] =	stream.indirect.scatter.add.f32 [tilespmem:s8], [sflag:$0x3], $0x20, s1, s7, $0xb8;
	[tilespmem:$0x11F00] =	vst v63  }
0x78: {  	_ =	swait.ge [sflag:s6], $0x4000  }
0x79: {  	[sflag:s6] =	ssyncset.done $0x0  }
0x7a: {  	[sflag:s6] =	ssyncadd.s32 $0xFFFFC000  }
0x7b: {  	_ =	swait.ge [sflag:s11], $0x4000  }
0x7c: {  	[sflag:s11] =	ssyncset.done $0x0  }
0x7d: {  	s0 =	rddreg [dreg:$0x15];
	[sflag:s11] =	ssyncadd.s32 $0xFFFFC000  }
0x7e: {  	[tilespmem:s8], [sflag:$0x2] =	stream.indirect.gather [hbm4b:s3+s7], $0x20, s0, s7, $0xb8;
	[tilespmem:$0x11F00] =	vst v63  }
0x7f: {  	s1 =	rddreg [dreg:$0x16]  }
0x80: {  	[spmem:s2] =	stream.indirect.scatter.add.f32 [tilespmem:s9], [sflag:$0x3], $0x20, s1, s7, $0xb8;
	[tilespmem:$0x11F00] =	vst v63  }
0x81: {  	_ =	swait.ge [sflag:s6], $0x4000  }
0x82: {  	[sflag:s6] =	ssyncset.done $0x0  }
0x83: {  	[sflag:s6] =	ssyncadd.s32 $0xFFFFC000  }
0x84: {  	_ =	swait.ge [sflag:s10], $0x4000  }
0x85: {  	[sflag:s10] =	ssyncset.done $0x0  }
0x86: {  	s0 =	rddreg [dreg:$0x17];
	[sflag:s10] =	ssyncadd.s32 $0xFFFFC000  }
0x87: {  	[tilespmem:s9], [sflag:$0x1] =	stream.indirect.gather [hbm4b:s3+s7], $0x20, s0, s7, $0xb8;
	[tilespmem:$0x11F00] =	vst v63  }
0x88: {  	s1 =	rddreg [dreg:$0x18]  }
0x89: {  	[spmem:s2] =	stream.indirect.scatter.add.f32 [tilespmem:s8], [sflag:$0x3], $0x20, s1, s7, $0xb8;
	[tilespmem:$0x11F00] =	vst v63  }
0x8a: {  	_ =	swait.ge [sflag:s6], $0x4000  }
0x8b: {  	[sflag:s6] =	ssyncset.done $0x0  }
0x8c: {  	[sflag:s6] =	ssyncadd.s32 $0xFFFFC000  }
0x8d: {  	_ =	swait.ge [sflag:s11], $0x4000  }
0x8e: {  	[sflag:s11] =	ssyncset.done $0x0  }
0x8f: {  	s0 =	rddreg [dreg:$0x19];
	[sflag:s11] =	ssyncadd.s32 $0xFFFFC000  }
0x90: {  	[tilespmem:s8], [sflag:$0x2] =	stream.indirect.gather [hbm4b:s3+s7], $0x20, s0, s7, $0xb8;
	[tilespmem:$0x11F00] =	vst v63  }
0x91: {  	s1 =	rddreg [dreg:$0x1a]  }
0x92: {  	[spmem:s2] =	stream.indirect.scatter.add.f32 [tilespmem:s9], [sflag:$0x3], $0x20, s1, s7, $0xb8;
	[tilespmem:$0x11F00] =	vst v63  }
0x93: {  	_ =	swait.ge [sflag:s6], $0x4000  }
0x94: {  	[sflag:s6] =	ssyncset.done $0x0  }
0x95: {  	[sflag:s6] =	ssyncadd.s32 $0xFFFFC000  }
0x96: {  	_ =	swait.ge [sflag:s10], $0x4000  }
0x97: {  	[sflag:s10] =	ssyncset.done $0x0  }
0x98: {  	[sflag:s10] =	ssyncadd.s32 $0xFFFFC000  }
0x99: {  	[tilespmem:s9], [sflag:$0x1] =	stream.indirect.gather [hbm4b:s3+s7], $0x20, s29, s7, $0xb8;
	[tilespmem:$0x11F00] =	vst v63  }
0x9a: {  	_ = 	snop  }
0x9b: {  	[spmem:s2] =	stream.indirect.scatter.add.f32 [tilespmem:s8], [sflag:$0x3], $0x20, s18, s7, $0xb8;
	[tilespmem:$0x11F00] =	vst v63  }
0x9c: {  	_ =	swait.ge [sflag:s6], $0x4000  }
0x9d: {  	[sflag:s6] =	ssyncset.done $0x0  }
0x9e: {  	[sflag:s6] =	ssyncadd.s32 $0xFFFFC000  }
0x9f: {  	_ =	swait.ge [sflag:s11], $0x4000  }
0xa0: {  	[sflag:s11] =	ssyncset.done $0x0  }
0xa1: {  	[sflag:s11] =	ssyncadd.s32 $0xFFFFC000  }
0xa2: {  	[tilespmem:s8], [sflag:$0x2] =	stream.indirect.gather [hbm4b:s3+s7], $0x20, s26, s7, $0xb8;
	[tilespmem:$0x11F00] =	vst v63  }
0xa3: {  	_ = 	snop  }
0xa4: {  	[spmem:s2] =	stream.indirect.scatter.add.f32 [tilespmem:s9], [sflag:$0x3], $0x20, s28, s7, $0xb8;
	[tilespmem:$0x11F00] =	vst v63  }
0xa5: {  	_ =	swait.ge [sflag:s6], $0x4000  }
0xa6: {  	[sflag:s6] =	ssyncset.done $0x0  }
0xa7: {  	[sflag:s6] =	ssyncadd.s32 $0xFFFFC000  }
0xa8: {  	_ =	swait.ge [sflag:s10], $0x4000  }
0xa9: {  	[sflag:s10] =	ssyncset.done $0x0  }
0xaa: {  	[sflag:s10] =	ssyncadd.s32 $0xFFFFC000  }
0xab: {  	[tilespmem:s9], [sflag:$0x1] =	stream.indirect.gather [hbm4b:s3+s7], $0x20, s24, s7, $0xb8;
	[tilespmem:$0x11F00] =	vst v63  }
0xac: {  	_ = 	snop  }
0xad: {  	[spmem:s2] =	stream.indirect.scatter.add.f32 [tilespmem:s8], [sflag:$0x3], $0x20, s25, s7, $0xb8;
	[tilespmem:$0x11F00] =	vst v63  }
0xae: {  	_ =	swait.ge [sflag:s6], $0x4000  }
0xaf: {  	[sflag:s6] =	ssyncset.done $0x0  }
0xb0: {  	[sflag:s6] =	ssyncadd.s32 $0xFFFFC000  }
0xb1: {  	_ =	swait.ge [sflag:s11], $0x4000  }
0xb2: {  	[sflag:s11] =	ssyncset.done $0x0  }
0xb3: {  	[sflag:s11] =	ssyncadd.s32 $0xFFFFC000  }
0xb4: {  	[tilespmem:s8], [sflag:$0x2] =	stream.indirect.gather [hbm4b:s3+s7], $0x20, s22, s7, $0xb8;
	[tilespmem:$0x11F00] =	vst v63  }
0xb5: {  	_ = 	snop  }
0xb6: {  	[spmem:s2] =	stream.indirect.scatter.add.f32 [tilespmem:s9], [sflag:$0x3], $0x20, s23, s7, $0xb8;
	[tilespmem:$0x11F00] =	vst v63  }
0xb7: {  	_ =	swait.ge [sflag:s6], $0x4000  }
0xb8: {  	[sflag:s6] =	ssyncset.done $0x0  }
0xb9: {  	[sflag:s6] =	ssyncadd.s32 $0xFFFFC000  }
0xba: {  	_ =	swait.ge [sflag:s10], $0x4000  }
0xbb: {  	[sflag:s10] =	ssyncset.done $0x0  }
0xbc: {  	[sflag:s10] =	ssyncadd.s32 $0xFFFFC000  }
0xbd: {  	[tilespmem:s9], [sflag:$0x1] =	stream.indirect.gather [hbm4b:s3+s7], $0x20, s20, s7, $0xb8;
	[tilespmem:$0x11F00] =	vst v63  }
0xbe: {  	_ = 	snop  }
0xbf: {  	[spmem:s2] =	stream.indirect.scatter.add.f32 [tilespmem:s8], [sflag:$0x3], $0x20, s21, s7, $0xb8;
	[tilespmem:$0x11F00] =	vst v63  }
0xc0: {  	_ =	swait.ge [sflag:s6], $0x4000  }
0xc1: {  	[sflag:s6] =	ssyncset.done $0x0  }
0xc2: {  	[sflag:s6] =	ssyncadd.s32 $0xFFFFC000  }
0xc3: {  	_ =	swait.ge [sflag:s11], $0x4000  }
0xc4: {  	[sflag:s11] =	ssyncset.done $0x0  }
0xc5: {  	s1 =	simm.s32 $0x2200;
	[sflag:s11] =	ssyncadd.s32 $0xFFFFC000  }
0xc6: {  	[tilespmem:s8], [sflag:$0x2] =	stream.indirect.gather [hbm4b:s3+s7], $0x20, s1, s7, $0xb8;
	[tilespmem:$0x11F00] =	vst v63  }
0xc7: {  	_ = 	snop  }
0xc8: {  	[spmem:s2] =	stream.indirect.scatter.add.f32 [tilespmem:s9], [sflag:$0x3], $0x20, s19, s7, $0xb8;
	[tilespmem:$0x11F00] =	vst v63  }
0xc9: {  	_ =	swait.ge [sflag:s6], $0x4000  }
0xca: {  	[sflag:s6] =	ssyncset.done $0x0  }
0xcb: {  	[sflag:s6] =	ssyncadd.s32 $0xFFFFC000  }
0xcc: {  	_ =	swait.ge [sflag:s10], $0x4000  }
0xcd: {  	[sflag:s10] =	ssyncset.done $0x0  }
0xce: {  	[sflag:s10] =	ssyncadd.s32 $0xFFFFC000  }
0xcf: {  	[tilespmem:s9], [sflag:$0x1] =	stream.indirect.gather [hbm4b:s3+s7], $0x20, s16, s7, $0xb8;
	[tilespmem:$0x11F00] =	vst v63  }
0xd0: {  	_ = 	snop  }
0xd1: {  	[spmem:s2] =	stream.indirect.scatter.add.f32 [tilespmem:s8], [sflag:$0x3], $0x20, s17, s7, $0xb8;
	[tilespmem:$0x11F00] =	vst v63  }
0xd2: {  	_ =	swait.ge [sflag:s6], $0x4000  }
0xd3: {  	[sflag:s6] =	ssyncset.done $0x0  }
0xd4: {  	[sflag:s6] =	ssyncadd.s32 $0xFFFFC000  }
0xd5: {  	_ =	swait.ge [sflag:s11], $0x4000  }
0xd6: {  	[sflag:s11] =	ssyncset.done $0x0  }
0xd7: {  	[sflag:s11] =	ssyncadd.s32 $0xFFFFC000  }
0xd8: {  	[tilespmem:s8], [sflag:$0x2] =	stream.indirect.gather [hbm4b:s3+s7], $0x20, s14, s7, $0xb8;
	[tilespmem:$0x11F00] =	vst v63  }
0xd9: {  	_ = 	snop  }
0xda: {  	[spmem:s2] =	stream.indirect.scatter.add.f32 [tilespmem:s9], [sflag:$0x3], $0x20, s15, s7, $0xb8;
	[tilespmem:$0x11F00] =	vst v63  }
0xdb: {  	_ =	swait.ge [sflag:s6], $0x4000  }
0xdc: {  	[sflag:s6] =	ssyncset.done $0x0  }
0xdd: {  	[sflag:s6] =	ssyncadd.s32 $0xFFFFC000  }
0xde: {  	_ =	swait.ge [sflag:s10], $0x4000  }
0xdf: {  	[sflag:s10] =	ssyncset.done $0x0  }
0xe0: {  	[sflag:s10] =	ssyncadd.s32 $0xFFFFC000  }
0xe1: {  	[spmem:s2] =	stream.indirect.scatter.add.f32 [tilespmem:s8], [sflag:$0x3], $0x20, s13, s7, $0xb8;
	[tilespmem:$0x11F00] =	vst v63  }
0xe2: {  	_ =	swait.ge [sflag:s6], $0x4000  }
0xe3: {  	[sflag:s6] =	ssyncset.done $0x0  }
0xe4: {  	p1 =	sne.s32 s12, $0x1;
	[sflag:s6] =	ssyncadd.s32 $0xFFFFC000  }
.Ltmp1:
0xe5: {  	[bflag:$0x0] =	sbarrier.arrive $0xFFFF;
	(pc) =	sbr.rel @!p1 .LBB2_3-.Ltmp1, $4  }
0xe6: {  	s1 =	rddreg [dreg:$0x6]  }
0xe7: {  	[hbm:s1], [sflag:s4] =	dma.local [spmem:s5], $0x9E0  }
0xe8: {  	p0 =	por $0x1, $0x1;
	_ =	swait.ge [sflag:s6], $0x9E0  }
0xe9: {  	s1 =	sadd.s32 $0xFFFFFFFF, s12;
	s0 =	rddreg [dreg:$0x3];
	[sflag:s6] =	ssyncset.done $0x0  }
.LBB2_4:
0xea: {  	[sflag:s6] =	ssyncadd.s32 $0xFFFFF620  }
0xeb: {  	[spmem:s5], [sflag:s4] =	dma.local [hbm:s0], $0x9E0  }
0xec: {  	_ =	swait.ge [sflag:s6], $0x9E0  }
0xed: {  	[sflag:s6] =	ssyncset.done $0x0  }
0xee: {  	s12 =	rddreg [dreg:$0x4];
	[sflag:s6] =	ssyncadd.s32 $0xFFFFF620  }
0xef: {  	[tilespmem:s30], [sflag:$0x3] =	stream.linear.gather [hbm4b:s12+s30], $0x2800, $0x38;
	[tilespmem:$0x11F00] =	vst v63  }
0xf0: {  	_ =	swait.ge [sflag:s6], $0x2800  }
0xf1: {  	[sflag:s6] =	ssyncset.done $0x0  }
0xf2: {  	s12 =	rddreg [dreg:$0x5];
	[sflag:s6] =	ssyncadd.s32 $0xFFFFD800  }
0xf3: {  	[tilespmem:s31], [sflag:$0x3] =	stream.linear.gather [hbm4b:s12+s30], $0x2800, $0x38;
	[tilespmem:$0x11F00] =	vst v63  }
0xf4: {  	_ =	swait.ge [sflag:s6], $0x2800  }
0xf5: {  	[sflag:s6] =	ssyncset.done $0x0  }
0xf6: {  	[sflag:s6] =	ssyncadd.s32 $0xFFFFD800  }
0xf7: {  	[bflag:$0x0] =	sbarrier.arrive $0xFFFF  }
0xf8: {  	[tilespmem:s9], [sflag:$0x1] =	stream.indirect.gather [hbm4b:s3+s7], $0x20, s30, s7, $0xb8;
	[tilespmem:$0x11F00] =	vst v63  }
0xf9: {  	_ =	swait.ge [sflag:s11], $0x4000  }
0xfa: {  	[sflag:s11] =	ssyncset.done $0x0  }
0xfb: {  	[sflag:s11] =	ssyncadd.s32 $0xFFFFC000  }
0xfc: {  	[tilespmem:s8], [sflag:$0x2] =	stream.indirect.gather [hbm4b:s3+s7], $0x20, s7, s7, $0xb8;
	[tilespmem:$0x11F00] =	vst v63  }
0xfd: {  	_ = 	snop  }
0xfe: {  	[spmem:s2] =	stream.indirect.scatter.add.f32 [tilespmem:s9], [sflag:$0x3], $0x20, s31, s7, $0xb8;
	[tilespmem:$0x11F00] =	vst v63  }
0xff: {  	_ =	swait.ge [sflag:s6], $0x4000  }
0x100: {  	[sflag:s6] =	ssyncset.done $0x0  }
0x101: {  	[sflag:s6] =	ssyncadd.s32 $0xFFFFC000  }
0x102: {  	_ =	swait.ge [sflag:s10], $0x4000  }
0x103: {  	[sflag:s10] =	ssyncset.done $0x0  }
0x104: {  	s0 =	rddreg [dreg:$0x7];
	[sflag:s10] =	ssyncadd.s32 $0xFFFFC000  }
0x105: {  	[tilespmem:s9], [sflag:$0x1] =	stream.indirect.gather [hbm4b:s3+s7], $0x20, s0, s7, $0xb8;
	[tilespmem:$0x11F00] =	vst v63  }
0x106: {  	s12 =	rddreg [dreg:$0x8]  }
0x107: {  	[spmem:s2] =	stream.indirect.scatter.add.f32 [tilespmem:s8], [sflag:$0x3], $0x20, s12, s7, $0xb8;
	[tilespmem:$0x11F00] =	vst v63  }
0x108: {  	_ =	swait.ge [sflag:s6], $0x4000  }
0x109: {  	[sflag:s6] =	ssyncset.done $0x0  }
0x10a: {  	[sflag:s6] =	ssyncadd.s32 $0xFFFFC000  }
0x10b: {  	_ =	swait.ge [sflag:s11], $0x4000  }
0x10c: {  	[sflag:s11] =	ssyncset.done $0x0  }
0x10d: {  	s0 =	rddreg [dreg:$0x9];
	[sflag:s11] =	ssyncadd.s32 $0xFFFFC000  }
0x10e: {  	[tilespmem:s8], [sflag:$0x2] =	stream.indirect.gather [hbm4b:s3+s7], $0x20, s0, s7, $0xb8;
	[tilespmem:$0x11F00] =	vst v63  }
0x10f: {  	s12 =	rddreg [dreg:$0xa]  }
0x110: {  	[spmem:s2] =	stream.indirect.scatter.add.f32 [tilespmem:s9], [sflag:$0x3], $0x20, s12, s7, $0xb8;
	[tilespmem:$0x11F00] =	vst v63  }
0x111: {  	_ =	swait.ge [sflag:s6], $0x4000  }
0x112: {  	[sflag:s6] =	ssyncset.done $0x0  }
0x113: {  	[sflag:s6] =	ssyncadd.s32 $0xFFFFC000  }
0x114: {  	_ =	swait.ge [sflag:s10], $0x4000  }
0x115: {  	[sflag:s10] =	ssyncset.done $0x0  }
0x116: {  	s0 =	rddreg [dreg:$0xb];
	[sflag:s10] =	ssyncadd.s32 $0xFFFFC000  }
0x117: {  	[tilespmem:s9], [sflag:$0x1] =	stream.indirect.gather [hbm4b:s3+s7], $0x20, s0, s7, $0xb8;
	[tilespmem:$0x11F00] =	vst v63  }
0x118: {  	s12 =	rddreg [dreg:$0xc]  }
0x119: {  	[spmem:s2] =	stream.indirect.scatter.add.f32 [tilespmem:s8], [sflag:$0x3], $0x20, s12, s7, $0xb8;
	[tilespmem:$0x11F00] =	vst v63  }
0x11a: {  	_ =	swait.ge [sflag:s6], $0x4000  }
0x11b: {  	[sflag:s6] =	ssyncset.done $0x0  }
0x11c: {  	[sflag:s6] =	ssyncadd.s32 $0xFFFFC000  }
0x11d: {  	_ =	swait.ge [sflag:s11], $0x4000  }
0x11e: {  	[sflag:s11] =	ssyncset.done $0x0  }
0x11f: {  	s0 =	rddreg [dreg:$0xd];
	[sflag:s11] =	ssyncadd.s32 $0xFFFFC000  }
0x120: {  	[tilespmem:s8], [sflag:$0x2] =	stream.indirect.gather [hbm4b:s3+s7], $0x20, s0, s7, $0xb8;
	[tilespmem:$0x11F00] =	vst v63  }
0x121: {  	s12 =	rddreg [dreg:$0xe]  }
0x122: {  	[spmem:s2] =	stream.indirect.scatter.add.f32 [tilespmem:s9], [sflag:$0x3], $0x20, s12, s7, $0xb8;
	[tilespmem:$0x11F00] =	vst v63  }
0x123: {  	_ =	swait.ge [sflag:s6], $0x4000  }
0x124: {  	[sflag:s6] =	ssyncset.done $0x0  }
0x125: {  	[sflag:s6] =	ssyncadd.s32 $0xFFFFC000  }
0x126: {  	_ =	swait.ge [sflag:s10], $0x4000  }
0x127: {  	[sflag:s10] =	ssyncset.done $0x0  }
0x128: {  	s0 =	rddreg [dreg:$0xf];
	[sflag:s10] =	ssyncadd.s32 $0xFFFFC000  }
0x129: {  	[tilespmem:s9], [sflag:$0x1] =	stream.indirect.gather [hbm4b:s3+s7], $0x20, s0, s7, $0xb8;
	[tilespmem:$0x11F00] =	vst v63  }
0x12a: {  	s12 =	rddreg [dreg:$0x10]  }
0x12b: {  	[spmem:s2] =	stream.indirect.scatter.add.f32 [tilespmem:s8], [sflag:$0x3], $0x20, s12, s7, $0xb8;
	[tilespmem:$0x11F00] =	vst v63  }
0x12c: {  	_ =	swait.ge [sflag:s6], $0x4000  }
0x12d: {  	[sflag:s6] =	ssyncset.done $0x0  }
0x12e: {  	[sflag:s6] =	ssyncadd.s32 $0xFFFFC000  }
0x12f: {  	_ =	swait.ge [sflag:s11], $0x4000  }
0x130: {  	[sflag:s11] =	ssyncset.done $0x0  }
0x131: {  	s0 =	rddreg [dreg:$0x11];
	[sflag:s11] =	ssyncadd.s32 $0xFFFFC000  }
0x132: {  	[tilespmem:s8], [sflag:$0x2] =	stream.indirect.gather [hbm4b:s3+s7], $0x20, s0, s7, $0xb8;
	[tilespmem:$0x11F00] =	vst v63  }
0x133: {  	s12 =	rddreg [dreg:$0x12]  }
0x134: {  	[spmem:s2] =	stream.indirect.scatter.add.f32 [tilespmem:s9], [sflag:$0x3], $0x20, s12, s7, $0xb8;
	[tilespmem:$0x11F00] =	vst v63  }
0x135: {  	_ =	swait.ge [sflag:s6], $0x4000  }
0x136: {  	[sflag:s6] =	ssyncset.done $0x0  }
0x137: {  	[sflag:s6] =	ssyncadd.s32 $0xFFFFC000  }
0x138: {  	_ =	swait.ge [sflag:s10], $0x4000  }
0x139: {  	[sflag:s10] =	ssyncset.done $0x0  }
0x13a: {  	s0 =	rddreg [dreg:$0x13];
	[sflag:s10] =	ssyncadd.s32 $0xFFFFC000  }
0x13b: {  	[tilespmem:s9], [sflag:$0x1] =	stream.indirect.gather [hbm4b:s3+s7], $0x20, s0, s7, $0xb8;
	[tilespmem:$0x11F00] =	vst v63  }
0x13c: {  	s12 =	rddreg [dreg:$0x14]  }
0x13d: {  	[spmem:s2] =	stream.indirect.scatter.add.f32 [tilespmem:s8], [sflag:$0x3], $0x20, s12, s7, $0xb8;
	[tilespmem:$0x11F00] =	vst v63  }
0x13e: {  	_ =	swait.ge [sflag:s6], $0x4000  }
0x13f: {  	[sflag:s6] =	ssyncset.done $0x0  }
0x140: {  	[sflag:s6] =	ssyncadd.s32 $0xFFFFC000  }
0x141: {  	_ =	swait.ge [sflag:s11], $0x4000  }
0x142: {  	[sflag:s11] =	ssyncset.done $0x0  }
0x143: {  	s0 =	rddreg [dreg:$0x15];
	[sflag:s11] =	ssyncadd.s32 $0xFFFFC000  }
0x144: {  	[tilespmem:s8], [sflag:$0x2] =	stream.indirect.gather [hbm4b:s3+s7], $0x20, s0, s7, $0xb8;
	[tilespmem:$0x11F00] =	vst v63  }
0x145: {  	s12 =	rddreg [dreg:$0x16]  }
0x146: {  	[spmem:s2] =	stream.indirect.scatter.add.f32 [tilespmem:s9], [sflag:$0x3], $0x20, s12, s7, $0xb8;
	[tilespmem:$0x11F00] =	vst v63  }
0x147: {  	_ =	swait.ge [sflag:s6], $0x4000  }
0x148: {  	[sflag:s6] =	ssyncset.done $0x0  }
0x149: {  	[sflag:s6] =	ssyncadd.s32 $0xFFFFC000  }
0x14a: {  	_ =	swait.ge [sflag:s10], $0x4000  }
0x14b: {  	[sflag:s10] =	ssyncset.done $0x0  }
0x14c: {  	s0 =	rddreg [dreg:$0x17];
	[sflag:s10] =	ssyncadd.s32 $0xFFFFC000  }
0x14d: {  	[tilespmem:s9], [sflag:$0x1] =	stream.indirect.gather [hbm4b:s3+s7], $0x20, s0, s7, $0xb8;
	[tilespmem:$0x11F00] =	vst v63  }
0x14e: {  	s12 =	rddreg [dreg:$0x18]  }
0x14f: {  	[spmem:s2] =	stream.indirect.scatter.add.f32 [tilespmem:s8], [sflag:$0x3], $0x20, s12, s7, $0xb8;
	[tilespmem:$0x11F00] =	vst v63  }
0x150: {  	_ =	swait.ge [sflag:s6], $0x4000  }
0x151: {  	[sflag:s6] =	ssyncset.done $0x0  }
0x152: {  	[sflag:s6] =	ssyncadd.s32 $0xFFFFC000  }
0x153: {  	_ =	swait.ge [sflag:s11], $0x4000  }
0x154: {  	[sflag:s11] =	ssyncset.done $0x0  }
0x155: {  	s0 =	rddreg [dreg:$0x19];
	[sflag:s11] =	ssyncadd.s32 $0xFFFFC000  }
0x156: {  	[tilespmem:s8], [sflag:$0x2] =	stream.indirect.gather [hbm4b:s3+s7], $0x20, s0, s7, $0xb8;
	[tilespmem:$0x11F00] =	vst v63  }
0x157: {  	s12 =	rddreg [dreg:$0x1a]  }
0x158: {  	[spmem:s2] =	stream.indirect.scatter.add.f32 [tilespmem:s9], [sflag:$0x3], $0x20, s12, s7, $0xb8;
	[tilespmem:$0x11F00] =	vst v63  }
0x159: {  	_ =	swait.ge [sflag:s6], $0x4000  }
0x15a: {  	[sflag:s6] =	ssyncset.done $0x0  }
0x15b: {  	[sflag:s6] =	ssyncadd.s32 $0xFFFFC000  }
0x15c: {  	_ =	swait.ge [sflag:s10], $0x4000  }
0x15d: {  	[sflag:s10] =	ssyncset.done $0x0  }
0x15e: {  	[sflag:s10] =	ssyncadd.s32 $0xFFFFC000  }
0x15f: {  	[tilespmem:s9], [sflag:$0x1] =	stream.indirect.gather [hbm4b:s3+s7], $0x20, s29, s7, $0xb8;
	[tilespmem:$0x11F00] =	vst v63  }
0x160: {  	_ = 	snop  }
0x161: {  	[spmem:s2] =	stream.indirect.scatter.add.f32 [tilespmem:s8], [sflag:$0x3], $0x20, s18, s7, $0xb8;
	[tilespmem:$0x11F00] =	vst v63  }
0x162: {  	_ =	swait.ge [sflag:s6], $0x4000  }
0x163: {  	[sflag:s6] =	ssyncset.done $0x0  }
0x164: {  	[sflag:s6] =	ssyncadd.s32 $0xFFFFC000  }
0x165: {  	_ =	swait.ge [sflag:s11], $0x4000  }
0x166: {  	[sflag:s11] =	ssyncset.done $0x0  }
0x167: {  	[sflag:s11] =	ssyncadd.s32 $0xFFFFC000  }
0x168: {  	[tilespmem:s8], [sflag:$0x2] =	stream.indirect.gather [hbm4b:s3+s7], $0x20, s26, s7, $0xb8;
	[tilespmem:$0x11F00] =	vst v63  }
0x169: {  	_ = 	snop  }
0x16a: {  	[spmem:s2] =	stream.indirect.scatter.add.f32 [tilespmem:s9], [sflag:$0x3], $0x20, s28, s7, $0xb8;
	[tilespmem:$0x11F00] =	vst v63  }
0x16b: {  	_ =	swait.ge [sflag:s6], $0x4000  }
0x16c: {  	[sflag:s6] =	ssyncset.done $0x0  }
0x16d: {  	[sflag:s6] =	ssyncadd.s32 $0xFFFFC000  }
0x16e: {  	_ =	swait.ge [sflag:s10], $0x4000  }
0x16f: {  	[sflag:s10] =	ssyncset.done $0x0  }
0x170: {  	[sflag:s10] =	ssyncadd.s32 $0xFFFFC000  }
0x171: {  	[tilespmem:s9], [sflag:$0x1] =	stream.indirect.gather [hbm4b:s3+s7], $0x20, s24, s7, $0xb8;
	[tilespmem:$0x11F00] =	vst v63  }
0x172: {  	_ = 	snop  }
0x173: {  	[spmem:s2] =	stream.indirect.scatter.add.f32 [tilespmem:s8], [sflag:$0x3], $0x20, s25, s7, $0xb8;
	[tilespmem:$0x11F00] =	vst v63  }
0x174: {  	_ =	swait.ge [sflag:s6], $0x4000  }
0x175: {  	[sflag:s6] =	ssyncset.done $0x0  }
0x176: {  	[sflag:s6] =	ssyncadd.s32 $0xFFFFC000  }
0x177: {  	_ =	swait.ge [sflag:s11], $0x4000  }
0x178: {  	[sflag:s11] =	ssyncset.done $0x0  }
0x179: {  	[sflag:s11] =	ssyncadd.s32 $0xFFFFC000  }
0x17a: {  	[tilespmem:s8], [sflag:$0x2] =	stream.indirect.gather [hbm4b:s3+s7], $0x20, s22, s7, $0xb8;
	[tilespmem:$0x11F00] =	vst v63  }
0x17b: {  	_ = 	snop  }
0x17c: {  	[spmem:s2] =	stream.indirect.scatter.add.f32 [tilespmem:s9], [sflag:$0x3], $0x20, s23, s7, $0xb8;
	[tilespmem:$0x11F00] =	vst v63  }
0x17d: {  	_ =	swait.ge [sflag:s6], $0x4000  }
0x17e: {  	[sflag:s6] =	ssyncset.done $0x0  }
0x17f: {  	[sflag:s6] =	ssyncadd.s32 $0xFFFFC000  }
0x180: {  	_ =	swait.ge [sflag:s10], $0x4000  }
0x181: {  	[sflag:s10] =	ssyncset.done $0x0  }
0x182: {  	[sflag:s10] =	ssyncadd.s32 $0xFFFFC000  }
0x183: {  	[tilespmem:s9], [sflag:$0x1] =	stream.indirect.gather [hbm4b:s3+s7], $0x20, s20, s7, $0xb8;
	[tilespmem:$0x11F00] =	vst v63  }
0x184: {  	_ = 	snop  }
0x185: {  	[spmem:s2] =	stream.indirect.scatter.add.f32 [tilespmem:s8], [sflag:$0x3], $0x20, s21, s7, $0xb8;
	[tilespmem:$0x11F00] =	vst v63  }
0x186: {  	_ =	swait.ge [sflag:s6], $0x4000  }
0x187: {  	[sflag:s6] =	ssyncset.done $0x0  }
0x188: {  	[sflag:s6] =	ssyncadd.s32 $0xFFFFC000  }
0x189: {  	_ =	swait.ge [sflag:s11], $0x4000  }
0x18a: {  	[sflag:s11] =	ssyncset.done $0x0  }
0x18b: {  	s12 =	simm.s32 $0x2200;
	[sflag:s11] =	ssyncadd.s32 $0xFFFFC000  }
0x18c: {  	[tilespmem:s8], [sflag:$0x2] =	stream.indirect.gather [hbm4b:s3+s7], $0x20, s12, s7, $0xb8;
	[tilespmem:$0x11F00] =	vst v63  }
0x18d: {  	_ = 	snop  }
0x18e: {  	[spmem:s2] =	stream.indirect.scatter.add.f32 [tilespmem:s9], [sflag:$0x3], $0x20, s19, s7, $0xb8;
	[tilespmem:$0x11F00] =	vst v63  }
0x18f: {  	_ =	swait.ge [sflag:s6], $0x4000  }
0x190: {  	[sflag:s6] =	ssyncset.done $0x0  }
0x191: {  	[sflag:s6] =	ssyncadd.s32 $0xFFFFC000  }
0x192: {  	_ =	swait.ge [sflag:s10], $0x4000  }
0x193: {  	[sflag:s10] =	ssyncset.done $0x0  }
0x194: {  	[sflag:s10] =	ssyncadd.s32 $0xFFFFC000  }
0x195: {  	[tilespmem:s9], [sflag:$0x1] =	stream.indirect.gather [hbm4b:s3+s7], $0x20, s16, s7, $0xb8;
	[tilespmem:$0x11F00] =	vst v63  }
0x196: {  	_ = 	snop  }
0x197: {  	[spmem:s2] =	stream.indirect.scatter.add.f32 [tilespmem:s8], [sflag:$0x3], $0x20, s17, s7, $0xb8;
	[tilespmem:$0x11F00] =	vst v63  }
0x198: {  	_ =	swait.ge [sflag:s6], $0x4000  }
0x199: {  	[sflag:s6] =	ssyncset.done $0x0  }
0x19a: {  	[sflag:s6] =	ssyncadd.s32 $0xFFFFC000  }
0x19b: {  	_ =	swait.ge [sflag:s11], $0x4000  }
0x19c: {  	[sflag:s11] =	ssyncset.done $0x0  }
0x19d: {  	[sflag:s11] =	ssyncadd.s32 $0xFFFFC000  }
0x19e: {  	[tilespmem:s8], [sflag:$0x2] =	stream.indirect.gather [hbm4b:s3+s7], $0x20, s14, s7, $0xb8;
	[tilespmem:$0x11F00] =	vst v63  }
0x19f: {  	_ = 	snop  }
0x1a0: {  	[spmem:s2] =	stream.indirect.scatter.add.f32 [tilespmem:s9], [sflag:$0x3], $0x20, s15, s7, $0xb8;
	[tilespmem:$0x11F00] =	vst v63  }
0x1a1: {  	_ =	swait.ge [sflag:s6], $0x4000  }
0x1a2: {  	[sflag:s6] =	ssyncset.done $0x0  }
0x1a3: {  	[sflag:s6] =	ssyncadd.s32 $0xFFFFC000  }
0x1a4: {  	_ =	swait.ge [sflag:s10], $0x4000  }
0x1a5: {  	[sflag:s10] =	ssyncset.done $0x0  }
0x1a6: {  	[sflag:s10] =	ssyncadd.s32 $0xFFFFC000  }
0x1a7: {  	[spmem:s2] =	stream.indirect.scatter.add.f32 [tilespmem:s8], [sflag:$0x3], $0x20, s13, s7, $0xb8;
	[tilespmem:$0x11F00] =	vst v63  }
0x1a8: {  	_ =	swait.ge [sflag:s6], $0x4000  }
0x1a9: {  	[sflag:s6] =	ssyncset.done $0x0  }
0x1aa: {  	p1 =	sne.s32 s1, $0x1;
	[sflag:s6] =	ssyncadd.s32 $0xFFFFC000  }
.Ltmp2:
0x1ab: {  	[bflag:$0x0] =	sbarrier.arrive $0xFFFF;
	(pc) =	sbr.rel @p1 .LBB2_4-.Ltmp2, $4  }
0x1ac: {  	s12 =	rddreg [dreg:$0x6]  }
0x1ad: {  	[hbm:s12], [sflag:s4] =	dma.local [spmem:s5], $0x9E0  }
0x1ae: {  	_ =	swait.ge [sflag:s6], $0x9E0  }
0x1af: {  	s1 =	sadd.s32 $0xFFFFFFFF, s1;
	s0 =	rddreg [dreg:$0x3];
	[sflag:s6] =	ssyncset.done $0x0  }
0x1b0: {  	s13 =	simm.s32 $0x3E00;
	s29 =	simm.s32 $0x1800  }
0x1b1: {  	s28 =	simm.s32 $0x4000;
	s26 =	simm.s32 $0x1A00;
	s25 =	simm.s32 $0x4200  }
0x1b2: {  	s24 =	simm.s32 $0x1C00;
	s23 =	simm.s32 $0x4400;
	s22 =	simm.s32 $0x1E00  }
0x1b3: {  	s21 =	simm.s32 $0x4600;
	s20 =	simm.s32 $0x2000;
	s19 =	simm.s32 $0x4800  }
0x1b4: {  	s18 =	simm.s32 $0x2200;
	s17 =	simm.s32 $0x4A00;
	s16 =	simm.s32 $0x2400  }
0x1b5: {  	s15 =	simm.s32 $0x4C00;
	s14 =	simm.s32 $0x2600;
	s12 =	stileid.u32  }
.LBB2_6:
0x1b6: {  	[sflag:s6] =	ssyncadd.s32 @p0 $0xFFFFF620  }
0x1b7: {  	[spmem:s5], [sflag:s4] =	dma.local [hbm:s0], $0x9E0  }
0x1b8: {  	_ =	swait.ge [sflag:s6], $0x9E0  }
0x1b9: {  	[sflag:s6] =	ssyncset.done $0x0  }
0x1ba: {  	s1 =	rddreg [dreg:$0x4];
	[sflag:s6] =	ssyncadd.s32 $0xFFFFF620  }
0x1bb: {  	[tilespmem:s30], [sflag:$0x3] =	stream.linear.gather [hbm4b:s1+s30], $0x2800, $0x38;
	[tilespmem:$0x11F00] =	vst v63  }
0x1bc: {  	_ =	swait.ge [sflag:s6], $0x2800  }
0x1bd: {  	[sflag:s6] =	ssyncset.done $0x0  }
0x1be: {  	s1 =	rddreg [dreg:$0x5];
	[sflag:s6] =	ssyncadd.s32 $0xFFFFD800  }
0x1bf: {  	[tilespmem:s31], [sflag:$0x3] =	stream.linear.gather [hbm4b:s1+s30], $0x2800, $0x38;
	[tilespmem:$0x11F00] =	vst v63  }
0x1c0: {  	_ =	swait.ge [sflag:s6], $0x2800  }
0x1c1: {  	[sflag:s6] =	ssyncset.done $0x0  }
0x1c2: {  	[sflag:s6] =	ssyncadd.s32 $0xFFFFD800  }
0x1c3: {  	[bflag:$0x0] =	sbarrier.arrive $0xFFFF  }
0x1c4: {  	[tilespmem:s9], [sflag:$0x1] =	stream.indirect.gather [hbm4b:s3+s7], $0x20, s30, s7, $0xb8;
	[tilespmem:$0x11F00] =	vst v63  }
0x1c5: {  	_ =	swait.ge [sflag:s11], $0x4000  }
0x1c6: {  	[sflag:s11] =	ssyncset.done $0x0  }
0x1c7: {  	[sflag:s11] =	ssyncadd.s32 $0xFFFFC000  }
0x1c8: {  	[tilespmem:s8], [sflag:$0x2] =	stream.indirect.gather [hbm4b:s3+s7], $0x20, s7, s7, $0xb8;
	[tilespmem:$0x11F00] =	vst v63  }
0x1c9: {  	_ = 	snop  }
0x1ca: {  	[spmem:s2] =	stream.indirect.scatter.add.f32 [tilespmem:s9], [sflag:$0x3], $0x20, s31, s7, $0xb8;
	[tilespmem:$0x11F00] =	vst v63  }
0x1cb: {  	_ =	swait.ge [sflag:s6], $0x4000  }
0x1cc: {  	[sflag:s6] =	ssyncset.done $0x0  }
0x1cd: {  	[sflag:s6] =	ssyncadd.s32 $0xFFFFC000  }
0x1ce: {  	_ =	swait.ge [sflag:s10], $0x4000  }
0x1cf: {  	[sflag:s10] =	ssyncset.done $0x0  }
0x1d0: {  	s31 =	rddreg [dreg:$0x7];
	[sflag:s10] =	ssyncadd.s32 $0xFFFFC000  }
0x1d1: {  	[tilespmem:s9], [sflag:$0x1] =	stream.indirect.gather [hbm4b:s3+s7], $0x20, s31, s7, $0xb8;
	[tilespmem:$0x11F00] =	vst v63  }
0x1d2: {  	s1 =	rddreg [dreg:$0x8]  }
0x1d3: {  	[spmem:s2] =	stream.indirect.scatter.add.f32 [tilespmem:s8], [sflag:$0x3], $0x20, s1, s7, $0xb8;
	[tilespmem:$0x11F00] =	vst v63  }
0x1d4: {  	_ =	swait.ge [sflag:s6], $0x4000  }
0x1d5: {  	[sflag:s6] =	ssyncset.done $0x0  }
0x1d6: {  	[sflag:s6] =	ssyncadd.s32 $0xFFFFC000  }
0x1d7: {  	_ =	swait.ge [sflag:s11], $0x4000  }
0x1d8: {  	[sflag:s11] =	ssyncset.done $0x0  }
0x1d9: {  	s30 =	rddreg [dreg:$0x9];
	[sflag:s11] =	ssyncadd.s32 $0xFFFFC000  }
0x1da: {  	[tilespmem:s8], [sflag:$0x2] =	stream.indirect.gather [hbm4b:s3+s7], $0x20, s30, s7, $0xb8;
	[tilespmem:$0x11F00] =	vst v63  }
0x1db: {  	s31 =	rddreg [dreg:$0xa]  }
0x1dc: {  	[spmem:s2] =	stream.indirect.scatter.add.f32 [tilespmem:s9], [sflag:$0x3], $0x20, s31, s7, $0xb8;
	[tilespmem:$0x11F00] =	vst v63  }
0x1dd: {  	_ =	swait.ge [sflag:s6], $0x4000  }
0x1de: {  	[sflag:s6] =	ssyncset.done $0x0  }
0x1df: {  	[sflag:s6] =	ssyncadd.s32 $0xFFFFC000  }
0x1e0: {  	_ =	swait.ge [sflag:s10], $0x4000  }
0x1e1: {  	[sflag:s10] =	ssyncset.done $0x0  }
0x1e2: {  	s30 =	rddreg [dreg:$0xb];
	[sflag:s10] =	ssyncadd.s32 $0xFFFFC000  }
0x1e3: {  	[tilespmem:s9], [sflag:$0x1] =	stream.indirect.gather [hbm4b:s3+s7], $0x20, s30, s7, $0xb8;
	[tilespmem:$0x11F00] =	vst v63  }
0x1e4: {  	s31 =	rddreg [dreg:$0xc]  }
0x1e5: {  	[spmem:s2] =	stream.indirect.scatter.add.f32 [tilespmem:s8], [sflag:$0x3], $0x20, s31, s7, $0xb8;
	[tilespmem:$0x11F00] =	vst v63  }
0x1e6: {  	_ =	swait.ge [sflag:s6], $0x4000  }
0x1e7: {  	[sflag:s6] =	ssyncset.done $0x0  }
0x1e8: {  	[sflag:s6] =	ssyncadd.s32 $0xFFFFC000  }
0x1e9: {  	_ =	swait.ge [sflag:s11], $0x4000  }
0x1ea: {  	[sflag:s11] =	ssyncset.done $0x0  }
0x1eb: {  	s30 =	rddreg [dreg:$0xd];
	[sflag:s11] =	ssyncadd.s32 $0xFFFFC000  }
0x1ec: {  	[tilespmem:s8], [sflag:$0x2] =	stream.indirect.gather [hbm4b:s3+s7], $0x20, s30, s7, $0xb8;
	[tilespmem:$0x11F00] =	vst v63  }
0x1ed: {  	s31 =	rddreg [dreg:$0xe]  }
0x1ee: {  	[spmem:s2] =	stream.indirect.scatter.add.f32 [tilespmem:s9], [sflag:$0x3], $0x20, s31, s7, $0xb8;
	[tilespmem:$0x11F00] =	vst v63  }
0x1ef: {  	_ =	swait.ge [sflag:s6], $0x4000  }
0x1f0: {  	[sflag:s6] =	ssyncset.done $0x0  }
0x1f1: {  	[sflag:s6] =	ssyncadd.s32 $0xFFFFC000  }
0x1f2: {  	_ =	swait.ge [sflag:s10], $0x4000  }
0x1f3: {  	[sflag:s10] =	ssyncset.done $0x0  }
0x1f4: {  	s30 =	rddreg [dreg:$0xf];
	[sflag:s10] =	ssyncadd.s32 $0xFFFFC000  }
0x1f5: {  	[tilespmem:s9], [sflag:$0x1] =	stream.indirect.gather [hbm4b:s3+s7], $0x20, s30, s7, $0xb8;
	[tilespmem:$0x11F00] =	vst v63  }
0x1f6: {  	s31 =	rddreg [dreg:$0x10]  }
0x1f7: {  	[spmem:s2] =	stream.indirect.scatter.add.f32 [tilespmem:s8], [sflag:$0x3], $0x20, s31, s7, $0xb8;
	[tilespmem:$0x11F00] =	vst v63  }
0x1f8: {  	_ =	swait.ge [sflag:s6], $0x4000  }
0x1f9: {  	[sflag:s6] =	ssyncset.done $0x0  }
0x1fa: {  	[sflag:s6] =	ssyncadd.s32 $0xFFFFC000  }
0x1fb: {  	_ =	swait.ge [sflag:s11], $0x4000  }
0x1fc: {  	[sflag:s11] =	ssyncset.done $0x0  }
0x1fd: {  	s30 =	rddreg [dreg:$0x11];
	[sflag:s11] =	ssyncadd.s32 $0xFFFFC000  }
0x1fe: {  	[tilespmem:s8], [sflag:$0x2] =	stream.indirect.gather [hbm4b:s3+s7], $0x20, s30, s7, $0xb8;
	[tilespmem:$0x11F00] =	vst v63  }
0x1ff: {  	s31 =	rddreg [dreg:$0x12]  }
0x200: {  	[spmem:s2] =	stream.indirect.scatter.add.f32 [tilespmem:s9], [sflag:$0x3], $0x20, s31, s7, $0xb8;
	[tilespmem:$0x11F00] =	vst v63  }
0x201: {  	_ =	swait.ge [sflag:s6], $0x4000  }
0x202: {  	[sflag:s6] =	ssyncset.done $0x0  }
0x203: {  	[sflag:s6] =	ssyncadd.s32 $0xFFFFC000  }
0x204: {  	_ =	swait.ge [sflag:s10], $0x4000  }
0x205: {  	[sflag:s10] =	ssyncset.done $0x0  }
0x206: {  	s30 =	rddreg [dreg:$0x13];
	[sflag:s10] =	ssyncadd.s32 $0xFFFFC000  }
0x207: {  	[tilespmem:s9], [sflag:$0x1] =	stream.indirect.gather [hbm4b:s3+s7], $0x20, s30, s7, $0xb8;
	[tilespmem:$0x11F00] =	vst v63  }
0x208: {  	s31 =	rddreg [dreg:$0x14]  }
0x209: {  	[spmem:s2] =	stream.indirect.scatter.add.f32 [tilespmem:s8], [sflag:$0x3], $0x20, s31, s7, $0xb8;
	[tilespmem:$0x11F00] =	vst v63  }
0x20a: {  	_ =	swait.ge [sflag:s6], $0x4000  }
0x20b: {  	[sflag:s6] =	ssyncset.done $0x0  }
0x20c: {  	[sflag:s6] =	ssyncadd.s32 $0xFFFFC000  }
0x20d: {  	_ =	swait.ge [sflag:s11], $0x4000  }
0x20e: {  	[sflag:s11] =	ssyncset.done $0x0  }
0x20f: {  	s30 =	rddreg [dreg:$0x15];
	[sflag:s11] =	ssyncadd.s32 $0xFFFFC000  }
0x210: {  	[tilespmem:s8], [sflag:$0x2] =	stream.indirect.gather [hbm4b:s3+s7], $0x20, s30, s7, $0xb8;
	[tilespmem:$0x11F00] =	vst v63  }
0x211: {  	s31 =	rddreg [dreg:$0x16]  }
0x212: {  	[spmem:s2] =	stream.indirect.scatter.add.f32 [tilespmem:s9], [sflag:$0x3], $0x20, s31, s7, $0xb8;
	[tilespmem:$0x11F00] =	vst v63  }
0x213: {  	_ =	swait.ge [sflag:s6], $0x4000  }
0x214: {  	[sflag:s6] =	ssyncset.done $0x0  }
0x215: {  	[sflag:s6] =	ssyncadd.s32 $0xFFFFC000  }
0x216: {  	_ =	swait.ge [sflag:s10], $0x4000  }
0x217: {  	[sflag:s10] =	ssyncset.done $0x0  }
0x218: {  	s30 =	rddreg [dreg:$0x17];
	[sflag:s10] =	ssyncadd.s32 $0xFFFFC000  }
0x219: {  	[tilespmem:s9], [sflag:$0x1] =	stream.indirect.gather [hbm4b:s3+s7], $0x20, s30, s7, $0xb8;
	[tilespmem:$0x11F00] =	vst v63  }
0x21a: {  	s31 =	rddreg [dreg:$0x18]  }
0x21b: {  	[spmem:s2] =	stream.indirect.scatter.add.f32 [tilespmem:s8], [sflag:$0x3], $0x20, s31, s7, $0xb8;
	[tilespmem:$0x11F00] =	vst v63  }
0x21c: {  	_ =	swait.ge [sflag:s6], $0x4000  }
0x21d: {  	[sflag:s6] =	ssyncset.done $0x0  }
0x21e: {  	[sflag:s6] =	ssyncadd.s32 $0xFFFFC000  }
0x21f: {  	_ =	swait.ge [sflag:s11], $0x4000  }
0x220: {  	[sflag:s11] =	ssyncset.done $0x0  }
0x221: {  	s30 =	rddreg [dreg:$0x19];
	[sflag:s11] =	ssyncadd.s32 $0xFFFFC000  }
0x222: {  	[tilespmem:s8], [sflag:$0x2] =	stream.indirect.gather [hbm4b:s3+s7], $0x20, s30, s7, $0xb8;
	[tilespmem:$0x11F00] =	vst v63  }
0x223: {  	s31 =	rddreg [dreg:$0x1a]  }
0x224: {  	[spmem:s2] =	stream.indirect.scatter.add.f32 [tilespmem:s9], [sflag:$0x3], $0x20, s31, s7, $0xb8;
	[tilespmem:$0x11F00] =	vst v63  }
0x225: {  	_ =	swait.ge [sflag:s6], $0x4000  }
0x226: {  	[sflag:s6] =	ssyncset.done $0x0  }
0x227: {  	[sflag:s6] =	ssyncadd.s32 $0xFFFFC000  }
0x228: {  	_ =	swait.ge [sflag:s10], $0x4000  }
0x229: {  	[sflag:s10] =	ssyncset.done $0x0  }
0x22a: {  	[sflag:s10] =	ssyncadd.s32 $0xFFFFC000  }
0x22b: {  	[tilespmem:s9], [sflag:$0x1] =	stream.indirect.gather [hbm4b:s3+s7], $0x20, s29, s7, $0xb8;
	[tilespmem:$0x11F00] =	vst v63  }
0x22c: {  	_ = 	snop  }
0x22d: {  	[spmem:s2] =	stream.indirect.scatter.add.f32 [tilespmem:s8], [sflag:$0x3], $0x20, s13, s7, $0xb8;
	[tilespmem:$0x11F00] =	vst v63  }
0x22e: {  	_ =	swait.ge [sflag:s6], $0x4000  }
0x22f: {  	[sflag:s6] =	ssyncset.done $0x0  }
0x230: {  	[sflag:s6] =	ssyncadd.s32 $0xFFFFC000  }
0x231: {  	_ =	swait.ge [sflag:s11], $0x4000  }
0x232: {  	[sflag:s11] =	ssyncset.done $0x0  }
0x233: {  	[sflag:s11] =	ssyncadd.s32 $0xFFFFC000  }
0x234: {  	[tilespmem:s8], [sflag:$0x2] =	stream.indirect.gather [hbm4b:s3+s7], $0x20, s26, s7, $0xb8;
	[tilespmem:$0x11F00] =	vst v63  }
0x235: {  	_ = 	snop  }
0x236: {  	[spmem:s2] =	stream.indirect.scatter.add.f32 [tilespmem:s9], [sflag:$0x3], $0x20, s28, s7, $0xb8;
	[tilespmem:$0x11F00] =	vst v63  }
0x237: {  	_ =	swait.ge [sflag:s6], $0x4000  }
0x238: {  	[sflag:s6] =	ssyncset.done $0x0  }
0x239: {  	[sflag:s6] =	ssyncadd.s32 $0xFFFFC000  }
0x23a: {  	_ =	swait.ge [sflag:s10], $0x4000  }
0x23b: {  	[sflag:s10] =	ssyncset.done $0x0  }
0x23c: {  	[sflag:s10] =	ssyncadd.s32 $0xFFFFC000  }
0x23d: {  	[tilespmem:s9], [sflag:$0x1] =	stream.indirect.gather [hbm4b:s3+s7], $0x20, s24, s7, $0xb8;
	[tilespmem:$0x11F00] =	vst v63  }
0x23e: {  	_ = 	snop  }
0x23f: {  	[spmem:s2] =	stream.indirect.scatter.add.f32 [tilespmem:s8], [sflag:$0x3], $0x20, s25, s7, $0xb8;
	[tilespmem:$0x11F00] =	vst v63  }
0x240: {  	_ =	swait.ge [sflag:s6], $0x4000  }
0x241: {  	[sflag:s6] =	ssyncset.done $0x0  }
0x242: {  	[sflag:s6] =	ssyncadd.s32 $0xFFFFC000  }
0x243: {  	_ =	swait.ge [sflag:s11], $0x4000  }
0x244: {  	[sflag:s11] =	ssyncset.done $0x0  }
0x245: {  	[sflag:s11] =	ssyncadd.s32 $0xFFFFC000  }
0x246: {  	[tilespmem:s8], [sflag:$0x2] =	stream.indirect.gather [hbm4b:s3+s7], $0x20, s22, s7, $0xb8;
	[tilespmem:$0x11F00] =	vst v63  }
0x247: {  	_ = 	snop  }
0x248: {  	[spmem:s2] =	stream.indirect.scatter.add.f32 [tilespmem:s9], [sflag:$0x3], $0x20, s23, s7, $0xb8;
	[tilespmem:$0x11F00] =	vst v63  }
0x249: {  	_ =	swait.ge [sflag:s6], $0x4000  }
0x24a: {  	[sflag:s6] =	ssyncset.done $0x0  }
0x24b: {  	[sflag:s6] =	ssyncadd.s32 $0xFFFFC000  }
0x24c: {  	_ =	swait.ge [sflag:s10], $0x4000  }
0x24d: {  	[sflag:s10] =	ssyncset.done $0x0  }
0x24e: {  	[sflag:s10] =	ssyncadd.s32 $0xFFFFC000  }
0x24f: {  	[tilespmem:s9], [sflag:$0x1] =	stream.indirect.gather [hbm4b:s3+s7], $0x20, s20, s7, $0xb8;
	[tilespmem:$0x11F00] =	vst v63  }
0x250: {  	_ = 	snop  }
0x251: {  	[spmem:s2] =	stream.indirect.scatter.add.f32 [tilespmem:s8], [sflag:$0x3], $0x20, s21, s7, $0xb8;
	[tilespmem:$0x11F00] =	vst v63  }
0x252: {  	_ =	swait.ge [sflag:s6], $0x4000  }
0x253: {  	[sflag:s6] =	ssyncset.done $0x0  }
0x254: {  	[sflag:s6] =	ssyncadd.s32 $0xFFFFC000  }
0x255: {  	_ =	swait.ge [sflag:s11], $0x4000  }
0x256: {  	[sflag:s11] =	ssyncset.done $0x0  }
0x257: {  	[sflag:s11] =	ssyncadd.s32 $0xFFFFC000  }
0x258: {  	[tilespmem:s8], [sflag:$0x2] =	stream.indirect.gather [hbm4b:s3+s7], $0x20, s18, s7, $0xb8;
	[tilespmem:$0x11F00] =	vst v63  }
0x259: {  	_ = 	snop  }
0x25a: {  	[spmem:s2] =	stream.indirect.scatter.add.f32 [tilespmem:s9], [sflag:$0x3], $0x20, s19, s7, $0xb8;
	[tilespmem:$0x11F00] =	vst v63  }
0x25b: {  	_ =	swait.ge [sflag:s6], $0x4000  }
0x25c: {  	[sflag:s6] =	ssyncset.done $0x0  }
0x25d: {  	[sflag:s6] =	ssyncadd.s32 $0xFFFFC000  }
0x25e: {  	_ =	swait.ge [sflag:s10], $0x4000  }
0x25f: {  	[sflag:s10] =	ssyncset.done $0x0  }
0x260: {  	[sflag:s10] =	ssyncadd.s32 $0xFFFFC000  }
0x261: {  	[tilespmem:s9], [sflag:$0x1] =	stream.indirect.gather [hbm4b:s3+s7], $0x20, s16, s7, $0xb8;
	[tilespmem:$0x11F00] =	vst v63  }
0x262: {  	_ = 	snop  }
0x263: {  	[spmem:s2] =	stream.indirect.scatter.add.f32 [tilespmem:s8], [sflag:$0x3], $0x20, s17, s7, $0xb8;
	[tilespmem:$0x11F00] =	vst v63  }
0x264: {  	_ =	swait.ge [sflag:s6], $0x4000  }
0x265: {  	[sflag:s6] =	ssyncset.done $0x0  }
0x266: {  	[sflag:s6] =	ssyncadd.s32 $0xFFFFC000  }
0x267: {  	_ =	swait.ge [sflag:s11], $0x4000  }
0x268: {  	[sflag:s11] =	ssyncset.done $0x0  }
0x269: {  	[sflag:s11] =	ssyncadd.s32 $0xFFFFC000  }
0x26a: {  	[tilespmem:s8], [sflag:$0x2] =	stream.indirect.gather [hbm4b:s3+s7], $0x20, s14, s7, $0xb8;
	[tilespmem:$0x11F00] =	vst v63  }
0x26b: {  	_ = 	snop  }
0x26c: {  	[spmem:s2] =	stream.indirect.scatter.add.f32 [tilespmem:s9], [sflag:$0x3], $0x20, s15, s7, $0xb8;
	[tilespmem:$0x11F00] =	vst v63  }
0x26d: {  	_ =	swait.ge [sflag:s6], $0x4000  }
0x26e: {  	[sflag:s6] =	ssyncset.done $0x0  }
0x26f: {  	[sflag:s6] =	ssyncadd.s32 $0xFFFFC000  }
0x270: {  	_ =	swait.ge [sflag:s10], $0x4000  }
0x271: {  	[sflag:s10] =	ssyncset.done $0x0  }
0x272: {  	s30 =	simm.s32 $0x4E00;
	[sflag:s10] =	ssyncadd.s32 $0xFFFFC000  }
0x273: {  	[spmem:s2] =	stream.indirect.scatter.add.f32 [tilespmem:s8], [sflag:$0x3], $0x20, s30, s7, $0xb8;
	[tilespmem:$0x11F00] =	vst v63  }
0x274: {  	_ =	swait.ge [sflag:s6], $0x4000  }
0x275: {  	[sflag:s6] =	ssyncset.done $0x0  }
0x276: {  	[sflag:s6] =	ssyncadd.s32 $0xFFFFC000  }
0x277: {  	[bflag:$0x0] =	sbarrier.arrive $0xFFFF  }
0x278: {  	s31 =	rddreg [dreg:$0x6]  }
0x279: {  	[hbm:s31], [sflag:s4] =	dma.local [spmem:s5], $0x9E0  }
0x27a: {  	_ =	swait.ge [sflag:s6], $0x9E0  }
0x27b: {  	[sflag:s6] =	ssyncset.done $0x0  }
0x27c: {  	[sflag:s6] =	ssyncadd.s32 $0xFFFFF620  }
0x27d: {  	_ =	sfence.sel $0x180000  }
0x27e: {  	[bflag:$0x0] =	sbarrier.arrive $0xFFFF  }
0x27f: {  	_ =	strace $0x9000004D  }
0x280: {  	[bflag:$0x2] =	sbarrier.arrive $0xFFFF  }
0x281: {  	p0 =	sne.s32 s12, $0x0;
	s0 =	rddreg [dreg:$0x2]  }
0x282: {  	s0 =	sadd.s32 @!p0 $0x100000, s0  }
0x283: {  	[sflag:s0] =	ssyncadd.tile.s32 @!p0 $0x1;
	_ =	shalt  }
.LBB2_1:
0x284: {  	s13 =	simm.s32 $0x3E00;
	s29 =	simm.s32 $0x1800  }
.Ltmp3:
0x285: {  	s28 =	simm.s32 $0x4000;
	s26 =	simm.s32 $0x1A00;
	(pc) =	sbr.rel .LBB2_6-.Ltmp3, $4  }
0x286: {  	s25 =	simm.s32 $0x4200;
	s24 =	simm.s32 $0x1C00;
	s23 =	simm.s32 $0x4400  }
0x287: {  	s22 =	simm.s32 $0x1E00;
	s21 =	simm.s32 $0x4600;
	s20 =	simm.s32 $0x2000  }
0x288: {  	s19 =	simm.s32 $0x4800;
	s18 =	simm.s32 $0x2200;
	s17 =	simm.s32 $0x4A00  }
0x289: {  	s16 =	simm.s32 $0x2400;
	s15 =	simm.s32 $0x4C00;
	s14 =	simm.s32 $0x2600  }
.LBB2_3:
0x28a: {  	s13 =	simm.s32 $0x3E00;
	s29 =	simm.s32 $0x1800;
	s28 =	simm.s32 $0x4000  }
.Ltmp4:
0x28b: {  	s26 =	simm.s32 $0x1A00;
	s25 =	simm.s32 $0x4200;
	(pc) =	sbr.rel .LBB2_6-.Ltmp4, $4  }
0x28c: {  	s24 =	simm.s32 $0x1C00;
	s23 =	simm.s32 $0x4400;
	s22 =	simm.s32 $0x1E00  }
0x28d: {  	s21 =	simm.s32 $0x4600;
	s20 =	simm.s32 $0x2000;
	s19 =	simm.s32 $0x4800  }
0x28e: {  	s18 =	simm.s32 $0x2200;
	s17 =	simm.s32 $0x4A00;
	s16 =	simm.s32 $0x2400  }
0x28f: {  	s15 =	simm.s32 $0x4C00;
	s14 =	simm.s32 $0x2600;
	s12 =	stileid.u32  }
.Lfunc_end2:
_tile_overlayer_lowered:
.L_overlay_start_2:
0x290: {  	(tag) =	ssettag $0x2  }
0x291: {  	s0 =	rddreg [dreg:$0x0];
	s2 =	stileid.u32  }
0x292: {  	s1 =	rddreg [dreg:$0x1];
	p0 =	sne.s32 s2, $0x0  }
0x293: {  	s3 =	rddreg [dreg:$0x2];
	[bflag:$0x3] =	sbarrier.arrive $0xFFFF;
	s2 =	simm.s32 @!p0 $0x1C03  }
0x294: {  	[timem:s3], [sflag:s2] =	dma.local @!p0 [hbm:s0], s1  }
0x295: {  	s0 =	simm.s32 @!p0 $0x3  }
0x296: {  	_ =	swait.ge @!p0 [sflag:s0], s1  }
0x297: {  	s1 =	ssub.s32 @!p0 $0x0, s1;
	[sflag:s0] =	ssyncset.done @!p0 $0x0  }
0x298: {  	[sflag:s0] =	ssyncadd.s32 @!p0 s1  }
0x299: {  	[bflag:$0x3] =	sbarrier.arrive $0xFFFF  }
0x29a: {  	_ =	shalt  }

// kernel: kernel.9.cloned.1.call-start
scs
__scs_entry_jumppad:
0x0: {  	(pc) =	sbr.rel $0x88, $3  }
0x1: {  	(tag) =	ssettag $0x0;
	lr =	simm.s32 $0x1  }
0x2: {  	[smem:$0x3F94] =	sst lr;
	_ =	strace $0xD0000000  }
0x3: {  	_ = 	snop  }
0x4: {  	_ = 	snop  }
0x5: {  	_ = 	snop  }
0x6: {  	_ = 	snop  }
0x7: {  	_ = 	snop  }
__scs_overlays_trampoline_lowered:
0x8: {  	[smem:$0x3FA3] =	sst s0  }
0x9: {  	[smem:$0x3FA4] =	sst s1  }
0xa: {  	[smem:$0x3FA5] =	sst s2  }
0xb: {  	[smem:$0x3FA6] =	sst s3  }
0xc: {  	[smem:$0x3FA7] =	sst s4  }
0xd: {  	[smem:$0x3FA8] =	sst s5  }
0xe: {  	[smem:$0x3FA9] =	sst s6  }
0xf: {  	[smem:$0x3FAA] =	sst s7  }
0x10: {  	[smem:$0x3FAB] =	sst s8  }
0x11: {  	[smem:$0x3FAC] =	sst s9;
	s0 =	simm.s32 @!p0 $0x0  }
0x12: {  	s1 =	sld [smem:$0x3F92];
	s0 =	simm.s32 @p0 $0x1  }
0x13: {  	[smem:$0x3FAD] =	sst s0;
	s0 =	simm.s32 @!p1 $0x0  }
0x14: {  	s2 =	sld [smem:$0x3F91];
	s0 =	simm.s32 @p1 $0x1  }
0x15: {  	[smem:$0x3FAE] =	sst s0;
	s0 =	simm.s32 @!p2 $0x0  }
0x16: {  	s3 =	sld [smem:$0x3FDB];
	s0 =	simm.s32 @p2 $0x1  }
0x17: {  	s4 =	simm.s32 $0x1BF5;
	[smem:$0x3FB0] =	sst s0  }
0x18: {  	s0 =	sld [smem:$0x3F93];
	_ =	swait.ge [sflag:s4], $0x0  }
0x19: {  	s7 =	sld [smem:$0x3F94]  }
0x1a: {  	s8 =	sadd.s32 $0xFFFFE003, lr  }
0x1b: {  	s9 =	sadd.s32 $0xFFFFFEF7, lr;
	s5 =	simm.s32 $0xFFFFFFFF;
	p2 =	slt.u32 s8, $0xFFFFF086  }
0x1c: {  	p1 =	slt.u32 s9, $0xF7A;
	s5 =	simm.s32 @!p2 $0x0  }
0x1d: {  	s5 =	simm.s32 @p1 $0x1;
	p0 =	seq.s32 s7, s2  }
0x1e: {  	s7 =	smul.u32 @!p0 $0xF7A, s2;
	p2 =	seq.s32 @!p0 s5, $0x0  }
0x1f: {  	s9 =	smul.u32 $0xF7A, s1;
	s8 =	simm.s32 @!p0 $0x1BF5;
	p2 =	por !p2, p0  }
0x20: {  	[sflag:s8] =	ssyncset.s32 @!p0 $0xFFFFF086;
	s6 =	sadd.s32 @!p0 s3, s7;
	s7 =	simm.s32 @!p0 $0x108  }
0x21: {  	s3 =	sadd.s32 s3, s9;
	s6 =	sadd.s32 @!p0 $0x88, s6;
	s7 =	simm.s32 @p2 $0x1082  }
0x22: {  	[simem:s7], [sflag:s8] =	dma.local @!p0 [hbm:s6], $0xF7A  }
0x23: {  	s9 =	sor.u32 $0xD0000000, s2;
	s6 =	simm.s32 $0x108;
	_ =	swait.ge @!p0 [sflag:s8], $0x0  }
0x24: {  	s3 =	sadd.s32 $0x88, s3;
	s6 =	simm.s32 @!p1 $0x1082;
	[sflag:s4] =	ssyncset.s32 $0xFFFFF086  }
0x25: {  	[simem:s6], [sflag:s4] =	dma.local [hbm:s3], $0xF7A  }
0x26: {  	[smem:$0x3F94] =	sst s1;
	(tag) =	ssettag s2;
	_ =	strace s9  }
0x27: {  	s1 =	sld [smem:$0x3FA4]  }
0x28: {  	s2 =	sld [smem:$0x3FA5]  }
0x29: {  	s4 =	sld [smem:$0x3FA7]  }
0x2a: {  	p0 =	seq.s32 s5, $0x0;
	s5 =	sld [smem:$0x3FA8]  }
0x2b: {  	s6 =	sld [smem:$0x3FA9]  }
0x2c: {  	s7 =	sld [smem:$0x3FAA]  }
0x2d: {  	s3 =	simm.s32 $0x108;
	s8 =	sld [smem:$0x3FAB]  }
0x2e: {  	s3 =	simm.s32 @!p0 $0x1082;
	s9 =	sld [smem:$0x3FAC]  }
0x2f: {  	lr =	sadd.s32 s0, s3;
	s0 =	sld [smem:$0x3FA3]  }
0x30: {  	s3 =	sld [smem:$0x3FA6]  }
0x31: {  	[smem:$0x3FAF] =	sst s10  }
0x32: {  	s10 =	sld [smem:$0x3FAD];
	_ =	sdelay $0x3  }
0x33: {  	p0 =	seq.s32 s10, $0x1;
	s10 =	sld [smem:$0x3FAF];
	_ =	sdelay $0x3  }
0x34: {  	[smem:$0x3FAF] =	sst s10  }
0x35: {  	s10 =	sld [smem:$0x3FAE];
	_ =	sdelay $0x3  }
0x36: {  	p1 =	seq.s32 s10, $0x1;
	s10 =	sld [smem:$0x3FAF];
	_ =	sdelay $0x3  }
0x37: {  	[smem:$0x3FAF] =	sst s10  }
0x38: {  	s10 =	sld [smem:$0x3FB0]  }
0x39: {  	_ = 	snop;
	(pc) =	sbr.ind lr, $3  }
0x3a: {  	_ = 	snop  }
0x3b: {  	_ = 	snop  }
0x3c: {  	p2 =	seq.s32 s10, $0x1;
	s10 =	sld [smem:$0x3FAF]  }
0x3d: {  	_ =	shalt  }
0x3e: {  	_ =	shalt  }
0x3f: {  	_ =	shalt  }
0x40: {  	_ =	shalt  }
0x41: {  	_ =	shalt  }
0x42: {  	_ =	shalt  }
0x43: {  	_ =	shalt  }
0x44: {  	_ =	shalt  }
0x45: {  	_ =	shalt  }
0x46: {  	_ =	shalt  }
0x47: {  	_ =	shalt  }
0x48: {  	_ =	shalt  }
0x49: {  	_ =	shalt  }
0x4a: {  	_ =	shalt  }
0x4b: {  	_ =	shalt  }
0x4c: {  	_ =	shalt  }
0x4d: {  	_ =	shalt  }
0x4e: {  	_ =	shalt  }
0x4f: {  	_ =	shalt  }
0x50: {  	_ =	shalt  }
0x51: {  	_ =	shalt  }
0x52: {  	_ =	shalt  }
0x53: {  	_ =	shalt  }
0x54: {  	_ =	shalt  }
0x55: {  	_ =	shalt  }
0x56: {  	_ =	shalt  }
0x57: {  	_ =	shalt  }
0x58: {  	_ =	shalt  }
0x59: {  	_ =	shalt  }
0x5a: {  	_ =	shalt  }
0x5b: {  	_ =	shalt  }
0x5c: {  	_ =	shalt  }
0x5d: {  	_ =	shalt  }
0x5e: {  	_ =	shalt  }
0x5f: {  	_ =	shalt  }
0x60: {  	_ =	shalt  }
0x61: {  	_ =	shalt  }
0x62: {  	_ =	shalt  }
0x63: {  	_ =	shalt  }
0x64: {  	_ =	shalt  }
0x65: {  	_ =	shalt  }
0x66: {  	_ =	shalt  }
0x67: {  	_ =	shalt  }
0x68: {  	_ =	shalt  }
0x69: {  	_ =	shalt  }
0x6a: {  	_ =	shalt  }
0x6b: {  	_ =	shalt  }
0x6c: {  	_ =	shalt  }
0x6d: {  	_ =	shalt  }
0x6e: {  	_ =	shalt  }
0x6f: {  	_ =	shalt  }
0x70: {  	_ =	shalt  }
0x71: {  	_ =	shalt  }
0x72: {  	_ =	shalt  }
0x73: {  	_ =	shalt  }
0x74: {  	_ =	shalt  }
0x75: {  	_ =	shalt  }
0x76: {  	_ =	shalt  }
0x77: {  	_ =	shalt  }
0x78: {  	_ =	shalt  }
0x79: {  	_ =	shalt  }
0x7a: {  	_ =	shalt  }
0x7b: {  	_ =	shalt  }
0x7c: {  	_ =	shalt  }
0x7d: {  	_ =	shalt  }
0x7e: {  	_ =	shalt  }
0x7f: {  	_ =	shalt  }
0x80: {  	_ =	shalt  }
0x81: {  	_ =	shalt  }
0x82: {  	_ =	shalt  }
0x83: {  	_ =	shalt  }
0x84: {  	_ =	shalt  }
0x85: {  	_ =	shalt  }
0x86: {  	_ =	shalt  }
0x87: {  	_ =	shalt  }
.Lfunc_end0:
.L_simem_size_0:
called_computation_lowered:
.L_overlay_start_0:
0x88: {  	s2 =	sld [smem:$0x3FD9]  }
0x89: {  	s3 =	sld [smem:$0x3FFE];
	_ =	sdelay $0x1  }
0x8a: {  	s1 =	srdreg.scid  }
0x8b: {  	s0 =	sand.u32 $0x1, s1  }
0x8c: {  	s16 =	sshll.u32 s0, $0xA;
	s2 =	sadd.s32 s3, s2  }
0x8d: {  	s2 =	sadd.s32 s2, s16  }
0x8e: {  	[smem:$0x3FBB] =	sst s2  }
0x8f: {  	_ = 	snop  }
0x90: {  	(tm) =	ssettm $0x1  }
0x91: {  	s17 =	sld [smem:$0x3FFB];
	_ =	sdelay $0x3  }
0x92: {  	_ =	strace s17  }
0x93: {  	s2 =	sld [smem:$0x3FFC];
	_ =	sdelay $0x3  }
0x94: {  	_ =	strace s2  }
0x95: {  	s2 =	sld [smem:$0x3FFD];
	_ =	sdelay $0x3  }
0x96: {  	_ =	strace s2  }
0x97: {  	_ =	strace $0x8FFFFFFF  }
0x98: {  	s18 =	sld [smem:$0x3FDB];
	_ =	sdelay $0x1  }
0x99: {  	s19 =	simm.s32 $_scs_section_size  }
0x9a: {  	s4 =	simm.s32 $_size__tile_overlayer_lowered;
	s5 =	simm.s32 $_tile_overlayer_lowered  }
0x9b: {  	s22 =	simm.s32 $0x1BFF;
	s21 =	sshll.u32 s5, $0x1;
	s2 =	sadd.s32 s19, s18  }
0x9c: {  	s6 =	simm.s32 $0x0;
	s20 =	sshll.u32 s4, $0x1;
	s4 =	sadd.s32 s21, s2  }
0x9d: {  	[timem:s6], [sflag:s22] =	dma.local [hbm:s4], s20  }
0x9e: {  	_ =	swait.ge [sflag:s22], s20  }
0x9f: {  	s3 =	ssub.s32 $0x0, s20;
	[sflag:s22] =	ssyncset.done $0x0  }
0xa0: {  	[sflag:s22] =	ssyncadd.s32 s3;
	_ =	sdelay $0x1  }
0xa1: {  	s23 =	simm.s32 $0x1B8B  }
0xa2: {  	_ =	swait.ge [sflag:s23], $0x1  }
0xa3: {  	[sflag:s23] =	ssyncset.done $0x0  }
0xa4: {  	s25 =	simm.s32 $0x1B8E;
	s24 =	sld [smem:$0x3FFE];
	[sflag:s23] =	ssyncadd.s32 $0xFFFFFFFF  }
0xa5: {  	s26 =	simm.s32 $execute0_lowered;
	[smem:$0x3FD2] =	sst s25  }
0xa6: {  	s4 =	sshll.u32 s26, $0x1;
	_ =	strace $0x80000046;
	[dreg:$0x1] =	wrdreg $0xFFFFFFFF  }
0xa7: {  	s28 =	simm.s32 $_size_execute0_lowered;
	s2 =	sadd.s32 s2, s4;
	[dreg:$0x0] =	wrdreg $0x0  }
0xa8: {  	s4 =	sshll.u32 s28, $0x1;
	[dreg:$0x2] =	wrdreg s2  }
0xa9: {  	[dreg:$0x3] =	wrdreg s4  }
0xaa: {  	[dreg:$0x4] =	wrdreg $0xC0  }
0xab: {  	_ =	task [dreg:s6], $0x5FFFF  }
0xac: {  	[dreg:$0x1] =	wrdreg $0xFFFFFFFF  }
0xad: {  	[dreg:$0x0] =	wrdreg $0x60  }
0xae: {  	[dreg:$0x2] =	wrdreg s24  }
0xaf: {  	[dreg:$0x3] =	wrdreg $0xD0000  }
0xb0: {  	[dreg:$0x4] =	wrdreg $0x9  }
0xb1: {  	_ =	task.clear_ibuf [dreg:s6], $0x5FFFF;
	_ =	strace $0x90000046  }
0xb2: {  	s29 =	simm.s32 $0x9;
	_ =	strace $0x80000048  }
0xb3: {  	_ =	swait.ge [sflag:s29], $0x1  }
0xb4: {  	[sflag:s29] =	ssyncadd.s32 $0xFFFFFFFF  }
0xb5: {  	_ =	strace $0x90000048  }
0xb6: {  	_ =	sfence  }
0xb7: {  	s30 =	sld [smem:$0x0];
	_ =	sdelay $0x2  }
0xb8: {  	s31 =	sshll.u32 s1, $0xD;
	s1 =	sshrl.u32 s1, $0x2  }
0xb9: {  	s3 =	sand.u32 $0x4000, s31;
	s1 =	sadd.s32 s1, s30  }
0xba: {  	s0 =	sor.u32 s3, s0;
	s1 =	sshll.u32 s1, $0x11  }
0xbb: {  	s0 =	sor.u32 s1, s0  }
0xbc: {  	s0 =	sadd.s32 $0x8F2B, s0  }
0xbd: {  	[sflag:s0] =	ssyncadd.remote.s32 $0x1  }
0xbe: {  	_ =	sfence.sel $0xFFFF  }
0xbf: {  	[dreg:$0x0] =	wrdreg $0xFFFFFFFF;
	(pc) =	sbr.abs _section_cstart, $3  }
0xc0: {  	[dreg:$0x1] =	wrdreg $0xFFFFFFFF  }
0xc1: {  	_ =	task.clear_ibuf [dreg:s6], $0x2FFFF;
	_ =	strace $0x9FFFFFFF  }
0xc2: {  	(tm) =	ssettm $0x7FFFFFFF  }
0xc3: {  	_ =	shalt  }
tec
execute0_lowered:
.L_overlay_start_1:
0x0: {  	(tag) =	ssettag $0x1  }
0x1: {  	s1 =	rddreg [dreg:$0x0]  }
0x2: {  	s2 =	rddreg [dreg:$0x1];
	s30 =	simm.s32 $0x0  }
0x3: {  	s25 =	simm.s32 $0x400;
	[smem:$0x7FF] =	sst s30  }
0x4: {  	s26 =	simm.s32 $0x2A00;
	_ =	strace $0x80000047;
	[dreg:$0x7] =	wrdreg s25  }
0x5: {  	s0 =	srdreg.scid;
	s7 =	simm.s32 $0x800;
	[dreg:$0x8] =	wrdreg s26  }
0x6: {  	s12 =	stileid.u32;
	s8 =	simm.s32 $0x2E00;
	[dreg:$0xb] =	wrdreg s7  }
0x7: {  	s9 =	simm.s32 $0xA00;
	s10 =	simm.s32 $0x3000;
	[dreg:$0xc] =	wrdreg s8  }
0x8: {  	s13 =	simm.s32 $0xC00;
	s14 =	simm.s32 $0x3200;
	[dreg:$0xd] =	wrdreg s9  }
0x9: {  	s16 =	simm.s32 $0xE00;
	s18 =	simm.s32 $0x3400;
	[dreg:$0xe] =	wrdreg s10  }
0xa: {  	s19 =	simm.s32 $0x1000;
	s20 =	simm.s32 $0x3600;
	[dreg:$0xf] =	wrdreg s13  }
0xb: {  	s21 =	simm.s32 $0x1200;
	s22 =	simm.s32 $0x3800;
	[dreg:$0x10] =	wrdreg s14  }
0xc: {  	s31 =	simm.s32 $0x2800;
	s29 =	simm.s32 $0x1800;
	[dreg:$0x11] =	wrdreg s16  }
0xd: {  	s28 =	simm.s32 $0x4000;
	p0 =	por $0x0, $0x0;
	[dreg:$0x12] =	wrdreg s18  }
0xe: {  	s0 =	sand.u32 $0x1, s0;
	s4 =	smul.u32 $0x4F00, s12;
	[dreg:$0x13] =	wrdreg s19  }
0xf: {  	s17 =	sshll.u32 s12, $0x6;
	s3 =	sshll.u32 s0, $0x4;
	[dreg:$0x14] =	wrdreg s20  }
0x10: {  	s6 =	smul.u32 $0x4F000, s0;
	s0 =	ssub.s32 $0x2, s0;
	[dreg:$0x15] =	wrdreg s21  }
0x11: {  	[dreg:$0x16] =	wrdreg s22;
	s7 =	simm.s32 $0x200;
	s9 =	simm.s32 $0x5000  }
0x12: {  	s25 =	simm.s32 $0x1600;
	s26 =	simm.s32 $0x3C00;
	s8 =	simm.s32 $0x9000  }
0x13: {  	s10 =	simm.s32 $0x2;
	s18 =	simm.s32 $0x3E00;
	s22 =	simm.s32 $0x1E00  }
0x14: {  	s20 =	simm.s32 $0x2000;
	s21 =	simm.s32 $0x4600;
	s19 =	simm.s32 $0x4800  }
0x15: {  	s16 =	simm.s32 $0x2400;
	s14 =	simm.s32 $0x2600;
	s13 =	simm.s32 $0x4E00  }
0x16: {  	s3 =	sor.u32 s12, s3;
	s5 =	sshrl.u32 s4, $0x3;
	[dreg:$0x19] =	wrdreg s25  }
0x17: {  	s11 =	sshrl.u32 s0, $0x1;
	s15 =	sadd.s32 s4, s2;
	[dreg:$0x1a] =	wrdreg s26  }
0x18: {  	s26 =	simm.s32 $0x1A00;
	s25 =	simm.s32 $0x4200;
	s3 =	smul.u32 $0x500, s3  }
0x19: {  	s5 =	sadd.s32 s5, s1;
	s6 =	sadd.s32 s4, s6;
	s0 =	ssub.s32 s0, s11  }
0x1a: {  	s4 =	sor.u32 $0x1C03, s17;
	s11 =	simm.s32 $0x1;
	s17 =	simm.s32 $0x4A00  }
0x1b: {  	s5 =	sadd.s32 $0x1FC00, s5;
	s6 =	sshrl.u32 s6, $0x3;
	s0 =	smax.u32 s0, $0x1  }
0x1c: {  	s3 =	sadd.s32 s3, s1;
	[dreg:$0x3] =	wrdreg s5;
	s5 =	simm.s32 $0x600  }
0x1d: {  	s6 =	sadd.s32 s6, s1;
	s23 =	sadd.s32 $0x15C00, s3;
	[dreg:$0x9] =	wrdreg s5  }
0x1e: {  	p1 =	sne.s32 s0, $0x1;
	s3 =	sadd.s32 $0xBC00, s3;
	[dreg:$0x4] =	wrdreg s23  }
0x1f: {  	s24 =	sadd.s32 $0x29A00, s6;
	s6 =	simm.s32 $0x2C00;
	[dreg:$0x5] =	wrdreg s3  }
.Ltmp0:
0x20: {  	s5 =	sshrl.u32 s15, $0x3;
	[dreg:$0x6] =	wrdreg s24;
	(pc) =	sbr.rel @!p1 .LBB2_1-.Ltmp0, $4  }
0x21: {  	s15 =	simm.s32 $0x4C00;
	[dreg:$0xa] =	wrdreg s6;
	s3 =	sadd.s32 $0x1E00, s1  }
0x22: {  	s23 =	simm.s32 $0x1400;
	s1 =	sadd.s32 $0xFFFFFFFF, s0;
	s0 =	rddreg [dreg:$0x3]  }
0x23: {  	s6 =	simm.s32 $0x3;
	s24 =	simm.s32 $0x3A00;
	[dreg:$0x17] =	wrdreg s23  }
0x24: {  	[dreg:$0x18] =	wrdreg s24;
	s24 =	simm.s32 $0x1C00;
	s23 =	simm.s32 $0x4400  }
0x25: {  	[spmem:s5], [sflag:s4] =	dma.local [hbm:s0], $0x9E0  }
0x26: {  	_ =	swait.ge [sflag:s6], $0x9E0  }
0x27: {  	[sflag:s6] =	ssyncset.done $0x0  }
0x28: {  	s12 =	rddreg [dreg:$0x4];
	[sflag:s6] =	ssyncadd.s32 $0xFFFFF620  }
0x29: {  	[tilespmem:s30], [sflag:$0x3] =	stream.linear.gather [hbm4b:s12+s30], $0x2800, $0x38;
	[tilespmem:$0x11F00] =	vst v63  }
0x2a: {  	_ =	swait.ge [sflag:s6], $0x2800  }
0x2b: {  	[sflag:s6] =	ssyncset.done $0x0  }
0x2c: {  	s12 =	rddreg [dreg:$0x5];
	[sflag:s6] =	ssyncadd.s32 $0xFFFFD800  }
0x2d: {  	[tilespmem:s31], [sflag:$0x3] =	stream.linear.gather [hbm4b:s12+s30], $0x2800, $0x38;
	[tilespmem:$0x11F00] =	vst v63  }
0x2e: {  	_ =	swait.ge [sflag:s6], $0x2800  }
0x2f: {  	[sflag:s6] =	ssyncset.done $0x0  }
0x30: {  	[sflag:s6] =	ssyncadd.s32 $0xFFFFD800  }
0x31: {  	[bflag:$0x0] =	sbarrier.arrive $0xFFFF  }
0x32: {  	[tilespmem:s9], [sflag:$0x1] =	stream.indirect.gather [hbm4b:s3+s7], $0x20, s30, s7, $0xb8;
	[tilespmem:$0x11F00] =	vst v63  }
0x33: {  	_ =	swait.ge [sflag:s11], $0x4000  }
0x34: {  	[sflag:s11] =	ssyncset.done $0x0  }
0x35: {  	[sflag:s11] =	ssyncadd.s32 $0xFFFFC000  }
0x36: {  	[tilespmem:s8], [sflag:$0x2] =	stream.indirect.gather [hbm4b:s3+s7], $0x20, s7, s7, $0xb8;
	[tilespmem:$0x11F00] =	vst v63  }
0x37: {  	_ = 	snop  }
0x38: {  	[spmem:s2] =	stream.indirect.scatter.add.f32 [tilespmem:s9], [sflag:$0x3], $0x20, s31, s7, $0xb8;
	[tilespmem:$0x11F00] =	vst v63  }
0x39: {  	_ =	swait.ge [sflag:s6], $0x4000  }
0x3a: {  	[sflag:s6] =	ssyncset.done $0x0  }
0x3b: {  	[sflag:s6] =	ssyncadd.s32 $0xFFFFC000  }
0x3c: {  	_ =	swait.ge [sflag:s10], $0x4000  }
0x3d: {  	[sflag:s10] =	ssyncset.done $0x0  }
0x3e: {  	s0 =	rddreg [dreg:$0x7];
	[sflag:s10] =	ssyncadd.s32 $0xFFFFC000  }
0x3f: {  	[tilespmem:s9], [sflag:$0x1] =	stream.indirect.gather [hbm4b:s3+s7], $0x20, s0, s7, $0xb8;
	[tilespmem:$0x11F00] =	vst v63  }
0x40: {  	s12 =	smov.u32 s1;
	s1 =	rddreg [dreg:$0x8]  }
0x41: {  	[spmem:s2] =	stream.indirect.scatter.add.f32 [tilespmem:s8], [sflag:$0x3], $0x20, s1, s7, $0xb8;
	[tilespmem:$0x11F00] =	vst v63  }
0x42: {  	_ =	swait.ge [sflag:s6], $0x4000  }
0x43: {  	[sflag:s6] =	ssyncset.done $0x0  }
0x44: {  	[sflag:s6] =	ssyncadd.s32 $0xFFFFC000  }
0x45: {  	_ =	swait.ge [sflag:s11], $0x4000  }
0x46: {  	[sflag:s11] =	ssyncset.done $0x0  }
0x47: {  	s0 =	rddreg [dreg:$0x9];
	[sflag:s11] =	ssyncadd.s32 $0xFFFFC000  }
0x48: {  	[tilespmem:s8], [sflag:$0x2] =	stream.indirect.gather [hbm4b:s3+s7], $0x20, s0, s7, $0xb8;
	[tilespmem:$0x11F00] =	vst v63  }
0x49: {  	s1 =	rddreg [dreg:$0xa]  }
0x4a: {  	[spmem:s2] =	stream.indirect.scatter.add.f32 [tilespmem:s9], [sflag:$0x3], $0x20, s1, s7, $0xb8;
	[tilespmem:$0x11F00] =	vst v63  }
0x4b: {  	_ =	swait.ge [sflag:s6], $0x4000  }
0x4c: {  	[sflag:s6] =	ssyncset.done $0x0  }
0x4d: {  	[sflag:s6] =	ssyncadd.s32 $0xFFFFC000  }
0x4e: {  	_ =	swait.ge [sflag:s10], $0x4000  }
0x4f: {  	[sflag:s10] =	ssyncset.done $0x0  }
0x50: {  	s0 =	rddreg [dreg:$0xb];
	[sflag:s10] =	ssyncadd.s32 $0xFFFFC000  }
0x51: {  	[tilespmem:s9], [sflag:$0x1] =	stream.indirect.gather [hbm4b:s3+s7], $0x20, s0, s7, $0xb8;
	[tilespmem:$0x11F00] =	vst v63  }
0x52: {  	s1 =	rddreg [dreg:$0xc]  }
0x53: {  	[spmem:s2] =	stream.indirect.scatter.add.f32 [tilespmem:s8], [sflag:$0x3], $0x20, s1, s7, $0xb8;
	[tilespmem:$0x11F00] =	vst v63  }
0x54: {  	_ =	swait.ge [sflag:s6], $0x4000  }
0x55: {  	[sflag:s6] =	ssyncset.done $0x0  }
0x56: {  	[sflag:s6] =	ssyncadd.s32 $0xFFFFC000  }
0x57: {  	_ =	swait.ge [sflag:s11], $0x4000  }
0x58: {  	[sflag:s11] =	ssyncset.done $0x0  }
0x59: {  	s0 =	rddreg [dreg:$0xd];
	[sflag:s11] =	ssyncadd.s32 $0xFFFFC000  }
0x5a: {  	[tilespmem:s8], [sflag:$0x2] =	stream.indirect.gather [hbm4b:s3+s7], $0x20, s0, s7, $0xb8;
	[tilespmem:$0x11F00] =	vst v63  }
0x5b: {  	s1 =	rddreg [dreg:$0xe]  }
0x5c: {  	[spmem:s2] =	stream.indirect.scatter.add.f32 [tilespmem:s9], [sflag:$0x3], $0x20, s1, s7, $0xb8;
	[tilespmem:$0x11F00] =	vst v63  }
0x5d: {  	_ =	swait.ge [sflag:s6], $0x4000  }
0x5e: {  	[sflag:s6] =	ssyncset.done $0x0  }
0x5f: {  	[sflag:s6] =	ssyncadd.s32 $0xFFFFC000  }
0x60: {  	_ =	swait.ge [sflag:s10], $0x4000  }
0x61: {  	[sflag:s10] =	ssyncset.done $0x0  }
0x62: {  	s0 =	rddreg [dreg:$0xf];
	[sflag:s10] =	ssyncadd.s32 $0xFFFFC000  }
0x63: {  	[tilespmem:s9], [sflag:$0x1] =	stream.indirect.gather [hbm4b:s3+s7], $0x20, s0, s7, $0xb8;
	[tilespmem:$0x11F00] =	vst v63  }
0x64: {  	s1 =	rddreg [dreg:$0x10]  }
0x65: {  	[spmem:s2] =	stream.indirect.scatter.add.f32 [tilespmem:s8], [sflag:$0x3], $0x20, s1, s7, $0xb8;
	[tilespmem:$0x11F00] =	vst v63  }
0x66: {  	_ =	swait.ge [sflag:s6], $0x4000  }
0x67: {  	[sflag:s6] =	ssyncset.done $0x0  }
0x68: {  	[sflag:s6] =	ssyncadd.s32 $0xFFFFC000  }
0x69: {  	_ =	swait.ge [sflag:s11], $0x4000  }
0x6a: {  	[sflag:s11] =	ssyncset.done $0x0  }
0x6b: {  	s0 =	rddreg [dreg:$0x11];
	[sflag:s11] =	ssyncadd.s32 $0xFFFFC000  }
0x6c: {  	[tilespmem:s8], [sflag:$0x2] =	stream.indirect.gather [hbm4b:s3+s7], $0x20, s0, s7, $0xb8;
	[tilespmem:$0x11F00] =	vst v63  }
0x6d: {  	s1 =	rddreg [dreg:$0x12]  }
0x6e: {  	[spmem:s2] =	stream.indirect.scatter.add.f32 [tilespmem:s9], [sflag:$0x3], $0x20, s1, s7, $0xb8;
	[tilespmem:$0x11F00] =	vst v63  }
0x6f: {  	_ =	swait.ge [sflag:s6], $0x4000  }
0x70: {  	[sflag:s6] =	ssyncset.done $0x0  }
0x71: {  	[sflag:s6] =	ssyncadd.s32 $0xFFFFC000  }
0x72: {  	_ =	swait.ge [sflag:s10], $0x4000  }
0x73: {  	[sflag:s10] =	ssyncset.done $0x0  }
0x74: {  	s0 =	rddreg [dreg:$0x13];
	[sflag:s10] =	ssyncadd.s32 $0xFFFFC000  }
0x75: {  	[tilespmem:s9], [sflag:$0x1] =	stream.indirect.gather [hbm4b:s3+s7], $0x20, s0, s7, $0xb8;
	[tilespmem:$0x11F00] =	vst v63  }
0x76: {  	s1 =	rddreg [dreg:$0x14]  }
0x77: {  	[spmem:s2] =	stream.indirect.scatter.add.f32 [tilespmem:s8], [sflag:$0x3], $0x20, s1, s7, $0xb8;
	[tilespmem:$0x11F00] =	vst v63  }
0x78: {  	_ =	swait.ge [sflag:s6], $0x4000  }
0x79: {  	[sflag:s6] =	ssyncset.done $0x0  }
0x7a: {  	[sflag:s6] =	ssyncadd.s32 $0xFFFFC000  }
0x7b: {  	_ =	swait.ge [sflag:s11], $0x4000  }
0x7c: {  	[sflag:s11] =	ssyncset.done $0x0  }
0x7d: {  	s0 =	rddreg [dreg:$0x15];
	[sflag:s11] =	ssyncadd.s32 $0xFFFFC000  }
0x7e: {  	[tilespmem:s8], [sflag:$0x2] =	stream.indirect.gather [hbm4b:s3+s7], $0x20, s0, s7, $0xb8;
	[tilespmem:$0x11F00] =	vst v63  }
0x7f: {  	s1 =	rddreg [dreg:$0x16]  }
0x80: {  	[spmem:s2] =	stream.indirect.scatter.add.f32 [tilespmem:s9], [sflag:$0x3], $0x20, s1, s7, $0xb8;
	[tilespmem:$0x11F00] =	vst v63  }
0x81: {  	_ =	swait.ge [sflag:s6], $0x4000  }
0x82: {  	[sflag:s6] =	ssyncset.done $0x0  }
0x83: {  	[sflag:s6] =	ssyncadd.s32 $0xFFFFC000  }
0x84: {  	_ =	swait.ge [sflag:s10], $0x4000  }
0x85: {  	[sflag:s10] =	ssyncset.done $0x0  }
0x86: {  	s0 =	rddreg [dreg:$0x17];
	[sflag:s10] =	ssyncadd.s32 $0xFFFFC000  }
0x87: {  	[tilespmem:s9], [sflag:$0x1] =	stream.indirect.gather [hbm4b:s3+s7], $0x20, s0, s7, $0xb8;
	[tilespmem:$0x11F00] =	vst v63  }
0x88: {  	s1 =	rddreg [dreg:$0x18]  }
0x89: {  	[spmem:s2] =	stream.indirect.scatter.add.f32 [tilespmem:s8], [sflag:$0x3], $0x20, s1, s7, $0xb8;
	[tilespmem:$0x11F00] =	vst v63  }
0x8a: {  	_ =	swait.ge [sflag:s6], $0x4000  }
0x8b: {  	[sflag:s6] =	ssyncset.done $0x0  }
0x8c: {  	[sflag:s6] =	ssyncadd.s32 $0xFFFFC000  }
0x8d: {  	_ =	swait.ge [sflag:s11], $0x4000  }
0x8e: {  	[sflag:s11] =	ssyncset.done $0x0  }
0x8f: {  	s0 =	rddreg [dreg:$0x19];
	[sflag:s11] =	ssyncadd.s32 $0xFFFFC000  }
0x90: {  	[tilespmem:s8], [sflag:$0x2] =	stream.indirect.gather [hbm4b:s3+s7], $0x20, s0, s7, $0xb8;
	[tilespmem:$0x11F00] =	vst v63  }
0x91: {  	s1 =	rddreg [dreg:$0x1a]  }
0x92: {  	[spmem:s2] =	stream.indirect.scatter.add.f32 [tilespmem:s9], [sflag:$0x3], $0x20, s1, s7, $0xb8;
	[tilespmem:$0x11F00] =	vst v63  }
0x93: {  	_ =	swait.ge [sflag:s6], $0x4000  }
0x94: {  	[sflag:s6] =	ssyncset.done $0x0  }
0x95: {  	[sflag:s6] =	ssyncadd.s32 $0xFFFFC000  }
0x96: {  	_ =	swait.ge [sflag:s10], $0x4000  }
0x97: {  	[sflag:s10] =	ssyncset.done $0x0  }
0x98: {  	[sflag:s10] =	ssyncadd.s32 $0xFFFFC000  }
0x99: {  	[tilespmem:s9], [sflag:$0x1] =	stream.indirect.gather [hbm4b:s3+s7], $0x20, s29, s7, $0xb8;
	[tilespmem:$0x11F00] =	vst v63  }
0x9a: {  	_ = 	snop  }
0x9b: {  	[spmem:s2] =	stream.indirect.scatter.add.f32 [tilespmem:s8], [sflag:$0x3], $0x20, s18, s7, $0xb8;
	[tilespmem:$0x11F00] =	vst v63  }
0x9c: {  	_ =	swait.ge [sflag:s6], $0x4000  }
0x9d: {  	[sflag:s6] =	ssyncset.done $0x0  }
0x9e: {  	[sflag:s6] =	ssyncadd.s32 $0xFFFFC000  }
0x9f: {  	_ =	swait.ge [sflag:s11], $0x4000  }
0xa0: {  	[sflag:s11] =	ssyncset.done $0x0  }
0xa1: {  	[sflag:s11] =	ssyncadd.s32 $0xFFFFC000  }
0xa2: {  	[tilespmem:s8], [sflag:$0x2] =	stream.indirect.gather [hbm4b:s3+s7], $0x20, s26, s7, $0xb8;
	[tilespmem:$0x11F00] =	vst v63  }
0xa3: {  	_ = 	snop  }
0xa4: {  	[spmem:s2] =	stream.indirect.scatter.add.f32 [tilespmem:s9], [sflag:$0x3], $0x20, s28, s7, $0xb8;
	[tilespmem:$0x11F00] =	vst v63  }
0xa5: {  	_ =	swait.ge [sflag:s6], $0x4000  }
0xa6: {  	[sflag:s6] =	ssyncset.done $0x0  }
0xa7: {  	[sflag:s6] =	ssyncadd.s32 $0xFFFFC000  }
0xa8: {  	_ =	swait.ge [sflag:s10], $0x4000  }
0xa9: {  	[sflag:s10] =	ssyncset.done $0x0  }
0xaa: {  	[sflag:s10] =	ssyncadd.s32 $0xFFFFC000  }
0xab: {  	[tilespmem:s9], [sflag:$0x1] =	stream.indirect.gather [hbm4b:s3+s7], $0x20, s24, s7, $0xb8;
	[tilespmem:$0x11F00] =	vst v63  }
0xac: {  	_ = 	snop  }
0xad: {  	[spmem:s2] =	stream.indirect.scatter.add.f32 [tilespmem:s8], [sflag:$0x3], $0x20, s25, s7, $0xb8;
	[tilespmem:$0x11F00] =	vst v63  }
0xae: {  	_ =	swait.ge [sflag:s6], $0x4000  }
0xaf: {  	[sflag:s6] =	ssyncset.done $0x0  }
0xb0: {  	[sflag:s6] =	ssyncadd.s32 $0xFFFFC000  }
0xb1: {  	_ =	swait.ge [sflag:s11], $0x4000  }
0xb2: {  	[sflag:s11] =	ssyncset.done $0x0  }
0xb3: {  	[sflag:s11] =	ssyncadd.s32 $0xFFFFC000  }
0xb4: {  	[tilespmem:s8], [sflag:$0x2] =	stream.indirect.gather [hbm4b:s3+s7], $0x20, s22, s7, $0xb8;
	[tilespmem:$0x11F00] =	vst v63  }
0xb5: {  	_ = 	snop  }
0xb6: {  	[spmem:s2] =	stream.indirect.scatter.add.f32 [tilespmem:s9], [sflag:$0x3], $0x20, s23, s7, $0xb8;
	[tilespmem:$0x11F00] =	vst v63  }
0xb7: {  	_ =	swait.ge [sflag:s6], $0x4000  }
0xb8: {  	[sflag:s6] =	ssyncset.done $0x0  }
0xb9: {  	[sflag:s6] =	ssyncadd.s32 $0xFFFFC000  }
0xba: {  	_ =	swait.ge [sflag:s10], $0x4000  }
0xbb: {  	[sflag:s10] =	ssyncset.done $0x0  }
0xbc: {  	[sflag:s10] =	ssyncadd.s32 $0xFFFFC000  }
0xbd: {  	[tilespmem:s9], [sflag:$0x1] =	stream.indirect.gather [hbm4b:s3+s7], $0x20, s20, s7, $0xb8;
	[tilespmem:$0x11F00] =	vst v63  }
0xbe: {  	_ = 	snop  }
0xbf: {  	[spmem:s2] =	stream.indirect.scatter.add.f32 [tilespmem:s8], [sflag:$0x3], $0x20, s21, s7, $0xb8;
	[tilespmem:$0x11F00] =	vst v63  }
0xc0: {  	_ =	swait.ge [sflag:s6], $0x4000  }
0xc1: {  	[sflag:s6] =	ssyncset.done $0x0  }
0xc2: {  	[sflag:s6] =	ssyncadd.s32 $0xFFFFC000  }
0xc3: {  	_ =	swait.ge [sflag:s11], $0x4000  }
0xc4: {  	[sflag:s11] =	ssyncset.done $0x0  }
0xc5: {  	s1 =	simm.s32 $0x2200;
	[sflag:s11] =	ssyncadd.s32 $0xFFFFC000  }
0xc6: {  	[tilespmem:s8], [sflag:$0x2] =	stream.indirect.gather [hbm4b:s3+s7], $0x20, s1, s7, $0xb8;
	[tilespmem:$0x11F00] =	vst v63  }
0xc7: {  	_ = 	snop  }
0xc8: {  	[spmem:s2] =	stream.indirect.scatter.add.f32 [tilespmem:s9], [sflag:$0x3], $0x20, s19, s7, $0xb8;
	[tilespmem:$0x11F00] =	vst v63  }
0xc9: {  	_ =	swait.ge [sflag:s6], $0x4000  }
0xca: {  	[sflag:s6] =	ssyncset.done $0x0  }
0xcb: {  	[sflag:s6] =	ssyncadd.s32 $0xFFFFC000  }
0xcc: {  	_ =	swait.ge [sflag:s10], $0x4000  }
0xcd: {  	[sflag:s10] =	ssyncset.done $0x0  }
0xce: {  	[sflag:s10] =	ssyncadd.s32 $0xFFFFC000  }
0xcf: {  	[tilespmem:s9], [sflag:$0x1] =	stream.indirect.gather [hbm4b:s3+s7], $0x20, s16, s7, $0xb8;
	[tilespmem:$0x11F00] =	vst v63  }
0xd0: {  	_ = 	snop  }
0xd1: {  	[spmem:s2] =	stream.indirect.scatter.add.f32 [tilespmem:s8], [sflag:$0x3], $0x20, s17, s7, $0xb8;
	[tilespmem:$0x11F00] =	vst v63  }
0xd2: {  	_ =	swait.ge [sflag:s6], $0x4000  }
0xd3: {  	[sflag:s6] =	ssyncset.done $0x0  }
0xd4: {  	[sflag:s6] =	ssyncadd.s32 $0xFFFFC000  }
0xd5: {  	_ =	swait.ge [sflag:s11], $0x4000  }
0xd6: {  	[sflag:s11] =	ssyncset.done $0x0  }
0xd7: {  	[sflag:s11] =	ssyncadd.s32 $0xFFFFC000  }
0xd8: {  	[tilespmem:s8], [sflag:$0x2] =	stream.indirect.gather [hbm4b:s3+s7], $0x20, s14, s7, $0xb8;
	[tilespmem:$0x11F00] =	vst v63  }
0xd9: {  	_ = 	snop  }
0xda: {  	[spmem:s2] =	stream.indirect.scatter.add.f32 [tilespmem:s9], [sflag:$0x3], $0x20, s15, s7, $0xb8;
	[tilespmem:$0x11F00] =	vst v63  }
0xdb: {  	_ =	swait.ge [sflag:s6], $0x4000  }
0xdc: {  	[sflag:s6] =	ssyncset.done $0x0  }
0xdd: {  	[sflag:s6] =	ssyncadd.s32 $0xFFFFC000  }
0xde: {  	_ =	swait.ge [sflag:s10], $0x4000  }
0xdf: {  	[sflag:s10] =	ssyncset.done $0x0  }
0xe0: {  	[sflag:s10] =	ssyncadd.s32 $0xFFFFC000  }
0xe1: {  	[spmem:s2] =	stream.indirect.scatter.add.f32 [tilespmem:s8], [sflag:$0x3], $0x20, s13, s7, $0xb8;
	[tilespmem:$0x11F00] =	vst v63  }
0xe2: {  	_ =	swait.ge [sflag:s6], $0x4000  }
0xe3: {  	[sflag:s6] =	ssyncset.done $0x0  }
0xe4: {  	p1 =	sne.s32 s12, $0x1;
	[sflag:s6] =	ssyncadd.s32 $0xFFFFC000  }
.Ltmp1:
0xe5: {  	[bflag:$0x0] =	sbarrier.arrive $0xFFFF;
	(pc) =	sbr.rel @!p1 .LBB2_3-.Ltmp1, $4  }
0xe6: {  	s1 =	rddreg [dreg:$0x6]  }
0xe7: {  	[hbm:s1], [sflag:s4] =	dma.local [spmem:s5], $0x9E0  }
0xe8: {  	p0 =	por $0x1, $0x1;
	_ =	swait.ge [sflag:s6], $0x9E0  }
0xe9: {  	s1 =	sadd.s32 $0xFFFFFFFF, s12;
	s0 =	rddreg [dreg:$0x3];
	[sflag:s6] =	ssyncset.done $0x0  }
.LBB2_4:
0xea: {  	[sflag:s6] =	ssyncadd.s32 $0xFFFFF620  }
0xeb: {  	[spmem:s5], [sflag:s4] =	dma.local [hbm:s0], $0x9E0  }
0xec: {  	_ =	swait.ge [sflag:s6], $0x9E0  }
0xed: {  	[sflag:s6] =	ssyncset.done $0x0  }
0xee: {  	s12 =	rddreg [dreg:$0x4];
	[sflag:s6] =	ssyncadd.s32 $0xFFFFF620  }
0xef: {  	[tilespmem:s30], [sflag:$0x3] =	stream.linear.gather [hbm4b:s12+s30], $0x2800, $0x38;
	[tilespmem:$0x11F00] =	vst v63  }
0xf0: {  	_ =	swait.ge [sflag:s6], $0x2800  }
0xf1: {  	[sflag:s6] =	ssyncset.done $0x0  }
0xf2: {  	s12 =	rddreg [dreg:$0x5];
	[sflag:s6] =	ssyncadd.s32 $0xFFFFD800  }
0xf3: {  	[tilespmem:s31], [sflag:$0x3] =	stream.linear.gather [hbm4b:s12+s30], $0x2800, $0x38;
	[tilespmem:$0x11F00] =	vst v63  }
0xf4: {  	_ =	swait.ge [sflag:s6], $0x2800  }
0xf5: {  	[sflag:s6] =	ssyncset.done $0x0  }
0xf6: {  	[sflag:s6] =	ssyncadd.s32 $0xFFFFD800  }
0xf7: {  	[bflag:$0x0] =	sbarrier.arrive $0xFFFF  }
0xf8: {  	[tilespmem:s9], [sflag:$0x1] =	stream.indirect.gather [hbm4b:s3+s7], $0x20, s30, s7, $0xb8;
	[tilespmem:$0x11F00] =	vst v63  }
0xf9: {  	_ =	swait.ge [sflag:s11], $0x4000  }
0xfa: {  	[sflag:s11] =	ssyncset.done $0x0  }
0xfb: {  	[sflag:s11] =	ssyncadd.s32 $0xFFFFC000  }
0xfc: {  	[tilespmem:s8], [sflag:$0x2] =	stream.indirect.gather [hbm4b:s3+s7], $0x20, s7, s7, $0xb8;
	[tilespmem:$0x11F00] =	vst v63  }
0xfd: {  	_ = 	snop  }
0xfe: {  	[spmem:s2] =	stream.indirect.scatter.add.f32 [tilespmem:s9], [sflag:$0x3], $0x20, s31, s7, $0xb8;
	[tilespmem:$0x11F00] =	vst v63  }
0xff: {  	_ =	swait.ge [sflag:s6], $0x4000  }
0x100: {  	[sflag:s6] =	ssyncset.done $0x0  }
0x101: {  	[sflag:s6] =	ssyncadd.s32 $0xFFFFC000  }
0x102: {  	_ =	swait.ge [sflag:s10], $0x4000  }
0x103: {  	[sflag:s10] =	ssyncset.done $0x0  }
0x104: {  	s0 =	rddreg [dreg:$0x7];
	[sflag:s10] =	ssyncadd.s32 $0xFFFFC000  }
0x105: {  	[tilespmem:s9], [sflag:$0x1] =	stream.indirect.gather [hbm4b:s3+s7], $0x20, s0, s7, $0xb8;
	[tilespmem:$0x11F00] =	vst v63  }
0x106: {  	s12 =	rddreg [dreg:$0x8]  }
0x107: {  	[spmem:s2] =	stream.indirect.scatter.add.f32 [tilespmem:s8], [sflag:$0x3], $0x20, s12, s7, $0xb8;
	[tilespmem:$0x11F00] =	vst v63  }
0x108: {  	_ =	swait.ge [sflag:s6], $0x4000  }
0x109: {  	[sflag:s6] =	ssyncset.done $0x0  }
0x10a: {  	[sflag:s6] =	ssyncadd.s32 $0xFFFFC000  }
0x10b: {  	_ =	swait.ge [sflag:s11], $0x4000  }
0x10c: {  	[sflag:s11] =	ssyncset.done $0x0  }
0x10d: {  	s0 =	rddreg [dreg:$0x9];
	[sflag:s11] =	ssyncadd.s32 $0xFFFFC000  }
0x10e: {  	[tilespmem:s8], [sflag:$0x2] =	stream.indirect.gather [hbm4b:s3+s7], $0x20, s0, s7, $0xb8;
	[tilespmem:$0x11F00] =	vst v63  }
0x10f: {  	s12 =	rddreg [dreg:$0xa]  }
0x110: {  	[spmem:s2] =	stream.indirect.scatter.add.f32 [tilespmem:s9], [sflag:$0x3], $0x20, s12, s7, $0xb8;
	[tilespmem:$0x11F00] =	vst v63  }
0x111: {  	_ =	swait.ge [sflag:s6], $0x4000  }
0x112: {  	[sflag:s6] =	ssyncset.done $0x0  }
0x113: {  	[sflag:s6] =	ssyncadd.s32 $0xFFFFC000  }
0x114: {  	_ =	swait.ge [sflag:s10], $0x4000  }
0x115: {  	[sflag:s10] =	ssyncset.done $0x0  }
0x116: {  	s0 =	rddreg [dreg:$0xb];
	[sflag:s10] =	ssyncadd.s32 $0xFFFFC000  }
0x117: {  	[tilespmem:s9], [sflag:$0x1] =	stream.indirect.gather [hbm4b:s3+s7], $0x20, s0, s7, $0xb8;
	[tilespmem:$0x11F00] =	vst v63  }
0x118: {  	s12 =	rddreg [dreg:$0xc]  }
0x119: {  	[spmem:s2] =	stream.indirect.scatter.add.f32 [tilespmem:s8], [sflag:$0x3], $0x20, s12, s7, $0xb8;
	[tilespmem:$0x11F00] =	vst v63  }
0x11a: {  	_ =	swait.ge [sflag:s6], $0x4000  }
0x11b: {  	[sflag:s6] =	ssyncset.done $0x0  }
0x11c: {  	[sflag:s6] =	ssyncadd.s32 $0xFFFFC000  }
0x11d: {  	_ =	swait.ge [sflag:s11], $0x4000  }
0x11e: {  	[sflag:s11] =	ssyncset.done $0x0  }
0x11f: {  	s0 =	rddreg [dreg:$0xd];
	[sflag:s11] =	ssyncadd.s32 $0xFFFFC000  }
0x120: {  	[tilespmem:s8], [sflag:$0x2] =	stream.indirect.gather [hbm4b:s3+s7], $0x20, s0, s7, $0xb8;
	[tilespmem:$0x11F00] =	vst v63  }
0x121: {  	s12 =	rddreg [dreg:$0xe]  }
0x122: {  	[spmem:s2] =	stream.indirect.scatter.add.f32 [tilespmem:s9], [sflag:$0x3], $0x20, s12, s7, $0xb8;
	[tilespmem:$0x11F00] =	vst v63  }
0x123: {  	_ =	swait.ge [sflag:s6], $0x4000  }
0x124: {  	[sflag:s6] =	ssyncset.done $0x0  }
0x125: {  	[sflag:s6] =	ssyncadd.s32 $0xFFFFC000  }
0x126: {  	_ =	swait.ge [sflag:s10], $0x4000  }
0x127: {  	[sflag:s10] =	ssyncset.done $0x0  }
0x128: {  	s0 =	rddreg [dreg:$0xf];
	[sflag:s10] =	ssyncadd.s32 $0xFFFFC000  }
0x129: {  	[tilespmem:s9], [sflag:$0x1] =	stream.indirect.gather [hbm4b:s3+s7], $0x20, s0, s7, $0xb8;
	[tilespmem:$0x11F00] =	vst v63  }
0x12a: {  	s12 =	rddreg [dreg:$0x10]  }
0x12b: {  	[spmem:s2] =	stream.indirect.scatter.add.f32 [tilespmem:s8], [sflag:$0x3], $0x20, s12, s7, $0xb8;
	[tilespmem:$0x11F00] =	vst v63  }
0x12c: {  	_ =	swait.ge [sflag:s6], $0x4000  }
0x12d: {  	[sflag:s6] =	ssyncset.done $0x0  }
0x12e: {  	[sflag:s6] =	ssyncadd.s32 $0xFFFFC000  }
0x12f: {  	_ =	swait.ge [sflag:s11], $0x4000  }
0x130: {  	[sflag:s11] =	ssyncset.done $0x0  }
0x131: {  	s0 =	rddreg [dreg:$0x11];
	[sflag:s11] =	ssyncadd.s32 $0xFFFFC000  }
0x132: {  	[tilespmem:s8], [sflag:$0x2] =	stream.indirect.gather [hbm4b:s3+s7], $0x20, s0, s7, $0xb8;
	[tilespmem:$0x11F00] =	vst v63  }
0x133: {  	s12 =	rddreg [dreg:$0x12]  }
0x134: {  	[spmem:s2] =	stream.indirect.scatter.add.f32 [tilespmem:s9], [sflag:$0x3], $0x20, s12, s7, $0xb8;
	[tilespmem:$0x11F00] =	vst v63  }
0x135: {  	_ =	swait.ge [sflag:s6], $0x4000  }
0x136: {  	[sflag:s6] =	ssyncset.done $0x0  }
0x137: {  	[sflag:s6] =	ssyncadd.s32 $0xFFFFC000  }
0x138: {  	_ =	swait.ge [sflag:s10], $0x4000  }
0x139: {  	[sflag:s10] =	ssyncset.done $0x0  }
0x13a: {  	s0 =	rddreg [dreg:$0x13];
	[sflag:s10] =	ssyncadd.s32 $0xFFFFC000  }
0x13b: {  	[tilespmem:s9], [sflag:$0x1] =	stream.indirect.gather [hbm4b:s3+s7], $0x20, s0, s7, $0xb8;
	[tilespmem:$0x11F00] =	vst v63  }
0x13c: {  	s12 =	rddreg [dreg:$0x14]  }
0x13d: {  	[spmem:s2] =	stream.indirect.scatter.add.f32 [tilespmem:s8], [sflag:$0x3], $0x20, s12, s7, $0xb8;
	[tilespmem:$0x11F00] =	vst v63  }
0x13e: {  	_ =	swait.ge [sflag:s6], $0x4000  }
0x13f: {  	[sflag:s6] =	ssyncset.done $0x0  }
0x140: {  	[sflag:s6] =	ssyncadd.s32 $0xFFFFC000  }
0x141: {  	_ =	swait.ge [sflag:s11], $0x4000  }
0x142: {  	[sflag:s11] =	ssyncset.done $0x0  }
0x143: {  	s0 =	rddreg [dreg:$0x15];
	[sflag:s11] =	ssyncadd.s32 $0xFFFFC000  }
0x144: {  	[tilespmem:s8], [sflag:$0x2] =	stream.indirect.gather [hbm4b:s3+s7], $0x20, s0, s7, $0xb8;
	[tilespmem:$0x11F00] =	vst v63  }
0x145: {  	s12 =	rddreg [dreg:$0x16]  }
0x146: {  	[spmem:s2] =	stream.indirect.scatter.add.f32 [tilespmem:s9], [sflag:$0x3], $0x20, s12, s7, $0xb8;
	[tilespmem:$0x11F00] =	vst v63  }
0x147: {  	_ =	swait.ge [sflag:s6], $0x4000  }
0x148: {  	[sflag:s6] =	ssyncset.done $0x0  }
0x149: {  	[sflag:s6] =	ssyncadd.s32 $0xFFFFC000  }
0x14a: {  	_ =	swait.ge [sflag:s10], $0x4000  }
0x14b: {  	[sflag:s10] =	ssyncset.done $0x0  }
0x14c: {  	s0 =	rddreg [dreg:$0x17];
	[sflag:s10] =	ssyncadd.s32 $0xFFFFC000  }
0x14d: {  	[tilespmem:s9], [sflag:$0x1] =	stream.indirect.gather [hbm4b:s3+s7], $0x20, s0, s7, $0xb8;
	[tilespmem:$0x11F00] =	vst v63  }
0x14e: {  	s12 =	rddreg [dreg:$0x18]  }
0x14f: {  	[spmem:s2] =	stream.indirect.scatter.add.f32 [tilespmem:s8], [sflag:$0x3], $0x20, s12, s7, $0xb8;
	[tilespmem:$0x11F00] =	vst v63  }
0x150: {  	_ =	swait.ge [sflag:s6], $0x4000  }
0x151: {  	[sflag:s6] =	ssyncset.done $0x0  }
0x152: {  	[sflag:s6] =	ssyncadd.s32 $0xFFFFC000  }
0x153: {  	_ =	swait.ge [sflag:s11], $0x4000  }
0x154: {  	[sflag:s11] =	ssyncset.done $0x0  }
0x155: {  	s0 =	rddreg [dreg:$0x19];
	[sflag:s11] =	ssyncadd.s32 $0xFFFFC000  }
0x156: {  	[tilespmem:s8], [sflag:$0x2] =	stream.indirect.gather [hbm4b:s3+s7], $0x20, s0, s7, $0xb8;
	[tilespmem:$0x11F00] =	vst v63  }
0x157: {  	s12 =	rddreg [dreg:$0x1a]  }
0x158: {  	[spmem:s2] =	stream.indirect.scatter.add.f32 [tilespmem:s9], [sflag:$0x3], $0x20, s12, s7, $0xb8;
	[tilespmem:$0x11F00] =	vst v63  }
0x159: {  	_ =	swait.ge [sflag:s6], $0x4000  }
0x15a: {  	[sflag:s6] =	ssyncset.done $0x0  }
0x15b: {  	[sflag:s6] =	ssyncadd.s32 $0xFFFFC000  }
0x15c: {  	_ =	swait.ge [sflag:s10], $0x4000  }
0x15d: {  	[sflag:s10] =	ssyncset.done $0x0  }
0x15e: {  	[sflag:s10] =	ssyncadd.s32 $0xFFFFC000  }
0x15f: {  	[tilespmem:s9], [sflag:$0x1] =	stream.indirect.gather [hbm4b:s3+s7], $0x20, s29, s7, $0xb8;
	[tilespmem:$0x11F00] =	vst v63  }
0x160: {  	_ = 	snop  }
0x161: {  	[spmem:s2] =	stream.indirect.scatter.add.f32 [tilespmem:s8], [sflag:$0x3], $0x20, s18, s7, $0xb8;
	[tilespmem:$0x11F00] =	vst v63  }
0x162: {  	_ =	swait.ge [sflag:s6], $0x4000  }
0x163: {  	[sflag:s6] =	ssyncset.done $0x0  }
0x164: {  	[sflag:s6] =	ssyncadd.s32 $0xFFFFC000  }
0x165: {  	_ =	swait.ge [sflag:s11], $0x4000  }
0x166: {  	[sflag:s11] =	ssyncset.done $0x0  }
0x167: {  	[sflag:s11] =	ssyncadd.s32 $0xFFFFC000  }
0x168: {  	[tilespmem:s8], [sflag:$0x2] =	stream.indirect.gather [hbm4b:s3+s7], $0x20, s26, s7, $0xb8;
	[tilespmem:$0x11F00] =	vst v63  }
0x169: {  	_ = 	snop  }
0x16a: {  	[spmem:s2] =	stream.indirect.scatter.add.f32 [tilespmem:s9], [sflag:$0x3], $0x20, s28, s7, $0xb8;
	[tilespmem:$0x11F00] =	vst v63  }
0x16b: {  	_ =	swait.ge [sflag:s6], $0x4000  }
0x16c: {  	[sflag:s6] =	ssyncset.done $0x0  }
0x16d: {  	[sflag:s6] =	ssyncadd.s32 $0xFFFFC000  }
0x16e: {  	_ =	swait.ge [sflag:s10], $0x4000  }
0x16f: {  	[sflag:s10] =	ssyncset.done $0x0  }
0x170: {  	[sflag:s10] =	ssyncadd.s32 $0xFFFFC000  }
0x171: {  	[tilespmem:s9], [sflag:$0x1] =	stream.indirect.gather [hbm4b:s3+s7], $0x20, s24, s7, $0xb8;
	[tilespmem:$0x11F00] =	vst v63  }
0x172: {  	_ = 	snop  }
0x173: {  	[spmem:s2] =	stream.indirect.scatter.add.f32 [tilespmem:s8], [sflag:$0x3], $0x20, s25, s7, $0xb8;
	[tilespmem:$0x11F00] =	vst v63  }
0x174: {  	_ =	swait.ge [sflag:s6], $0x4000  }
0x175: {  	[sflag:s6] =	ssyncset.done $0x0  }
0x176: {  	[sflag:s6] =	ssyncadd.s32 $0xFFFFC000  }
0x177: {  	_ =	swait.ge [sflag:s11], $0x4000  }
0x178: {  	[sflag:s11] =	ssyncset.done $0x0  }
0x179: {  	[sflag:s11] =	ssyncadd.s32 $0xFFFFC000  }
0x17a: {  	[tilespmem:s8], [sflag:$0x2] =	stream.indirect.gather [hbm4b:s3+s7], $0x20, s22, s7, $0xb8;
	[tilespmem:$0x11F00] =	vst v63  }
0x17b: {  	_ = 	snop  }
0x17c: {  	[spmem:s2] =	stream.indirect.scatter.add.f32 [tilespmem:s9], [sflag:$0x3], $0x20, s23, s7, $0xb8;
	[tilespmem:$0x11F00] =	vst v63  }
0x17d: {  	_ =	swait.ge [sflag:s6], $0x4000  }
0x17e: {  	[sflag:s6] =	ssyncset.done $0x0  }
0x17f: {  	[sflag:s6] =	ssyncadd.s32 $0xFFFFC000  }
0x180: {  	_ =	swait.ge [sflag:s10], $0x4000  }
0x181: {  	[sflag:s10] =	ssyncset.done $0x0  }
0x182: {  	[sflag:s10] =	ssyncadd.s32 $0xFFFFC000  }
0x183: {  	[tilespmem:s9], [sflag:$0x1] =	stream.indirect.gather [hbm4b:s3+s7], $0x20, s20, s7, $0xb8;
	[tilespmem:$0x11F00] =	vst v63  }
0x184: {  	_ = 	snop  }
0x185: {  	[spmem:s2] =	stream.indirect.scatter.add.f32 [tilespmem:s8], [sflag:$0x3], $0x20, s21, s7, $0xb8;
	[tilespmem:$0x11F00] =	vst v63  }
0x186: {  	_ =	swait.ge [sflag:s6], $0x4000  }
0x187: {  	[sflag:s6] =	ssyncset.done $0x0  }
0x188: {  	[sflag:s6] =	ssyncadd.s32 $0xFFFFC000  }
0x189: {  	_ =	swait.ge [sflag:s11], $0x4000  }
0x18a: {  	[sflag:s11] =	ssyncset.done $0x0  }
0x18b: {  	s12 =	simm.s32 $0x2200;
	[sflag:s11] =	ssyncadd.s32 $0xFFFFC000  }
0x18c: {  	[tilespmem:s8], [sflag:$0x2] =	stream.indirect.gather [hbm4b:s3+s7], $0x20, s12, s7, $0xb8;
	[tilespmem:$0x11F00] =	vst v63  }
0x18d: {  	_ = 	snop  }
0x18e: {  	[spmem:s2] =	stream.indirect.scatter.add.f32 [tilespmem:s9], [sflag:$0x3], $0x20, s19, s7, $0xb8;
	[tilespmem:$0x11F00] =	vst v63  }
0x18f: {  	_ =	swait.ge [sflag:s6], $0x4000  }
0x190: {  	[sflag:s6] =	ssyncset.done $0x0  }
0x191: {  	[sflag:s6] =	ssyncadd.s32 $0xFFFFC000  }
0x192: {  	_ =	swait.ge [sflag:s10], $0x4000  }
0x193: {  	[sflag:s10] =	ssyncset.done $0x0  }
0x194: {  	[sflag:s10] =	ssyncadd.s32 $0xFFFFC000  }
0x195: {  	[tilespmem:s9], [sflag:$0x1] =	stream.indirect.gather [hbm4b:s3+s7], $0x20, s16, s7, $0xb8;
	[tilespmem:$0x11F00] =	vst v63  }
0x196: {  	_ = 	snop  }
0x197: {  	[spmem:s2] =	stream.indirect.scatter.add.f32 [tilespmem:s8], [sflag:$0x3], $0x20, s17, s7, $0xb8;
	[tilespmem:$0x11F00] =	vst v63  }
0x198: {  	_ =	swait.ge [sflag:s6], $0x4000  }
0x199: {  	[sflag:s6] =	ssyncset.done $0x0  }
0x19a: {  	[sflag:s6] =	ssyncadd.s32 $0xFFFFC000  }
0x19b: {  	_ =	swait.ge [sflag:s11], $0x4000  }
0x19c: {  	[sflag:s11] =	ssyncset.done $0x0  }
0x19d: {  	[sflag:s11] =	ssyncadd.s32 $0xFFFFC000  }
0x19e: {  	[tilespmem:s8], [sflag:$0x2] =	stream.indirect.gather [hbm4b:s3+s7], $0x20, s14, s7, $0xb8;
	[tilespmem:$0x11F00] =	vst v63  }
0x19f: {  	_ = 	snop  }
0x1a0: {  	[spmem:s2] =	stream.indirect.scatter.add.f32 [tilespmem:s9], [sflag:$0x3], $0x20, s15, s7, $0xb8;
	[tilespmem:$0x11F00] =	vst v63  }
0x1a1: {  	_ =	swait.ge [sflag:s6], $0x4000  }
0x1a2: {  	[sflag:s6] =	ssyncset.done $0x0  }
0x1a3: {  	[sflag:s6] =	ssyncadd.s32 $0xFFFFC000  }
0x1a4: {  	_ =	swait.ge [sflag:s10], $0x4000  }
0x1a5: {  	[sflag:s10] =	ssyncset.done $0x0  }
0x1a6: {  	[sflag:s10] =	ssyncadd.s32 $0xFFFFC000  }
0x1a7: {  	[spmem:s2] =	stream.indirect.scatter.add.f32 [tilespmem:s8], [sflag:$0x3], $0x20, s13, s7, $0xb8;
	[tilespmem:$0x11F00] =	vst v63  }
0x1a8: {  	_ =	swait.ge [sflag:s6], $0x4000  }
0x1a9: {  	[sflag:s6] =	ssyncset.done $0x0  }
0x1aa: {  	p1 =	sne.s32 s1, $0x1;
	[sflag:s6] =	ssyncadd.s32 $0xFFFFC000  }
.Ltmp2:
0x1ab: {  	[bflag:$0x0] =	sbarrier.arrive $0xFFFF;
	(pc) =	sbr.rel @p1 .LBB2_4-.Ltmp2, $4  }
0x1ac: {  	s12 =	rddreg [dreg:$0x6]  }
0x1ad: {  	[hbm:s12], [sflag:s4] =	dma.local [spmem:s5], $0x9E0  }
0x1ae: {  	_ =	swait.ge [sflag:s6], $0x9E0  }
0x1af: {  	s1 =	sadd.s32 $0xFFFFFFFF, s1;
	s0 =	rddreg [dreg:$0x3];
	[sflag:s6] =	ssyncset.done $0x0  }
0x1b0: {  	s13 =	simm.s32 $0x3E00;
	s29 =	simm.s32 $0x1800  }
0x1b1: {  	s28 =	simm.s32 $0x4000;
	s26 =	simm.s32 $0x1A00;
	s25 =	simm.s32 $0x4200  }
0x1b2: {  	s24 =	simm.s32 $0x1C00;
	s23 =	simm.s32 $0x4400;
	s22 =	simm.s32 $0x1E00  }
0x1b3: {  	s21 =	simm.s32 $0x4600;
	s20 =	simm.s32 $0x2000;
	s19 =	simm.s32 $0x4800  }
0x1b4: {  	s18 =	simm.s32 $0x2200;
	s17 =	simm.s32 $0x4A00;
	s16 =	simm.s32 $0x2400  }
0x1b5: {  	s15 =	simm.s32 $0x4C00;
	s14 =	simm.s32 $0x2600;
	s12 =	stileid.u32  }
.LBB2_6:
0x1b6: {  	[sflag:s6] =	ssyncadd.s32 @p0 $0xFFFFF620  }
0x1b7: {  	[spmem:s5], [sflag:s4] =	dma.local [hbm:s0], $0x9E0  }
0x1b8: {  	_ =	swait.ge [sflag:s6], $0x9E0  }
0x1b9: {  	[sflag:s6] =	ssyncset.done $0x0  }
0x1ba: {  	s1 =	rddreg [dreg:$0x4];
	[sflag:s6] =	ssyncadd.s32 $0xFFFFF620  }
0x1bb: {  	[tilespmem:s30], [sflag:$0x3] =	stream.linear.gather [hbm4b:s1+s30], $0x2800, $0x38;
	[tilespmem:$0x11F00] =	vst v63  }
0x1bc: {  	_ =	swait.ge [sflag:s6], $0x2800  }
0x1bd: {  	[sflag:s6] =	ssyncset.done $0x0  }
0x1be: {  	s1 =	rddreg [dreg:$0x5];
	[sflag:s6] =	ssyncadd.s32 $0xFFFFD800  }
0x1bf: {  	[tilespmem:s31], [sflag:$0x3] =	stream.linear.gather [hbm4b:s1+s30], $0x2800, $0x38;
	[tilespmem:$0x11F00] =	vst v63  }
0x1c0: {  	_ =	swait.ge [sflag:s6], $0x2800  }
0x1c1: {  	[sflag:s6] =	ssyncset.done $0x0  }
0x1c2: {  	[sflag:s6] =	ssyncadd.s32 $0xFFFFD800  }
0x1c3: {  	[bflag:$0x0] =	sbarrier.arrive $0xFFFF  }
0x1c4: {  	[tilespmem:s9], [sflag:$0x1] =	stream.indirect.gather [hbm4b:s3+s7], $0x20, s30, s7, $0xb8;
	[tilespmem:$0x11F00] =	vst v63  }
0x1c5: {  	_ =	swait.ge [sflag:s11], $0x4000  }
0x1c6: {  	[sflag:s11] =	ssyncset.done $0x0  }
0x1c7: {  	[sflag:s11] =	ssyncadd.s32 $0xFFFFC000  }
0x1c8: {  	[tilespmem:s8], [sflag:$0x2] =	stream.indirect.gather [hbm4b:s3+s7], $0x20, s7, s7, $0xb8;
	[tilespmem:$0x11F00] =	vst v63  }
0x1c9: {  	_ = 	snop  }
0x1ca: {  	[spmem:s2] =	stream.indirect.scatter.add.f32 [tilespmem:s9], [sflag:$0x3], $0x20, s31, s7, $0xb8;
	[tilespmem:$0x11F00] =	vst v63  }
0x1cb: {  	_ =	swait.ge [sflag:s6], $0x4000  }
0x1cc: {  	[sflag:s6] =	ssyncset.done $0x0  }
0x1cd: {  	[sflag:s6] =	ssyncadd.s32 $0xFFFFC000  }
0x1ce: {  	_ =	swait.ge [sflag:s10], $0x4000  }
0x1cf: {  	[sflag:s10] =	ssyncset.done $0x0  }
0x1d0: {  	s31 =	rddreg [dreg:$0x7];
	[sflag:s10] =	ssyncadd.s32 $0xFFFFC000  }
0x1d1: {  	[tilespmem:s9], [sflag:$0x1] =	stream.indirect.gather [hbm4b:s3+s7], $0x20, s31, s7, $0xb8;
	[tilespmem:$0x11F00] =	vst v63  }
0x1d2: {  	s1 =	rddreg [dreg:$0x8]  }
0x1d3: {  	[spmem:s2] =	stream.indirect.scatter.add.f32 [tilespmem:s8], [sflag:$0x3], $0x20, s1, s7, $0xb8;
	[tilespmem:$0x11F00] =	vst v63  }
0x1d4: {  	_ =	swait.ge [sflag:s6], $0x4000  }
0x1d5: {  	[sflag:s6] =	ssyncset.done $0x0  }
0x1d6: {  	[sflag:s6] =	ssyncadd.s32 $0xFFFFC000  }
0x1d7: {  	_ =	swait.ge [sflag:s11], $0x4000  }
0x1d8: {  	[sflag:s11] =	ssyncset.done $0x0  }
0x1d9: {  	s30 =	rddreg [dreg:$0x9];
	[sflag:s11] =	ssyncadd.s32 $0xFFFFC000  }
0x1da: {  	[tilespmem:s8], [sflag:$0x2] =	stream.indirect.gather [hbm4b:s3+s7], $0x20, s30, s7, $0xb8;
	[tilespmem:$0x11F00] =	vst v63  }
0x1db: {  	s31 =	rddreg [dreg:$0xa]  }
0x1dc: {  	[spmem:s2] =	stream.indirect.scatter.add.f32 [tilespmem:s9], [sflag:$0x3], $0x20, s31, s7, $0xb8;
	[tilespmem:$0x11F00] =	vst v63  }
0x1dd: {  	_ =	swait.ge [sflag:s6], $0x4000  }
0x1de: {  	[sflag:s6] =	ssyncset.done $0x0  }
0x1df: {  	[sflag:s6] =	ssyncadd.s32 $0xFFFFC000  }
0x1e0: {  	_ =	swait.ge [sflag:s10], $0x4000  }
0x1e1: {  	[sflag:s10] =	ssyncset.done $0x0  }
0x1e2: {  	s30 =	rddreg [dreg:$0xb];
	[sflag:s10] =	ssyncadd.s32 $0xFFFFC000  }
0x1e3: {  	[tilespmem:s9], [sflag:$0x1] =	stream.indirect.gather [hbm4b:s3+s7], $0x20, s30, s7, $0xb8;
	[tilespmem:$0x11F00] =	vst v63  }
0x1e4: {  	s31 =	rddreg [dreg:$0xc]  }
0x1e5: {  	[spmem:s2] =	stream.indirect.scatter.add.f32 [tilespmem:s8], [sflag:$0x3], $0x20, s31, s7, $0xb8;
	[tilespmem:$0x11F00] =	vst v63  }
0x1e6: {  	_ =	swait.ge [sflag:s6], $0x4000  }
0x1e7: {  	[sflag:s6] =	ssyncset.done $0x0  }
0x1e8: {  	[sflag:s6] =	ssyncadd.s32 $0xFFFFC000  }
0x1e9: {  	_ =	swait.ge [sflag:s11], $0x4000  }
0x1ea: {  	[sflag:s11] =	ssyncset.done $0x0  }
0x1eb: {  	s30 =	rddreg [dreg:$0xd];
	[sflag:s11] =	ssyncadd.s32 $0xFFFFC000  }
0x1ec: {  	[tilespmem:s8], [sflag:$0x2] =	stream.indirect.gather [hbm4b:s3+s7], $0x20, s30, s7, $0xb8;
	[tilespmem:$0x11F00] =	vst v63  }
0x1ed: {  	s31 =	rddreg [dreg:$0xe]  }
0x1ee: {  	[spmem:s2] =	stream.indirect.scatter.add.f32 [tilespmem:s9], [sflag:$0x3], $0x20, s31, s7, $0xb8;
	[tilespmem:$0x11F00] =	vst v63  }
0x1ef: {  	_ =	swait.ge [sflag:s6], $0x4000  }
0x1f0: {  	[sflag:s6] =	ssyncset.done $0x0  }
0x1f1: {  	[sflag:s6] =	ssyncadd.s32 $0xFFFFC000  }
0x1f2: {  	_ =	swait.ge [sflag:s10], $0x4000  }
0x1f3: {  	[sflag:s10] =	ssyncset.done $0x0  }
0x1f4: {  	s30 =	rddreg [dreg:$0xf];
	[sflag:s10] =	ssyncadd.s32 $0xFFFFC000  }
0x1f5: {  	[tilespmem:s9], [sflag:$0x1] =	stream.indirect.gather [hbm4b:s3+s7], $0x20, s30, s7, $0xb8;
	[tilespmem:$0x11F00] =	vst v63  }
0x1f6: {  	s31 =	rddreg [dreg:$0x10]  }
0x1f7: {  	[spmem:s2] =	stream.indirect.scatter.add.f32 [tilespmem:s8], [sflag:$0x3], $0x20, s31, s7, $0xb8;
	[tilespmem:$0x11F00] =	vst v63  }
0x1f8: {  	_ =	swait.ge [sflag:s6], $0x4000  }
0x1f9: {  	[sflag:s6] =	ssyncset.done $0x0  }
0x1fa: {  	[sflag:s6] =	ssyncadd.s32 $0xFFFFC000  }
0x1fb: {  	_ =	swait.ge [sflag:s11], $0x4000  }
0x1fc: {  	[sflag:s11] =	ssyncset.done $0x0  }
0x1fd: {  	s30 =	rddreg [dreg:$0x11];
	[sflag:s11] =	ssyncadd.s32 $0xFFFFC000  }
0x1fe: {  	[tilespmem:s8], [sflag:$0x2] =	stream.indirect.gather [hbm4b:s3+s7], $0x20, s30, s7, $0xb8;
	[tilespmem:$0x11F00] =	vst v63  }
0x1ff: {  	s31 =	rddreg [dreg:$0x12]  }
0x200: {  	[spmem:s2] =	stream.indirect.scatter.add.f32 [tilespmem:s9], [sflag:$0x3], $0x20, s31, s7, $0xb8;
	[tilespmem:$0x11F00] =	vst v63  }
0x201: {  	_ =	swait.ge [sflag:s6], $0x4000  }
0x202: {  	[sflag:s6] =	ssyncset.done $0x0  }
0x203: {  	[sflag:s6] =	ssyncadd.s32 $0xFFFFC000  }
0x204: {  	_ =	swait.ge [sflag:s10], $0x4000  }
0x205: {  	[sflag:s10] =	ssyncset.done $0x0  }
0x206: {  	s30 =	rddreg [dreg:$0x13];
	[sflag:s10] =	ssyncadd.s32 $0xFFFFC000  }
0x207: {  	[tilespmem:s9], [sflag:$0x1] =	stream.indirect.gather [hbm4b:s3+s7], $0x20, s30, s7, $0xb8;
	[tilespmem:$0x11F00] =	vst v63  }
0x208: {  	s31 =	rddreg [dreg:$0x14]  }
0x209: {  	[spmem:s2] =	stream.indirect.scatter.add.f32 [tilespmem:s8], [sflag:$0x3], $0x20, s31, s7, $0xb8;
	[tilespmem:$0x11F00] =	vst v63  }
0x20a: {  	_ =	swait.ge [sflag:s6], $0x4000  }
0x20b: {  	[sflag:s6] =	ssyncset.done $0x0  }
0x20c: {  	[sflag:s6] =	ssyncadd.s32 $0xFFFFC000  }
0x20d: {  	_ =	swait.ge [sflag:s11], $0x4000  }
0x20e: {  	[sflag:s11] =	ssyncset.done $0x0  }
0x20f: {  	s30 =	rddreg [dreg:$0x15];
	[sflag:s11] =	ssyncadd.s32 $0xFFFFC000  }
0x210: {  	[tilespmem:s8], [sflag:$0x2] =	stream.indirect.gather [hbm4b:s3+s7], $0x20, s30, s7, $0xb8;
	[tilespmem:$0x11F00] =	vst v63  }
0x211: {  	s31 =	rddreg [dreg:$0x16]  }
0x212: {  	[spmem:s2] =	stream.indirect.scatter.add.f32 [tilespmem:s9], [sflag:$0x3], $0x20, s31, s7, $0xb8;
	[tilespmem:$0x11F00] =	vst v63  }
0x213: {  	_ =	swait.ge [sflag:s6], $0x4000  }
0x214: {  	[sflag:s6] =	ssyncset.done $0x0  }
0x215: {  	[sflag:s6] =	ssyncadd.s32 $0xFFFFC000  }
0x216: {  	_ =	swait.ge [sflag:s10], $0x4000  }
0x217: {  	[sflag:s10] =	ssyncset.done $0x0  }
0x218: {  	s30 =	rddreg [dreg:$0x17];
	[sflag:s10] =	ssyncadd.s32 $0xFFFFC000  }
0x219: {  	[tilespmem:s9], [sflag:$0x1] =	stream.indirect.gather [hbm4b:s3+s7], $0x20, s30, s7, $0xb8;
	[tilespmem:$0x11F00] =	vst v63  }
0x21a: {  	s31 =	rddreg [dreg:$0x18]  }
0x21b: {  	[spmem:s2] =	stream.indirect.scatter.add.f32 [tilespmem:s8], [sflag:$0x3], $0x20, s31, s7, $0xb8;
	[tilespmem:$0x11F00] =	vst v63  }
0x21c: {  	_ =	swait.ge [sflag:s6], $0x4000  }
0x21d: {  	[sflag:s6] =	ssyncset.done $0x0  }
0x21e: {  	[sflag:s6] =	ssyncadd.s32 $0xFFFFC000  }
0x21f: {  	_ =	swait.ge [sflag:s11], $0x4000  }
0x220: {  	[sflag:s11] =	ssyncset.done $0x0  }
0x221: {  	s30 =	rddreg [dreg:$0x19];
	[sflag:s11] =	ssyncadd.s32 $0xFFFFC000  }
0x222: {  	[tilespmem:s8], [sflag:$0x2] =	stream.indirect.gather [hbm4b:s3+s7], $0x20, s30, s7, $0xb8;
	[tilespmem:$0x11F00] =	vst v63  }
0x223: {  	s31 =	rddreg [dreg:$0x1a]  }
0x224: {  	[spmem:s2] =	stream.indirect.scatter.add.f32 [tilespmem:s9], [sflag:$0x3], $0x20, s31, s7, $0xb8;
	[tilespmem:$0x11F00] =	vst v63  }
0x225: {  	_ =	swait.ge [sflag:s6], $0x4000  }
0x226: {  	[sflag:s6] =	ssyncset.done $0x0  }
0x227: {  	[sflag:s6] =	ssyncadd.s32 $0xFFFFC000  }
0x228: {  	_ =	swait.ge [sflag:s10], $0x4000  }
0x229: {  	[sflag:s10] =	ssyncset.done $0x0  }
0x22a: {  	[sflag:s10] =	ssyncadd.s32 $0xFFFFC000  }
0x22b: {  	[tilespmem:s9], [sflag:$0x1] =	stream.indirect.gather [hbm4b:s3+s7], $0x20, s29, s7, $0xb8;
	[tilespmem:$0x11F00] =	vst v63  }
0x22c: {  	_ = 	snop  }
0x22d: {  	[spmem:s2] =	stream.indirect.scatter.add.f32 [tilespmem:s8], [sflag:$0x3], $0x20, s13, s7, $0xb8;
	[tilespmem:$0x11F00] =	vst v63  }
0x22e: {  	_ =	swait.ge [sflag:s6], $0x4000  }
0x22f: {  	[sflag:s6] =	ssyncset.done $0x0  }
0x230: {  	[sflag:s6] =	ssyncadd.s32 $0xFFFFC000  }
0x231: {  	_ =	swait.ge [sflag:s11], $0x4000  }
0x232: {  	[sflag:s11] =	ssyncset.done $0x0  }
0x233: {  	[sflag:s11] =	ssyncadd.s32 $0xFFFFC000  }
0x234: {  	[tilespmem:s8], [sflag:$0x2] =	stream.indirect.gather [hbm4b:s3+s7], $0x20, s26, s7, $0xb8;
	[tilespmem:$0x11F00] =	vst v63  }
0x235: {  	_ = 	snop  }
0x236: {  	[spmem:s2] =	stream.indirect.scatter.add.f32 [tilespmem:s9], [sflag:$0x3], $0x20, s28, s7, $0xb8;
	[tilespmem:$0x11F00] =	vst v63  }
0x237: {  	_ =	swait.ge [sflag:s6], $0x4000  }
0x238: {  	[sflag:s6] =	ssyncset.done $0x0  }
0x239: {  	[sflag:s6] =	ssyncadd.s32 $0xFFFFC000  }
0x23a: {  	_ =	swait.ge [sflag:s10], $0x4000  }
0x23b: {  	[sflag:s10] =	ssyncset.done $0x0  }
0x23c: {  	[sflag:s10] =	ssyncadd.s32 $0xFFFFC000  }
0x23d: {  	[tilespmem:s9], [sflag:$0x1] =	stream.indirect.gather [hbm4b:s3+s7], $0x20, s24, s7, $0xb8;
	[tilespmem:$0x11F00] =	vst v63  }
0x23e: {  	_ = 	snop  }
0x23f: {  	[spmem:s2] =	stream.indirect.scatter.add.f32 [tilespmem:s8], [sflag:$0x3], $0x20, s25, s7, $0xb8;
	[tilespmem:$0x11F00] =	vst v63  }
0x240: {  	_ =	swait.ge [sflag:s6], $0x4000  }
0x241: {  	[sflag:s6] =	ssyncset.done $0x0  }
0x242: {  	[sflag:s6] =	ssyncadd.s32 $0xFFFFC000  }
0x243: {  	_ =	swait.ge [sflag:s11], $0x4000  }
0x244: {  	[sflag:s11] =	ssyncset.done $0x0  }
0x245: {  	[sflag:s11] =	ssyncadd.s32 $0xFFFFC000  }
0x246: {  	[tilespmem:s8], [sflag:$0x2] =	stream.indirect.gather [hbm4b:s3+s7], $0x20, s22, s7, $0xb8;
	[tilespmem:$0x11F00] =	vst v63  }
0x247: {  	_ = 	snop  }
0x248: {  	[spmem:s2] =	stream.indirect.scatter.add.f32 [tilespmem:s9], [sflag:$0x3], $0x20, s23, s7, $0xb8;
	[tilespmem:$0x11F00] =	vst v63  }
0x249: {  	_ =	swait.ge [sflag:s6], $0x4000  }
0x24a: {  	[sflag:s6] =	ssyncset.done $0x0  }
0x24b: {  	[sflag:s6] =	ssyncadd.s32 $0xFFFFC000  }
0x24c: {  	_ =	swait.ge [sflag:s10], $0x4000  }
0x24d: {  	[sflag:s10] =	ssyncset.done $0x0  }
0x24e: {  	[sflag:s10] =	ssyncadd.s32 $0xFFFFC000  }
0x24f: {  	[tilespmem:s9], [sflag:$0x1] =	stream.indirect.gather [hbm4b:s3+s7], $0x20, s20, s7, $0xb8;
	[tilespmem:$0x11F00] =	vst v63  }
0x250: {  	_ = 	snop  }
0x251: {  	[spmem:s2] =	stream.indirect.scatter.add.f32 [tilespmem:s8], [sflag:$0x3], $0x20, s21, s7, $0xb8;
	[tilespmem:$0x11F00] =	vst v63  }
0x252: {  	_ =	swait.ge [sflag:s6], $0x4000  }
0x253: {  	[sflag:s6] =	ssyncset.done $0x0  }
0x254: {  	[sflag:s6] =	ssyncadd.s32 $0xFFFFC000  }
0x255: {  	_ =	swait.ge [sflag:s11], $0x4000  }
0x256: {  	[sflag:s11] =	ssyncset.done $0x0  }
0x257: {  	[sflag:s11] =	ssyncadd.s32 $0xFFFFC000  }
0x258: {  	[tilespmem:s8], [sflag:$0x2] =	stream.indirect.gather [hbm4b:s3+s7], $0x20, s18, s7, $0xb8;
	[tilespmem:$0x11F00] =	vst v63  }
0x259: {  	_ = 	snop  }
0x25a: {  	[spmem:s2] =	stream.indirect.scatter.add.f32 [tilespmem:s9], [sflag:$0x3], $0x20, s19, s7, $0xb8;
	[tilespmem:$0x11F00] =	vst v63  }
0x25b: {  	_ =	swait.ge [sflag:s6], $0x4000  }
0x25c: {  	[sflag:s6] =	ssyncset.done $0x0  }
0x25d: {  	[sflag:s6] =	ssyncadd.s32 $0xFFFFC000  }
0x25e: {  	_ =	swait.ge [sflag:s10], $0x4000  }
0x25f: {  	[sflag:s10] =	ssyncset.done $0x0  }
0x260: {  	[sflag:s10] =	ssyncadd.s32 $0xFFFFC000  }
0x261: {  	[tilespmem:s9], [sflag:$0x1] =	stream.indirect.gather [hbm4b:s3+s7], $0x20, s16, s7, $0xb8;
	[tilespmem:$0x11F00] =	vst v63  }
0x262: {  	_ = 	snop  }
0x263: {  	[spmem:s2] =	stream.indirect.scatter.add.f32 [tilespmem:s8], [sflag:$0x3], $0x20, s17, s7, $0xb8;
	[tilespmem:$0x11F00] =	vst v63  }
0x264: {  	_ =	swait.ge [sflag:s6], $0x4000  }
0x265: {  	[sflag:s6] =	ssyncset.done $0x0  }
0x266: {  	[sflag:s6] =	ssyncadd.s32 $0xFFFFC000  }
0x267: {  	_ =	swait.ge [sflag:s11], $0x4000  }
0x268: {  	[sflag:s11] =	ssyncset.done $0x0  }
0x269: {  	[sflag:s11] =	ssyncadd.s32 $0xFFFFC000  }
0x26a: {  	[tilespmem:s8], [sflag:$0x2] =	stream.indirect.gather [hbm4b:s3+s7], $0x20, s14, s7, $0xb8;
	[tilespmem:$0x11F00] =	vst v63  }
0x26b: {  	_ = 	snop  }
0x26c: {  	[spmem:s2] =	stream.indirect.scatter.add.f32 [tilespmem:s9], [sflag:$0x3], $0x20, s15, s7, $0xb8;
	[tilespmem:$0x11F00] =	vst v63  }
0x26d: {  	_ =	swait.ge [sflag:s6], $0x4000  }
0x26e: {  	[sflag:s6] =	ssyncset.done $0x0  }
0x26f: {  	[sflag:s6] =	ssyncadd.s32 $0xFFFFC000  }
0x270: {  	_ =	swait.ge [sflag:s10], $0x4000  }
0x271: {  	[sflag:s10] =	ssyncset.done $0x0  }
0x272: {  	s30 =	simm.s32 $0x4E00;
	[sflag:s10] =	ssyncadd.s32 $0xFFFFC000  }
0x273: {  	[spmem:s2] =	stream.indirect.scatter.add.f32 [tilespmem:s8], [sflag:$0x3], $0x20, s30, s7, $0xb8;
	[tilespmem:$0x11F00] =	vst v63  }
0x274: {  	_ =	swait.ge [sflag:s6], $0x4000  }
0x275: {  	[sflag:s6] =	ssyncset.done $0x0  }
0x276: {  	[sflag:s6] =	ssyncadd.s32 $0xFFFFC000  }
0x277: {  	[bflag:$0x0] =	sbarrier.arrive $0xFFFF  }
0x278: {  	s31 =	rddreg [dreg:$0x6]  }
0x279: {  	[hbm:s31], [sflag:s4] =	dma.local [spmem:s5], $0x9E0  }
0x27a: {  	_ =	swait.ge [sflag:s6], $0x9E0  }
0x27b: {  	[sflag:s6] =	ssyncset.done $0x0  }
0x27c: {  	[sflag:s6] =	ssyncadd.s32 $0xFFFFF620  }
0x27d: {  	_ =	sfence.sel $0x180000  }
0x27e: {  	[bflag:$0x0] =	sbarrier.arrive $0xFFFF  }
0x27f: {  	_ =	strace $0x90000047  }
0x280: {  	[bflag:$0x2] =	sbarrier.arrive $0xFFFF  }
0x281: {  	p0 =	sne.s32 s12, $0x0;
	s0 =	rddreg [dreg:$0x2]  }
0x282: {  	s0 =	sadd.s32 @!p0 $0x100000, s0  }
0x283: {  	[sflag:s0] =	ssyncadd.tile.s32 @!p0 $0x1;
	_ =	shalt  }
.LBB2_1:
0x284: {  	s13 =	simm.s32 $0x3E00;
	s29 =	simm.s32 $0x1800  }
.Ltmp3:
0x285: {  	s28 =	simm.s32 $0x4000;
	s26 =	simm.s32 $0x1A00;
	(pc) =	sbr.rel .LBB2_6-.Ltmp3, $4  }
0x286: {  	s25 =	simm.s32 $0x4200;
	s24 =	simm.s32 $0x1C00;
	s23 =	simm.s32 $0x4400  }
0x287: {  	s22 =	simm.s32 $0x1E00;
	s21 =	simm.s32 $0x4600;
	s20 =	simm.s32 $0x2000  }
0x288: {  	s19 =	simm.s32 $0x4800;
	s18 =	simm.s32 $0x2200;
	s17 =	simm.s32 $0x4A00  }
0x289: {  	s16 =	simm.s32 $0x2400;
	s15 =	simm.s32 $0x4C00;
	s14 =	simm.s32 $0x2600  }
.LBB2_3:
0x28a: {  	s13 =	simm.s32 $0x3E00;
	s29 =	simm.s32 $0x1800;
	s28 =	simm.s32 $0x4000  }
.Ltmp4:
0x28b: {  	s26 =	simm.s32 $0x1A00;
	s25 =	simm.s32 $0x4200;
	(pc) =	sbr.rel .LBB2_6-.Ltmp4, $4  }
0x28c: {  	s24 =	simm.s32 $0x1C00;
	s23 =	simm.s32 $0x4400;
	s22 =	simm.s32 $0x1E00  }
0x28d: {  	s21 =	simm.s32 $0x4600;
	s20 =	simm.s32 $0x2000;
	s19 =	simm.s32 $0x4800  }
0x28e: {  	s18 =	simm.s32 $0x2200;
	s17 =	simm.s32 $0x4A00;
	s16 =	simm.s32 $0x2400  }
0x28f: {  	s15 =	simm.s32 $0x4C00;
	s14 =	simm.s32 $0x2600;
	s12 =	stileid.u32  }
.Lfunc_end2:
_tile_overlayer_lowered:
.L_overlay_start_2:
0x290: {  	(tag) =	ssettag $0x2  }
0x291: {  	s0 =	rddreg [dreg:$0x0];
	s2 =	stileid.u32  }
0x292: {  	s1 =	rddreg [dreg:$0x1];
	p0 =	sne.s32 s2, $0x0  }
0x293: {  	s3 =	rddreg [dreg:$0x2];
	[bflag:$0x3] =	sbarrier.arrive $0xFFFF;
	s2 =	simm.s32 @!p0 $0x1C03  }
0x294: {  	[timem:s3], [sflag:s2] =	dma.local @!p0 [hbm:s0], s1  }
0x295: {  	s0 =	simm.s32 @!p0 $0x3  }
0x296: {  	_ =	swait.ge @!p0 [sflag:s0], s1  }
0x297: {  	s1 =	ssub.s32 @!p0 $0x0, s1;
	[sflag:s0] =	ssyncset.done @!p0 $0x0  }
0x298: {  	[sflag:s0] =	ssyncadd.s32 @!p0 s1  }
0x299: {  	[bflag:$0x3] =	sbarrier.arrive $0xFFFF  }
0x29a: {  	_ =	shalt  }

</sc_bundles>
